<compile_context>
chip_gen: v7x
topology: tpu7x:2x2x1
jax: 0.10.2.dev20260603
libtpu: 0.0.44.dev20260713+nightly
codegen_flags: <defaults>
</compile_context>

<pallas_src>
import numpy as np
import jax
import jax.numpy as jnp
from jax.experimental import pallas as pl
from jax.experimental.pallas import tpu as pltpu

D = 128
ODIM = 20
NHEADS = 8
DH = 16
NB = 2
NPB = 20000
N = NB * NPB
C1, C2, C3 = 9, 9, 2
PER_B = C1 * C2 * C3
U = NB * PER_B
UP = 384
T = 320
NT = N // T
TEMPERATURE = 10000.0
SPT = (360.0, 360.0, 32.0)
RATIO = (40.0, 40.0, 16.0)
NEG = -1e30


def _posenc_tables():
    cdim = ((D // 3) // 2) * 2
    cdims = [cdim] * 3
    cdims[0] += D - cdim * 3
    F = np.zeros((3, D), np.float32)
    P = np.zeros((1, D), np.float32)
    off = 0
    for d in range(3):
        cd = cdims[d]
        dim_t = TEMPERATURE ** (2.0 * np.arange(cd // 2) / cd)
        f = 2.0 * np.pi / (SPT[d] * dim_t)
        F[d, off:off + cd:2] = f
        F[d, off + 1:off + cd:2] = f
        P[0, off + 1:off + cd:2] = np.pi / 2.0
        off += cd
    return F, P


_F_NP, _P_NP = _posenc_tables()


def _posenc(x1, x2, x3, f_ref, p_ref):
    ang = (x1 * f_ref[0:1, :] + x2 * f_ref[1:2, :] + x3 * f_ref[2:3, :]
           + p_ref[0:1, :])
    return jnp.sin(ang)


def _k1_body(sfeat_ref, sseg_ref, scd_ref, we_ref, be_ref,
             scan_out, carry_sc, cseg_sc):
    i = pl.program_id(0)

    @pl.when(i == 0)
    def _init():
        carry_sc[:] = jnp.concatenate(
            [jnp.full((1, D), NEG, jnp.float32),
             jnp.zeros((1, 3 * D), jnp.float32)], axis=1)
        cseg_sc[:] = jnp.full((1, 8), -1.0, jnp.float32)

    x = jnp.dot(sfeat_ref[:], we_ref[:],
                preferred_element_type=jnp.float32) + be_ref[0:1, :]
    c1 = jnp.broadcast_to(scd_ref[:, 0:1], (T, D))
    c2 = jnp.broadcast_to(scd_ref[:, 1:2], (T, D))
    c3 = jnp.broadcast_to(scd_ref[:, 2:3], (T, D))
    pk = jnp.concatenate([x, c1, c2, c3], axis=1)
    seg = sseg_ref[:, 0:1]

    ext = jnp.concatenate([carry_sc[:], pk], axis=0)
    sege = jnp.concatenate([cseg_sc[0:1, 0:1], seg], axis=0)

    k = 1
    while k <= T:
        earlier = ext[:-k]
        later = ext[k:]
        eq = sege[k:] == sege[:-k]
        m = later[:, 0:D] > earlier[:, 0:D]
        mf = jnp.concatenate([m, m, m, m], axis=1)
        sel_later = mf | jnp.logical_not(eq)
        new = jnp.where(sel_later, later, earlier)
        ext = jnp.concatenate([ext[:k], new], axis=0)
        k *= 2

    scan_out[:] = ext[1:]
    carry_sc[:] = ext[T:T + 1]
    cseg_sc[:] = jnp.broadcast_to(seg[T - 1:T, 0:1], (1, 8))


def _k2_body(feat_ref, cf_ref, segrows_ref, valid_ref, bias_ref,
             wp_ref, bp_ref, wq_ref, bq_ref, wk_ref, bk_ref,
             wv_ref, bv_ref, wo_ref, bo_ref, lg_ref, lb_ref,
             ws_ref, f_ref, p_ref,
             proj_out, kv_sc):
    i = pl.program_id(0)

    @pl.when(i == 0)
    def _kv():
        sm = segrows_ref[:, 0:D]
        inv_d = 1.0 / D
        ec1 = jnp.sum(segrows_ref[:, D:2 * D], axis=1, keepdims=True) * inv_d * RATIO[0]
        ec2 = jnp.sum(segrows_ref[:, 2 * D:3 * D], axis=1, keepdims=True) * inv_d * RATIO[1]
        ec3 = jnp.sum(segrows_ref[:, 3 * D:4 * D], axis=1, keepdims=True) * inv_d * RATIO[2]
        pe = _posenc(ec1, ec2, ec3, f_ref, p_ref)
        embf = jnp.where(valid_ref[:, 0:1] > 0.0, sm + pe, 0.0)
        kv_sc[:, 0:D] = jnp.dot(embf, wk_ref[:],
                                preferred_element_type=jnp.float32) + bk_ref[0:1, :]
        kv_sc[:, D:2 * D] = jnp.dot(embf, wv_ref[:],
                                    preferred_element_type=jnp.float32) + bv_ref[0:1, :]

    x = feat_ref[:]
    pf = jnp.dot(x, wp_ref[:], preferred_element_type=jnp.float32) + bp_ref[0:1, :]
    pf = pf + _posenc(cf_ref[:, 0:1], cf_ref[:, 1:2], cf_ref[:, 2:3], f_ref, p_ref)
    q = jnp.dot(pf, wq_ref[:], preferred_element_type=jnp.float32) + bq_ref[0:1, :]

    gidx = i * T + jax.lax.broadcasted_iota(jnp.int32, (T, 1), 0)
    pb = (gidx // NPB).astype(jnp.float32)
    u_row = jax.lax.broadcasted_iota(jnp.int32, (1, UP), 1)
    segb = (u_row // PER_B).astype(jnp.float32)
    bmask = (segb == pb) & (bias_ref[0:1, :] > 0.0)
    addmask = jnp.where(bmask, 0.0, NEG)

    scale = 1.0 / np.sqrt(DH)
    kmat = kv_sc[:, 0:D]
    vmat = kv_sc[:, D:2 * D]
    heads = []
    for h in range(NHEADS):
        qh = q[:, h * DH:(h + 1) * DH]
        kh = kmat[:, h * DH:(h + 1) * DH]
        vh = vmat[:, h * DH:(h + 1) * DH]
        lg = jax.lax.dot_general(qh, kh, (((1,), (1,)), ((), ())),
                                 preferred_element_type=jnp.float32) * scale
        lg = lg + addmask
        lmax = jnp.max(lg, axis=1, keepdims=True)
        ex = jnp.exp(lg - lmax)
        att = ex / jnp.sum(ex, axis=1, keepdims=True)
        heads.append(jnp.dot(att, vh, preferred_element_type=jnp.float32))
    o = jnp.concatenate(heads, axis=1)
    o = jnp.dot(o, wo_ref[:], preferred_element_type=jnp.float32) + bo_ref[0:1, :]
    o = pf + o
    mu = jnp.mean(o, axis=1, keepdims=True)
    dif = o - mu
    var = jnp.mean(dif * dif, axis=1, keepdims=True)
    mhca = dif * jax.lax.rsqrt(var + 1e-5) * lg_ref[0:1, :] + lb_ref[0:1, :]
    vf = x + mhca
    proj_out[:] = jnp.dot(vf, ws_ref[:], preferred_element_type=jnp.float32)


def kernel(features, indices, batch_size, Wpool, bpool, Wemb, bemb, Wq, bq,
           Wk, bk, Wv, bv, Wo, bo, ln_g, ln_b, Wseg, bseg):
    c = indices.astype(jnp.int32)
    ratio = jnp.asarray(np.array([1, 40, 40, 16], np.int32))
    cd = c // ratio
    seg_key = ((cd[:, 0] * C1 + cd[:, 1]) * C2 + cd[:, 2]) * C3 + cd[:, 3]

    G1, G2, G3 = 360, 360, 32
    flat = ((c[:, 0] * G1 + c[:, 1]) * G2 + c[:, 2]) * G3 + c[:, 3]
    grid0 = jnp.full((NB * G1 * G2 * G3,), -1, jnp.int32)
    grid0 = grid0.at[flat].set(jnp.arange(N, dtype=jnp.int32))
    offs = np.array([(dz, dy, dx)
                     for dz in (-1, 0, 1) for dy in (-1, 0, 1)
                     for dx in (-1, 0, 1)], np.int32)
    nc = c[None, :, 1:4] + offs[:, None, :]
    inb = jnp.all((nc >= 0) & (nc < np.array([G1, G2, G3], np.int32)), axis=2)
    nflat = ((c[None, :, 0] * G1 + nc[:, :, 0]) * G2 + nc[:, :, 1]) * G3 + nc[:, :, 2]
    nflat = jnp.where(inb, nflat, 0)
    looked = grid0[nflat]
    nvalid = inb & (looked >= 0)
    nidx = jnp.where(nvalid, looked, 0)

    sort_idx = jnp.argsort(seg_key)
    sseg = seg_key[sort_idx]
    sfeat = features[sort_idx]
    scd = jnp.pad(cd[sort_idx][:, 1:4].astype(jnp.float32), ((0, 0), (0, 5)))
    ssegf = jnp.pad(sseg.astype(jnp.float32)[:, None], ((0, 0), (0, 7)))

    f_tab = jnp.asarray(_F_NP)
    p_tab = jnp.asarray(_P_NP)
    ws_all = jnp.transpose(Wseg, (1, 0, 2)).reshape(D, 27 * ODIM)

    def row2(v):
        return v.reshape(1, D)

    scanned = pl.pallas_call(
        _k1_body,
        grid=(NT,),
        in_specs=[
            pl.BlockSpec((T, D), lambda i: (i, 0)),
            pl.BlockSpec((T, 8), lambda i: (i, 0)),
            pl.BlockSpec((T, 8), lambda i: (i, 0)),
            pl.BlockSpec((D, D), lambda i: (0, 0)),
            pl.BlockSpec((1, D), lambda i: (0, 0)),
        ],
        out_specs=pl.BlockSpec((T, 4 * D), lambda i: (i, 0)),
        out_shape=jax.ShapeDtypeStruct((N, 4 * D), jnp.float32),
        scratch_shapes=[
            pltpu.VMEM((1, 4 * D), jnp.float32),
            pltpu.VMEM((1, 8), jnp.float32),
        ],
    )(sfeat, ssegf, scd, Wemb, row2(bemb))

    uu = jnp.arange(U, dtype=jnp.int32)
    left = jnp.searchsorted(sseg, uu, side='left')
    right = jnp.searchsorted(sseg, uu, side='right')
    valid = (right > left) & (uu // PER_B < jnp.asarray(batch_size, jnp.int32))
    last_pos = jnp.clip(right - 1, 0, N - 1)
    rows = scanned[last_pos]
    rows_p = jnp.pad(rows, ((0, UP - U), (0, 0)))
    validf = jnp.pad(valid.astype(jnp.float32), (0, UP - U))
    valid8 = jnp.broadcast_to(validf[:, None], (UP, 8))
    bias = jnp.broadcast_to(validf[None, :], (8, UP))

    cf = jnp.pad(c[:, 1:4].astype(jnp.float32), ((0, 0), (0, 5)))

    proj = pl.pallas_call(
        _k2_body,
        grid=(NT,),
        in_specs=[
            pl.BlockSpec((T, D), lambda i: (i, 0)),
            pl.BlockSpec((T, 8), lambda i: (i, 0)),
            pl.BlockSpec((UP, 4 * D), lambda i: (0, 0)),
            pl.BlockSpec((UP, 8), lambda i: (0, 0)),
            pl.BlockSpec((8, UP), lambda i: (0, 0)),
            pl.BlockSpec((D, D), lambda i: (0, 0)),
            pl.BlockSpec((1, D), lambda i: (0, 0)),
            pl.BlockSpec((D, D), lambda i: (0, 0)),
            pl.BlockSpec((1, D), lambda i: (0, 0)),
            pl.BlockSpec((D, D), lambda i: (0, 0)),
            pl.BlockSpec((1, D), lambda i: (0, 0)),
            pl.BlockSpec((D, D), lambda i: (0, 0)),
            pl.BlockSpec((1, D), lambda i: (0, 0)),
            pl.BlockSpec((D, D), lambda i: (0, 0)),
            pl.BlockSpec((1, D), lambda i: (0, 0)),
            pl.BlockSpec((1, D), lambda i: (0, 0)),
            pl.BlockSpec((1, D), lambda i: (0, 0)),
            pl.BlockSpec((D, 27 * ODIM), lambda i: (0, 0)),
            pl.BlockSpec((3, D), lambda i: (0, 0)),
            pl.BlockSpec((1, D), lambda i: (0, 0)),
        ],
        out_specs=pl.BlockSpec((T, 27 * ODIM), lambda i: (i, 0)),
        out_shape=jax.ShapeDtypeStruct((N, 27 * ODIM), jnp.float32),
        scratch_shapes=[pltpu.VMEM((UP, 2 * D), jnp.float32)],
    )(features, cf, rows_p, valid8, bias,
      Wpool, row2(bpool), Wq, row2(bq), Wk, row2(bk),
      Wv, row2(bv), Wo, row2(bo), row2(ln_g), row2(ln_b),
      ws_all, f_tab, p_tab)

    g = proj.reshape(N, 27, ODIM)
    cols = jnp.arange(27, dtype=jnp.int32)[:, None]
    gat = g[nidx, cols]
    out = bseg + jnp.sum(jnp.where(nvalid[:, :, None], gat, 0.0), axis=0)
    return out

# --- scband reference (transcript-rebuilt; emitter-appended) ---
"""Pipeline reference for scband-seg-map-pooling-v0-89558658056315 (READ-ONLY COPY).

The authoritative reference and input builder live on the scoring server;
editing this copy changes nothing except your own understanding.
"""

import jax, jax.numpy as jnp
import numpy as np

DIM = 128
OUT_DIM = 20
NUM_HEADS = 8
COMPRESS = np.array([40, 40, 16], dtype=np.int64)
SPATIAL = np.array([360, 360, 32], dtype=np.int64)
BATCH = 2
N_PER_B = 20000
TEMPERATURE = 10000.0


def sine_pos_enc(coords, d_pos, input_range):
    x = coords / jnp.asarray(input_range, jnp.float32)
    x = x * (2.0 * np.pi)
    ndim = coords.shape[1]
    cdim = ((d_pos // ndim) // 2) * 2
    cdims = [cdim] * ndim
    cdims[0] += d_pos - cdim * ndim
    embs = []
    for d in range(ndim):
        cd = cdims[d]
        dim_t = TEMPERATURE ** (2.0 * jnp.arange(cd // 2, dtype=jnp.float32) / cd)
        pos = x[:, d:d + 1] / dim_t[None, :]
        emb = jnp.stack([jnp.sin(pos), jnp.cos(pos)], axis=2).reshape(x.shape[0], cd)
        embs.append(emb)
    return jnp.concatenate(embs, axis=1)


def setup_inputs():
    rng = np.random.default_rng(0)
    ks = jax.random.split(jax.random.key(0), 10)
    ncells = int(SPATIAL[0] * SPATIAL[1] * SPATIAL[2])
    coords_list = []
    for b in range(BATCH):
        flat = rng.choice(ncells, size=N_PER_B, replace=False)
        c1 = flat // int(SPATIAL[1] * SPATIAL[2])
        rem = flat % int(SPATIAL[1] * SPATIAL[2])
        c2 = rem // int(SPATIAL[2])
        c3 = rem % int(SPATIAL[2])
        coords_list.append(np.stack([np.full(N_PER_B, b), c1, c2, c3], axis=1))
    indices = jnp.asarray(np.concatenate(coords_list, 0).astype(np.int32))
    N = BATCH * N_PER_B
    features = jax.random.normal(ks[0], (N, DIM), jnp.float32)

    def lin(k, din, dout):
        return jax.random.normal(k, (din, dout), jnp.float32) / np.sqrt(din), jnp.zeros((dout,), jnp.float32)

    Wpool, bpool = lin(ks[1], DIM, DIM)
    Wemb, bemb = lin(ks[2], DIM, DIM)
    Wq, bq = lin(ks[3], DIM, DIM)
    Wk, bk = lin(ks[4], DIM, DIM)
    Wv, bv = lin(ks[5], DIM, DIM)
    Wo, bo = lin(ks[6], DIM, DIM)
    ln_g = jnp.ones((DIM,), jnp.float32)
    ln_b = jnp.zeros((DIM,), jnp.float32)
    Wseg = jax.random.normal(ks[7], (27, DIM, OUT_DIM), jnp.float32) / np.sqrt(27.0 * DIM)
    bseg = jnp.zeros((OUT_DIM,), jnp.float32)
    return {'features': features, 'indices': indices, 'batch_size': BATCH,
            'Wpool': Wpool, 'bpool': bpool, 'Wemb': Wemb, 'bemb': bemb,
            'Wq': Wq, 'bq': bq, 'Wk': Wk, 'bk': bk, 'Wv': Wv, 'bv': bv,
            'Wo': Wo, 'bo': bo, 'ln_g': ln_g, 'ln_b': ln_b, 'Wseg': Wseg, 'bseg': bseg}


def reference(features, indices, batch_size, Wpool, bpool, Wemb, bemb, Wq, bq, Wk, bk, Wv, bv, Wo, bo, ln_g, ln_b, Wseg, bseg):
    N, D = features.shape
    c = indices.astype(jnp.int32)
    ratio_np = np.concatenate([[1], COMPRESS]).astype(np.int64)
    ratio = jnp.asarray(ratio_np.astype(np.int32))
    cd = c // ratio
    coords_div_f = cd.astype(jnp.float32)
    C1 = int((SPATIAL[0] + COMPRESS[0] - 1) // COMPRESS[0])
    C2 = int((SPATIAL[1] + COMPRESS[1] - 1) // COMPRESS[1])
    C3 = int((SPATIAL[2] + COMPRESS[2] - 1) // COMPRESS[2])
    per_b = C1 * C2 * C3
    U = BATCH * per_b
    seg_key = ((cd[:, 0] * C1 + cd[:, 1]) * C2 + cd[:, 2]) * C3 + cd[:, 3]
    seg_batch = jnp.arange(U, dtype=jnp.int32) // per_b
    seg_count = jax.ops.segment_sum(jnp.ones((N,), jnp.int32), seg_key, num_segments=U)
    seg_valid = (seg_count > 0) & (seg_batch < batch_size)
    d0, d1, d2 = int(SPATIAL[0] + 2), int(SPATIAL[1] + 2), int(SPATIAL[2] + 2)
    keys = ((c[:, 0] * d0 + c[:, 1] + 1) * d1 + c[:, 2] + 1) * d2 + c[:, 3] + 1
    order = jnp.argsort(keys)
    skeys = keys[order]
    nbr_idx, nbr_valid = [], []
    for dz in (-1, 0, 1):
        for dy in (-1, 0, 1):
            for dx in (-1, 0, 1):
                nk = ((c[:, 0] * d0 + c[:, 1] + 1 + dz) * d1 + c[:, 2] + 1 + dy) * d2 + c[:, 3] + 1 + dx
                pos = jnp.clip(jnp.searchsorted(skeys, nk), 0, N - 1)
                nbr_valid.append(skeys[pos] == nk)
                nbr_idx.append(order[pos].astype(jnp.int32))
    pool_batch = c[:, 0]

    pool_feats = features @ Wpool + bpool
    emb0 = features @ Wemb + bemb
    seg_max = jax.ops.segment_max(emb0, seg_key, num_segments=U)
    match = emb0 == seg_max[seg_key]
    cand = jnp.where(match, jnp.arange(N)[:, None], N)
    arg = jax.ops.segment_min(cand, seg_key, num_segments=U)
    arg = jnp.clip(arg, 0, N - 1)
    emb_feats = seg_max
    emb_coords = coords_div_f[arg].mean(axis=1) * jnp.asarray(ratio_np, jnp.float32)
    emb_feats = emb_feats + sine_pos_enc(emb_coords[:, 1:], D, SPATIAL)
    emb_feats = jnp.where(seg_valid[:, None], emb_feats, 0.0)
    pool_feats = pool_feats + sine_pos_enc(coords_div_f[:, 1:] * 0.0 + c[:, 1:].astype(jnp.float32), D, SPATIAL)

    H = NUM_HEADS
    dh = D // H
    q = (pool_feats @ Wq + bq).reshape(-1, H, dh)
    k = (emb_feats @ Wk + bk).reshape(-1, H, dh)
    v = (emb_feats @ Wv + bv).reshape(-1, H, dh)
    logits = jnp.einsum('qhd,khd->hqk', q, k) / np.sqrt(dh)
    qk_mask = seg_valid[None, :] & (seg_batch[None, :] == pool_batch[:, None])
    logits = jnp.where(qk_mask[None, :, :], logits, -jnp.inf)
    att = jax.nn.softmax(logits, axis=-1)
    o = jnp.einsum('hqk,khd->qhd', att, v).reshape(-1, D) @ Wo + bo
    o = pool_feats + o
    mu = o.mean(axis=-1, keepdims=True)
    var = ((o - mu) ** 2).mean(axis=-1, keepdims=True)
    mhca = (o - mu) / jnp.sqrt(var + 1e-5) * ln_g + ln_b

    vf = features + mhca
    out = jnp.zeros((N, OUT_DIM), jnp.float32) + bseg
    for o_i in range(27):
        g = jnp.where(nbr_valid[o_i][:, None], vf[nbr_idx[o_i]], 0.0)
        out = out + g @ Wseg[o_i]
    return out

if __name__ == "__main__":
    import jax
    _d = setup_inputs()
    print(jax.jit(kernel)(*tuple(_d.values())))

</pallas_src>

<mosaic_0001>
module attributes {stable_mosaic.version = 14 : i64} {
  func.func @_k1_body(%arg0: i32, %arg1: memref<320x128xf32, #tpu.memory_space<vmem>>, %arg2: memref<320x8xf32, #tpu.memory_space<vmem>>, %arg3: memref<320x8xf32, #tpu.memory_space<vmem>>, %arg4: memref<128x128xf32, #tpu.memory_space<vmem>>, %arg5: memref<1x128xf32, #tpu.memory_space<vmem>>, %arg6: memref<320x512xf32, #tpu.memory_space<vmem>>, %arg7: memref<1x512xf32, #tpu.memory_space<vmem>>, %arg8: memref<1x8xf32, #tpu.memory_space<vmem>>) attributes {dimension_semantics = [#tpu.dimension_semantics<arbitrary>], iteration_bounds = array<i64: 125>, scalar_prefetch = 0 : i64, scratch_operands = 2 : i64, tpu.core_type = #tpu.core_type<tc>, window_params = [{transform_indices = @transform_0, window_bounds = array<i64: 320, 128>}, {transform_indices = @transform_1, window_bounds = array<i64: 320, 8>}, {transform_indices = @transform_2, window_bounds = array<i64: 320, 8>}, {pipeline_mode = #tpu.pipeline_mode<synchronous>, transform_indices = @transform_3, window_bounds = array<i64: 128, 128>}, {pipeline_mode = #tpu.pipeline_mode<synchronous>, transform_indices = @transform_4, window_bounds = array<i64: 1, 128>}, {transform_indices = @transform_5, window_bounds = array<i64: 320, 512>}]} {
    %eq3A = arith.constant 0 : i32
    %eq3A_0 = arith.cmpi eq, %arg0, %eq3A : i32
    %convert_element_type3A = arith.extui %eq3A_0 : i1 to i32
    %cond3A = arith.constant 0 : i32
    %cond3A_1 = arith.cmpi ne, %convert_element_type3A, %cond3A : i32
    scf.if %cond3A_1 {
      %broadcast_in_dim3A_189 = arith.constant -1.000000e+30 : f32
      %broadcast_in_dim3A_190 = vector.broadcast %broadcast_in_dim3A_189 : f32 to vector<1x128xf32>
      %broadcast_in_dim3A_191 = arith.constant 0.000000e+00 : f32
      %broadcast_in_dim3A_192 = vector.broadcast %broadcast_in_dim3A_191 : f32 to vector<1x384xf32>
      %concatenate3A_193 = tpu.concatenate %broadcast_in_dim3A_190, %broadcast_in_dim3A_192 in 1 : vector<1x128xf32>, vector<1x384xf32> -> vector<1x512xf32>
      %swap3A_194 = arith.constant 0 : index
      %swap3A_195 = arith.constant 0 : index
      %swap3A_196 = vector.load %arg7[%swap3A_194, %swap3A_195] : memref<1x512xf32, #tpu.memory_space<vmem>>, vector<1x512xf32>
      tpu.vector_store %arg7[%swap3A_194, %swap3A_195], %concatenate3A_193 {strides = array<i32>} : memref<1x512xf32, #tpu.memory_space<vmem>>, vector<1x512xf32>,
      %broadcast_in_dim3A_197 = arith.constant -1.000000e+00 : f32
      %broadcast_in_dim3A_198 = vector.broadcast %broadcast_in_dim3A_197 : f32 to vector<1x8xf32>
      %swap3A_199 = arith.constant 0 : index
      %swap3A_200 = arith.constant 0 : index
      %swap3A_201 = vector.load %arg8[%swap3A_199, %swap3A_200] : memref<1x8xf32, #tpu.memory_space<vmem>>, vector<1x8xf32>
      tpu.vector_store %arg8[%swap3A_199, %swap3A_200], %broadcast_in_dim3A_198 {strides = array<i32>} : memref<1x8xf32, #tpu.memory_space<vmem>>, vector<1x8xf32>,
    } else {
    }
    %get3A = arith.constant 0 : index
    %get3A_2 = arith.constant 0 : index
    %get3A_3 = vector.load %arg1[%get3A, %get3A_2] : memref<320x128xf32, #tpu.memory_space<vmem>>, vector<320x128xf32>
    %get3A_4 = arith.constant 0 : index
    %get3A_5 = arith.constant 0 : index
    %get3A_6 = vector.load %arg4[%get3A_4, %get3A_5] : memref<128x128xf32, #tpu.memory_space<vmem>>, vector<128x128xf32>
    %dot_general3A = arith.constant dense<0.000000e+00> : vector<320x128xf32>
    %dot_general3A_7 = tpu.matmul %get3A_3, %get3A_6, %dot_general3A {dimension_numbers = #tpu.dot_dimension_numbers<[1], [0], [0], [1], [0, 0, 1, 1], [], []>, transpose_lhs_hint = false} : vector<320x128xf32>, vector<128x128xf32>, vector<320x128xf32> -> vector<320x128xf32>
    %get3A_8 = arith.constant 0 : index
    %get3A_9 = arith.constant 0 : index
    %get3A_10 = vector.load %arg5[%get3A_8, %get3A_9] : memref<1x128xf32, #tpu.memory_space<vmem>>, vector<1x128xf32>
    %add3A = vector.broadcast %get3A_10 : vector<1x128xf32> to vector<320x128xf32>
    %add3A_11 = arith.addf %dot_general3A_7, %add3A : vector<320x128xf32>
    %get3A_12 = arith.constant 0 : index
    %get3A_13 = arith.constant 0 : index
    %get3A_14 = vector.load %arg3[%get3A_12, %get3A_13] : memref<320x8xf32, #tpu.memory_space<vmem>>, vector<320x1xf32>
    %broadcast_in_dim3A = vector.shape_cast %get3A_14 : vector<320x1xf32> to vector<320x1xf32>
    %broadcast_in_dim3A_15 = vector.broadcast %broadcast_in_dim3A : vector<320x1xf32> to vector<320x128xf32>
    %get3A_16 = arith.constant 0 : index
    %get3A_17 = arith.constant 1 : index
    %get3A_18 = vector.load %arg3[%get3A_16, %get3A_17] : memref<320x8xf32, #tpu.memory_space<vmem>>, vector<320x1xf32>
    %broadcast_in_dim3A_19 = vector.shape_cast %get3A_18 : vector<320x1xf32> to vector<320x1xf32>
    %broadcast_in_dim3A_20 = vector.broadcast %broadcast_in_dim3A_19 : vector<320x1xf32> to vector<320x128xf32>
    %get3A_21 = arith.constant 0 : index
    %get3A_22 = arith.constant 2 : index
    %get3A_23 = vector.load %arg3[%get3A_21, %get3A_22] : memref<320x8xf32, #tpu.memory_space<vmem>>, vector<320x1xf32>
    %broadcast_in_dim3A_24 = vector.shape_cast %get3A_23 : vector<320x1xf32> to vector<320x1xf32>
    %broadcast_in_dim3A_25 = vector.broadcast %broadcast_in_dim3A_24 : vector<320x1xf32> to vector<320x128xf32>
    %concatenate3A = tpu.concatenate %add3A_11, %broadcast_in_dim3A_15, %broadcast_in_dim3A_20, %broadcast_in_dim3A_25 in 1 : vector<320x128xf32>, vector<320x128xf32>, vector<320x128xf32>, vector<320x128xf32> -> vector<320x512xf32>
    %get3A_26 = arith.constant 0 : index
    %get3A_27 = arith.constant 0 : index
    %get3A_28 = vector.load %arg2[%get3A_26, %get3A_27] : memref<320x8xf32, #tpu.memory_space<vmem>>, vector<320x1xf32>
    %get3A_29 = arith.constant 0 : index
    %get3A_30 = arith.constant 0 : index
    %get3A_31 = vector.load %arg7[%get3A_29, %get3A_30] : memref<1x512xf32, #tpu.memory_space<vmem>>, vector<1x512xf32>
    %concatenate3A_32 = tpu.concatenate %get3A_31, %concatenate3A in 0 : vector<1x512xf32>, vector<320x512xf32> -> vector<321x512xf32>
    %get3A_33 = arith.constant 0 : index
    %get3A_34 = arith.constant 0 : index
    %get3A_35 = vector.load %arg8[%get3A_33, %get3A_34] : memref<1x8xf32, #tpu.memory_space<vmem>>, vector<1x1xf32>
    %concatenate3A_36 = tpu.concatenate %get3A_35, %get3A_28 in 0 : vector<1x1xf32>, vector<320x1xf32> -> vector<321x1xf32>
    %slice3A = vector.extract_strided_slice %concatenate3A_32 {offsets = [0, 0], sizes = [320, 512], strides = [1, 1]} : vector<321x512xf32> to vector<320x512xf32>
    %slice3A_37 = vector.extract_strided_slice %concatenate3A_32 {offsets = [1, 0], sizes = [320, 512], strides = [1, 1]} : vector<321x512xf32> to vector<320x512xf32>
    %slice3A_38 = vector.extract_strided_slice %concatenate3A_36 {offsets = [1, 0], sizes = [320, 1], strides = [1, 1]} : vector<321x1xf32> to vector<320x1xf32>
    %slice3A_39 = vector.extract_strided_slice %concatenate3A_36 {offsets = [0, 0], sizes = [320, 1], strides = [1, 1]} : vector<321x1xf32> to vector<320x1xf32>
    %eq3A_40 = arith.cmpf oeq, %slice3A_38, %slice3A_39 : vector<320x1xf32>
    %slice3A_41 = vector.extract_strided_slice %slice3A_37 {offsets = [0, 0], sizes = [320, 128], strides = [1, 1]} : vector<320x512xf32> to vector<320x128xf32>
    %slice3A_42 = vector.extract_strided_slice %slice3A {offsets = [0, 0], sizes = [320, 128], strides = [1, 1]} : vector<320x512xf32> to vector<320x128xf32>
    %gt3A = arith.cmpf ogt, %slice3A_41, %slice3A_42 : vector<320x128xf32>
    %concatenate3A_43 = tpu.concatenate %gt3A, %gt3A, %gt3A, %gt3A in 1 : vector<320x128xi1>, vector<320x128xi1>, vector<320x128xi1>, vector<320x128xi1> -> vector<320x512xi1>
    %not3A = arith.constant dense<true> : vector<320x1xi1>
    %not3A_44 = arith.xori %eq3A_40, %not3A : vector<320x1xi1>
    %or3A = vector.broadcast %not3A_44 : vector<320x1xi1> to vector<320x512xi1>
    %or3A_45 = arith.ori %concatenate3A_43, %or3A : vector<320x512xi1>
    %select_n3A = arith.select %or3A_45, %slice3A_37, %slice3A : vector<320x512xi1>, vector<320x512xf32>
    %slice3A_46 = vector.extract_strided_slice %concatenate3A_32 {offsets = [0, 0], sizes = [1, 512], strides = [1, 1]} : vector<321x512xf32> to vector<1x512xf32>
    %concatenate3A_47 = tpu.concatenate %slice3A_46, %select_n3A in 0 : vector<1x512xf32>, vector<320x512xf32> -> vector<321x512xf32>
    %slice3A_48 = vector.extract_strided_slice %concatenate3A_47 {offsets = [0, 0], sizes = [319, 512], strides = [1, 1]} : vector<321x512xf32> to vector<319x512xf32>
    %slice3A_49 = vector.extract_strided_slice %concatenate3A_47 {offsets = [2, 0], sizes = [319, 512], strides = [1, 1]} : vector<321x512xf32> to vector<319x512xf32>
    %slice3A_50 = vector.extract_strided_slice %concatenate3A_36 {offsets = [2, 0], sizes = [319, 1], strides = [1, 1]} : vector<321x1xf32> to vector<319x1xf32>
    %slice3A_51 = vector.extract_strided_slice %concatenate3A_36 {offsets = [0, 0], sizes = [319, 1], strides = [1, 1]} : vector<321x1xf32> to vector<319x1xf32>
    %eq3A_52 = arith.cmpf oeq, %slice3A_50, %slice3A_51 : vector<319x1xf32>
    %slice3A_53 = vector.extract_strided_slice %slice3A_49 {offsets = [0, 0], sizes = [319, 128], strides = [1, 1]} : vector<319x512xf32> to vector<319x128xf32>
    %slice3A_54 = vector.extract_strided_slice %slice3A_48 {offsets = [0, 0], sizes = [319, 128], strides = [1, 1]} : vector<319x512xf32> to vector<319x128xf32>
    %gt3A_55 = arith.cmpf ogt, %slice3A_53, %slice3A_54 : vector<319x128xf32>
    %concatenate3A_56 = tpu.concatenate %gt3A_55, %gt3A_55, %gt3A_55, %gt3A_55 in 1 : vector<319x128xi1>, vector<319x128xi1>, vector<319x128xi1>, vector<319x128xi1> -> vector<319x512xi1>
    %not3A_57 = arith.constant dense<true> : vector<319x1xi1>
    %not3A_58 = arith.xori %eq3A_52, %not3A_57 : vector<319x1xi1>
    %or3A_59 = vector.broadcast %not3A_58 : vector<319x1xi1> to vector<319x512xi1>
    %or3A_60 = arith.ori %concatenate3A_56, %or3A_59 : vector<319x512xi1>
    %select_n3A_61 = arith.select %or3A_60, %slice3A_49, %slice3A_48 : vector<319x512xi1>, vector<319x512xf32>
    %slice3A_62 = vector.extract_strided_slice %concatenate3A_47 {offsets = [0, 0], sizes = [2, 512], strides = [1, 1]} : vector<321x512xf32> to vector<2x512xf32>
    %concatenate3A_63 = tpu.concatenate %slice3A_62, %select_n3A_61 in 0 : vector<2x512xf32>, vector<319x512xf32> -> vector<321x512xf32>
    %slice3A_64 = vector.extract_strided_slice %concatenate3A_63 {offsets = [0, 0], sizes = [317, 512], strides = [1, 1]} : vector<321x512xf32> to vector<317x512xf32>
    %slice3A_65 = vector.extract_strided_slice %concatenate3A_63 {offsets = [4, 0], sizes = [317, 512], strides = [1, 1]} : vector<321x512xf32> to vector<317x512xf32>
    %slice3A_66 = vector.extract_strided_slice %concatenate3A_36 {offsets = [4, 0], sizes = [317, 1], strides = [1, 1]} : vector<321x1xf32> to vector<317x1xf32>
    %slice3A_67 = vector.extract_strided_slice %concatenate3A_36 {offsets = [0, 0], sizes = [317, 1], strides = [1, 1]} : vector<321x1xf32> to vector<317x1xf32>
    %eq3A_68 = arith.cmpf oeq, %slice3A_66, %slice3A_67 : vector<317x1xf32>
    %slice3A_69 = vector.extract_strided_slice %slice3A_65 {offsets = [0, 0], sizes = [317, 128], strides = [1, 1]} : vector<317x512xf32> to vector<317x128xf32>
    %slice3A_70 = vector.extract_strided_slice %slice3A_64 {offsets = [0, 0], sizes = [317, 128], strides = [1, 1]} : vector<317x512xf32> to vector<317x128xf32>
    %gt3A_71 = arith.cmpf ogt, %slice3A_69, %slice3A_70 : vector<317x128xf32>
    %concatenate3A_72 = tpu.concatenate %gt3A_71, %gt3A_71, %gt3A_71, %gt3A_71 in 1 : vector<317x128xi1>, vector<317x128xi1>, vector<317x128xi1>, vector<317x128xi1> -> vector<317x512xi1>
    %not3A_73 = arith.constant dense<true> : vector<317x1xi1>
    %not3A_74 = arith.xori %eq3A_68, %not3A_73 : vector<317x1xi1>
    %or3A_75 = vector.broadcast %not3A_74 : vector<317x1xi1> to vector<317x512xi1>
    %or3A_76 = arith.ori %concatenate3A_72, %or3A_75 : vector<317x512xi1>
    %select_n3A_77 = arith.select %or3A_76, %slice3A_65, %slice3A_64 : vector<317x512xi1>, vector<317x512xf32>
    %slice3A_78 = vector.extract_strided_slice %concatenate3A_63 {offsets = [0, 0], sizes = [4, 512], strides = [1, 1]} : vector<321x512xf32> to vector<4x512xf32>
    %concatenate3A_79 = tpu.concatenate %slice3A_78, %select_n3A_77 in 0 : vector<4x512xf32>, vector<317x512xf32> -> vector<321x512xf32>
    %slice3A_80 = vector.extract_strided_slice %concatenate3A_79 {offsets = [0, 0], sizes = [313, 512], strides = [1, 1]} : vector<321x512xf32> to vector<313x512xf32>
    %slice3A_81 = vector.extract_strided_slice %concatenate3A_79 {offsets = [8, 0], sizes = [313, 512], strides = [1, 1]} : vector<321x512xf32> to vector<313x512xf32>
    %slice3A_82 = vector.extract_strided_slice %concatenate3A_36 {offsets = [8, 0], sizes = [313, 1], strides = [1, 1]} : vector<321x1xf32> to vector<313x1xf32>
    %slice3A_83 = vector.extract_strided_slice %concatenate3A_36 {offsets = [0, 0], sizes = [313, 1], strides = [1, 1]} : vector<321x1xf32> to vector<313x1xf32>
    %eq3A_84 = arith.cmpf oeq, %slice3A_82, %slice3A_83 : vector<313x1xf32>
    %slice3A_85 = vector.extract_strided_slice %slice3A_81 {offsets = [0, 0], sizes = [313, 128], strides = [1, 1]} : vector<313x512xf32> to vector<313x128xf32>
    %slice3A_86 = vector.extract_strided_slice %slice3A_80 {offsets = [0, 0], sizes = [313, 128], strides = [1, 1]} : vector<313x512xf32> to vector<313x128xf32>
    %gt3A_87 = arith.cmpf ogt, %slice3A_85, %slice3A_86 : vector<313x128xf32>
    %concatenate3A_88 = tpu.concatenate %gt3A_87, %gt3A_87, %gt3A_87, %gt3A_87 in 1 : vector<313x128xi1>, vector<313x128xi1>, vector<313x128xi1>, vector<313x128xi1> -> vector<313x512xi1>
    %not3A_89 = arith.constant dense<true> : vector<313x1xi1>
    %not3A_90 = arith.xori %eq3A_84, %not3A_89 : vector<313x1xi1>
    %or3A_91 = vector.broadcast %not3A_90 : vector<313x1xi1> to vector<313x512xi1>
    %or3A_92 = arith.ori %concatenate3A_88, %or3A_91 : vector<313x512xi1>
    %select_n3A_93 = arith.select %or3A_92, %slice3A_81, %slice3A_80 : vector<313x512xi1>, vector<313x512xf32>
    %slice3A_94 = vector.extract_strided_slice %concatenate3A_79 {offsets = [0, 0], sizes = [8, 512], strides = [1, 1]} : vector<321x512xf32> to vector<8x512xf32>
    %concatenate3A_95 = tpu.concatenate %slice3A_94, %select_n3A_93 in 0 : vector<8x512xf32>, vector<313x512xf32> -> vector<321x512xf32>
    %slice3A_96 = vector.extract_strided_slice %concatenate3A_95 {offsets = [0, 0], sizes = [305, 512], strides = [1, 1]} : vector<321x512xf32> to vector<305x512xf32>
    %slice3A_97 = vector.extract_strided_slice %concatenate3A_95 {offsets = [16, 0], sizes = [305, 512], strides = [1, 1]} : vector<321x512xf32> to vector<305x512xf32>
    %slice3A_98 = vector.extract_strided_slice %concatenate3A_36 {offsets = [16, 0], sizes = [305, 1], strides = [1, 1]} : vector<321x1xf32> to vector<305x1xf32>
    %slice3A_99 = vector.extract_strided_slice %concatenate3A_36 {offsets = [0, 0], sizes = [305, 1], strides = [1, 1]} : vector<321x1xf32> to vector<305x1xf32>
    %eq3A_100 = arith.cmpf oeq, %slice3A_98, %slice3A_99 : vector<305x1xf32>
    %slice3A_101 = vector.extract_strided_slice %slice3A_97 {offsets = [0, 0], sizes = [305, 128], strides = [1, 1]} : vector<305x512xf32> to vector<305x128xf32>
    %slice3A_102 = vector.extract_strided_slice %slice3A_96 {offsets = [0, 0], sizes = [305, 128], strides = [1, 1]} : vector<305x512xf32> to vector<305x128xf32>
    %gt3A_103 = arith.cmpf ogt, %slice3A_101, %slice3A_102 : vector<305x128xf32>
    %concatenate3A_104 = tpu.concatenate %gt3A_103, %gt3A_103, %gt3A_103, %gt3A_103 in 1 : vector<305x128xi1>, vector<305x128xi1>, vector<305x128xi1>, vector<305x128xi1> -> vector<305x512xi1>
    %not3A_105 = arith.constant dense<true> : vector<305x1xi1>
    %not3A_106 = arith.xori %eq3A_100, %not3A_105 : vector<305x1xi1>
    %or3A_107 = vector.broadcast %not3A_106 : vector<305x1xi1> to vector<305x512xi1>
    %or3A_108 = arith.ori %concatenate3A_104, %or3A_107 : vector<305x512xi1>
    %select_n3A_109 = arith.select %or3A_108, %slice3A_97, %slice3A_96 : vector<305x512xi1>, vector<305x512xf32>
    %slice3A_110 = vector.extract_strided_slice %concatenate3A_95 {offsets = [0, 0], sizes = [16, 512], strides = [1, 1]} : vector<321x512xf32> to vector<16x512xf32>
    %concatenate3A_111 = tpu.concatenate %slice3A_110, %select_n3A_109 in 0 : vector<16x512xf32>, vector<305x512xf32> -> vector<321x512xf32>
    %slice3A_112 = vector.extract_strided_slice %concatenate3A_111 {offsets = [0, 0], sizes = [289, 512], strides = [1, 1]} : vector<321x512xf32> to vector<289x512xf32>
    %slice3A_113 = vector.extract_strided_slice %concatenate3A_111 {offsets = [32, 0], sizes = [289, 512], strides = [1, 1]} : vector<321x512xf32> to vector<289x512xf32>
    %slice3A_114 = vector.extract_strided_slice %concatenate3A_36 {offsets = [32, 0], sizes = [289, 1], strides = [1, 1]} : vector<321x1xf32> to vector<289x1xf32>
    %slice3A_115 = vector.extract_strided_slice %concatenate3A_36 {offsets = [0, 0], sizes = [289, 1], strides = [1, 1]} : vector<321x1xf32> to vector<289x1xf32>
    %eq3A_116 = arith.cmpf oeq, %slice3A_114, %slice3A_115 : vector<289x1xf32>
    %slice3A_117 = vector.extract_strided_slice %slice3A_113 {offsets = [0, 0], sizes = [289, 128], strides = [1, 1]} : vector<289x512xf32> to vector<289x128xf32>
    %slice3A_118 = vector.extract_strided_slice %slice3A_112 {offsets = [0, 0], sizes = [289, 128], strides = [1, 1]} : vector<289x512xf32> to vector<289x128xf32>
    %gt3A_119 = arith.cmpf ogt, %slice3A_117, %slice3A_118 : vector<289x128xf32>
    %concatenate3A_120 = tpu.concatenate %gt3A_119, %gt3A_119, %gt3A_119, %gt3A_119 in 1 : vector<289x128xi1>, vector<289x128xi1>, vector<289x128xi1>, vector<289x128xi1> -> vector<289x512xi1>
    %not3A_121 = arith.constant dense<true> : vector<289x1xi1>
    %not3A_122 = arith.xori %eq3A_116, %not3A_121 : vector<289x1xi1>
    %or3A_123 = vector.broadcast %not3A_122 : vector<289x1xi1> to vector<289x512xi1>
    %or3A_124 = arith.ori %concatenate3A_120, %or3A_123 : vector<289x512xi1>
    %select_n3A_125 = arith.select %or3A_124, %slice3A_113, %slice3A_112 : vector<289x512xi1>, vector<289x512xf32>
    %slice3A_126 = vector.extract_strided_slice %concatenate3A_111 {offsets = [0, 0], sizes = [32, 512], strides = [1, 1]} : vector<321x512xf32> to vector<32x512xf32>
    %concatenate3A_127 = tpu.concatenate %slice3A_126, %select_n3A_125 in 0 : vector<32x512xf32>, vector<289x512xf32> -> vector<321x512xf32>
    %slice3A_128 = vector.extract_strided_slice %concatenate3A_127 {offsets = [0, 0], sizes = [257, 512], strides = [1, 1]} : vector<321x512xf32> to vector<257x512xf32>
    %slice3A_129 = vector.extract_strided_slice %concatenate3A_127 {offsets = [64, 0], sizes = [257, 512], strides = [1, 1]} : vector<321x512xf32> to vector<257x512xf32>
    %slice3A_130 = vector.extract_strided_slice %concatenate3A_36 {offsets = [64, 0], sizes = [257, 1], strides = [1, 1]} : vector<321x1xf32> to vector<257x1xf32>
    %slice3A_131 = vector.extract_strided_slice %concatenate3A_36 {offsets = [0, 0], sizes = [257, 1], strides = [1, 1]} : vector<321x1xf32> to vector<257x1xf32>
    %eq3A_132 = arith.cmpf oeq, %slice3A_130, %slice3A_131 : vector<257x1xf32>
    %slice3A_133 = vector.extract_strided_slice %slice3A_129 {offsets = [0, 0], sizes = [257, 128], strides = [1, 1]} : vector<257x512xf32> to vector<257x128xf32>
    %slice3A_134 = vector.extract_strided_slice %slice3A_128 {offsets = [0, 0], sizes = [257, 128], strides = [1, 1]} : vector<257x512xf32> to vector<257x128xf32>
    %gt3A_135 = arith.cmpf ogt, %slice3A_133, %slice3A_134 : vector<257x128xf32>
    %concatenate3A_136 = tpu.concatenate %gt3A_135, %gt3A_135, %gt3A_135, %gt3A_135 in 1 : vector<257x128xi1>, vector<257x128xi1>, vector<257x128xi1>, vector<257x128xi1> -> vector<257x512xi1>
    %not3A_137 = arith.constant dense<true> : vector<257x1xi1>
    %not3A_138 = arith.xori %eq3A_132, %not3A_137 : vector<257x1xi1>
    %or3A_139 = vector.broadcast %not3A_138 : vector<257x1xi1> to vector<257x512xi1>
    %or3A_140 = arith.ori %concatenate3A_136, %or3A_139 : vector<257x512xi1>
    %select_n3A_141 = arith.select %or3A_140, %slice3A_129, %slice3A_128 : vector<257x512xi1>, vector<257x512xf32>
    %slice3A_142 = vector.extract_strided_slice %concatenate3A_127 {offsets = [0, 0], sizes = [64, 512], strides = [1, 1]} : vector<321x512xf32> to vector<64x512xf32>
    %concatenate3A_143 = tpu.concatenate %slice3A_142, %select_n3A_141 in 0 : vector<64x512xf32>, vector<257x512xf32> -> vector<321x512xf32>
    %slice3A_144 = vector.extract_strided_slice %concatenate3A_143 {offsets = [0, 0], sizes = [193, 512], strides = [1, 1]} : vector<321x512xf32> to vector<193x512xf32>
    %slice3A_145 = vector.extract_strided_slice %concatenate3A_143 {offsets = [128, 0], sizes = [193, 512], strides = [1, 1]} : vector<321x512xf32> to vector<193x512xf32>
    %slice3A_146 = vector.extract_strided_slice %concatenate3A_36 {offsets = [128, 0], sizes = [193, 1], strides = [1, 1]} : vector<321x1xf32> to vector<193x1xf32>
    %slice3A_147 = vector.extract_strided_slice %concatenate3A_36 {offsets = [0, 0], sizes = [193, 1], strides = [1, 1]} : vector<321x1xf32> to vector<193x1xf32>
    %eq3A_148 = arith.cmpf oeq, %slice3A_146, %slice3A_147 : vector<193x1xf32>
    %slice3A_149 = vector.extract_strided_slice %slice3A_145 {offsets = [0, 0], sizes = [193, 128], strides = [1, 1]} : vector<193x512xf32> to vector<193x128xf32>
    %slice3A_150 = vector.extract_strided_slice %slice3A_144 {offsets = [0, 0], sizes = [193, 128], strides = [1, 1]} : vector<193x512xf32> to vector<193x128xf32>
    %gt3A_151 = arith.cmpf ogt, %slice3A_149, %slice3A_150 : vector<193x128xf32>
    %concatenate3A_152 = tpu.concatenate %gt3A_151, %gt3A_151, %gt3A_151, %gt3A_151 in 1 : vector<193x128xi1>, vector<193x128xi1>, vector<193x128xi1>, vector<193x128xi1> -> vector<193x512xi1>
    %not3A_153 = arith.constant dense<true> : vector<193x1xi1>
    %not3A_154 = arith.xori %eq3A_148, %not3A_153 : vector<193x1xi1>
    %or3A_155 = vector.broadcast %not3A_154 : vector<193x1xi1> to vector<193x512xi1>
    %or3A_156 = arith.ori %concatenate3A_152, %or3A_155 : vector<193x512xi1>
    %select_n3A_157 = arith.select %or3A_156, %slice3A_145, %slice3A_144 : vector<193x512xi1>, vector<193x512xf32>
    %slice3A_158 = vector.extract_strided_slice %concatenate3A_143 {offsets = [0, 0], sizes = [128, 512], strides = [1, 1]} : vector<321x512xf32> to vector<128x512xf32>
    %concatenate3A_159 = tpu.concatenate %slice3A_158, %select_n3A_157 in 0 : vector<128x512xf32>, vector<193x512xf32> -> vector<321x512xf32>
    %slice3A_160 = vector.extract_strided_slice %concatenate3A_159 {offsets = [0, 0], sizes = [65, 512], strides = [1, 1]} : vector<321x512xf32> to vector<65x512xf32>
    %slice3A_161 = vector.extract_strided_slice %concatenate3A_159 {offsets = [256, 0], sizes = [65, 512], strides = [1, 1]} : vector<321x512xf32> to vector<65x512xf32>
    %slice3A_162 = vector.extract_strided_slice %concatenate3A_36 {offsets = [256, 0], sizes = [65, 1], strides = [1, 1]} : vector<321x1xf32> to vector<65x1xf32>
    %slice3A_163 = vector.extract_strided_slice %concatenate3A_36 {offsets = [0, 0], sizes = [65, 1], strides = [1, 1]} : vector<321x1xf32> to vector<65x1xf32>
    %eq3A_164 = arith.cmpf oeq, %slice3A_162, %slice3A_163 : vector<65x1xf32>
    %slice3A_165 = vector.extract_strided_slice %slice3A_161 {offsets = [0, 0], sizes = [65, 128], strides = [1, 1]} : vector<65x512xf32> to vector<65x128xf32>
    %slice3A_166 = vector.extract_strided_slice %slice3A_160 {offsets = [0, 0], sizes = [65, 128], strides = [1, 1]} : vector<65x512xf32> to vector<65x128xf32>
    %gt3A_167 = arith.cmpf ogt, %slice3A_165, %slice3A_166 : vector<65x128xf32>
    %concatenate3A_168 = tpu.concatenate %gt3A_167, %gt3A_167, %gt3A_167, %gt3A_167 in 1 : vector<65x128xi1>, vector<65x128xi1>, vector<65x128xi1>, vector<65x128xi1> -> vector<65x512xi1>
    %not3A_169 = arith.constant dense<true> : vector<65x1xi1>
    %not3A_170 = arith.xori %eq3A_164, %not3A_169 : vector<65x1xi1>
    %or3A_171 = vector.broadcast %not3A_170 : vector<65x1xi1> to vector<65x512xi1>
    %or3A_172 = arith.ori %concatenate3A_168, %or3A_171 : vector<65x512xi1>
    %select_n3A_173 = arith.select %or3A_172, %slice3A_161, %slice3A_160 : vector<65x512xi1>, vector<65x512xf32>
    %slice3A_174 = vector.extract_strided_slice %concatenate3A_159 {offsets = [0, 0], sizes = [256, 512], strides = [1, 1]} : vector<321x512xf32> to vector<256x512xf32>
    %concatenate3A_175 = tpu.concatenate %slice3A_174, %select_n3A_173 in 0 : vector<256x512xf32>, vector<65x512xf32> -> vector<321x512xf32>
    %slice3A_176 = vector.extract_strided_slice %concatenate3A_175 {offsets = [1, 0], sizes = [320, 512], strides = [1, 1]} : vector<321x512xf32> to vector<320x512xf32>
    %swap3A = arith.constant 0 : index
    %swap3A_177 = arith.constant 0 : index
    %swap3A_178 = vector.load %arg6[%swap3A, %swap3A_177] : memref<320x512xf32, #tpu.memory_space<vmem>>, vector<320x512xf32>
    tpu.vector_store %arg6[%swap3A, %swap3A_177], %slice3A_176 {strides = array<i32>} : memref<320x512xf32, #tpu.memory_space<vmem>>, vector<320x512xf32>,
    %slice3A_179 = vector.extract_strided_slice %concatenate3A_175 {offsets = [320, 0], sizes = [1, 512], strides = [1, 1]} : vector<321x512xf32> to vector<1x512xf32>
    %swap3A_180 = arith.constant 0 : index
    %swap3A_181 = arith.constant 0 : index
    %swap3A_182 = vector.load %arg7[%swap3A_180, %swap3A_181] : memref<1x512xf32, #tpu.memory_space<vmem>>, vector<1x512xf32>
    tpu.vector_store %arg7[%swap3A_180, %swap3A_181], %slice3A_179 {strides = array<i32>} : memref<1x512xf32, #tpu.memory_space<vmem>>, vector<1x512xf32>,
    %slice3A_183 = vector.extract_strided_slice %get3A_28 {offsets = [319, 0], sizes = [1, 1], strides = [1, 1]} : vector<320x1xf32> to vector<1x1xf32>
    %broadcast_in_dim3A_184 = vector.shape_cast %slice3A_183 : vector<1x1xf32> to vector<1x1xf32>
    %broadcast_in_dim3A_185 = vector.broadcast %broadcast_in_dim3A_184 : vector<1x1xf32> to vector<1x8xf32>
    %swap3A_186 = arith.constant 0 : index
    %swap3A_187 = arith.constant 0 : index
    %swap3A_188 = vector.load %arg8[%swap3A_186, %swap3A_187] : memref<1x8xf32, #tpu.memory_space<vmem>>, vector<1x8xf32>
    tpu.vector_store %arg8[%swap3A_186, %swap3A_187], %broadcast_in_dim3A_185 {strides = array<i32>} : memref<1x8xf32, #tpu.memory_space<vmem>>, vector<1x8xf32>,
    return
  }
  func.func @transform_0(%arg0: i32) -> (i32, i32) {
    %c0_i32 = arith.constant 0 : i32
    %c0_i32_0 = arith.constant 0 : i32
    return %arg0, %c0_i32 : i32, i32
  }
  func.func @transform_1(%arg0: i32) -> (i32, i32) {
    %c0_i32 = arith.constant 0 : i32
    %c0_i32_0 = arith.constant 0 : i32
    return %arg0, %c0_i32 : i32, i32
  }
  func.func @transform_2(%arg0: i32) -> (i32, i32) {
    %c0_i32 = arith.constant 0 : i32
    %c0_i32_0 = arith.constant 0 : i32
    return %arg0, %c0_i32 : i32, i32
  }
  func.func @transform_3(%arg0: i32) -> (i32, i32) {
    %c0_i32 = arith.constant 0 : i32
    %c0_i32_0 = arith.constant 0 : i32
    %c0_i32_1 = arith.constant 0 : i32
    return %c0_i32, %c0_i32_0 : i32, i32
  }
  func.func @transform_4(%arg0: i32) -> (i32, i32) {
    %c0_i32 = arith.constant 0 : i32
    %c0_i32_0 = arith.constant 0 : i32
    %c0_i32_1 = arith.constant 0 : i32
    return %c0_i32, %c0_i32_0 : i32, i32
  }
  func.func @transform_5(%arg0: i32) -> (i32, i32) {
    %c0_i32 = arith.constant 0 : i32
    %c0_i32_0 = arith.constant 0 : i32
    return %arg0, %c0_i32 : i32, i32
  }
}

module attributes {stable_mosaic.version = 14 : i64} {
  func.func @_k2_body(%arg0: i32, %arg1: memref<320x128xf32, #tpu.memory_space<vmem>>, %arg2: memref<320x8xf32, #tpu.memory_space<vmem>>, %arg3: memref<384x512xf32, #tpu.memory_space<vmem>>, %arg4: memref<384x8xf32, #tpu.memory_space<vmem>>, %arg5: memref<8x384xf32, #tpu.memory_space<vmem>>, %arg6: memref<128x128xf32, #tpu.memory_space<vmem>>, %arg7: memref<1x128xf32, #tpu.memory_space<vmem>>, %arg8: memref<128x128xf32, #tpu.memory_space<vmem>>, %arg9: memref<1x128xf32, #tpu.memory_space<vmem>>, %arg10: memref<128x128xf32, #tpu.memory_space<vmem>>, %arg11: memref<1x128xf32, #tpu.memory_space<vmem>>, %arg12: memref<128x128xf32, #tpu.memory_space<vmem>>, %arg13: memref<1x128xf32, #tpu.memory_space<vmem>>, %arg14: memref<128x128xf32, #tpu.memory_space<vmem>>, %arg15: memref<1x128xf32, #tpu.memory_space<vmem>>, %arg16: memref<1x128xf32, #tpu.memory_space<vmem>>, %arg17: memref<1x128xf32, #tpu.memory_space<vmem>>, %arg18: memref<128x540xf32, #tpu.memory_space<vmem>>, %arg19: memref<3x128xf32, #tpu.memory_space<vmem>>, %arg20: memref<1x128xf32, #tpu.memory_space<vmem>>, %arg21: memref<320x540xf32, #tpu.memory_space<vmem>>, %arg22: memref<384x256xf32, #tpu.memory_space<vmem>>) attributes {dimension_semantics = [#tpu.dimension_semantics<arbitrary>], iteration_bounds = array<i64: 125>, scalar_prefetch = 0 : i64, scratch_operands = 1 : i64, tpu.core_type = #tpu.core_type<tc>, window_params = [{transform_indices = @transform_0, window_bounds = array<i64: 320, 128>}, {transform_indices = @transform_1, window_bounds = array<i64: 320, 8>}, {pipeline_mode = #tpu.pipeline_mode<synchronous>, transform_indices = @transform_2, window_bounds = array<i64: 384, 512>}, {pipeline_mode = #tpu.pipeline_mode<synchronous>, transform_indices = @transform_3, window_bounds = array<i64: 384, 8>}, {pipeline_mode = #tpu.pipeline_mode<synchronous>, transform_indices = @transform_4, window_bounds = array<i64: 8, 384>}, {pipeline_mode = #tpu.pipeline_mode<synchronous>, transform_indices = @transform_5, window_bounds = array<i64: 128, 128>}, {pipeline_mode = #tpu.pipeline_mode<synchronous>, transform_indices = @transform_6, window_bounds = array<i64: 1, 128>}, {pipeline_mode = #tpu.pipeline_mode<synchronous>, transform_indices = @transform_7, window_bounds = array<i64: 128, 128>}, {pipeline_mode = #tpu.pipeline_mode<synchronous>, transform_indices = @transform_8, window_bounds = array<i64: 1, 128>}, {pipeline_mode = #tpu.pipeline_mode<synchronous>, transform_indices = @transform_9, window_bounds = array<i64: 128, 128>}, {pipeline_mode = #tpu.pipeline_mode<synchronous>, transform_indices = @transform_10, window_bounds = array<i64: 1, 128>}, {pipeline_mode = #tpu.pipeline_mode<synchronous>, transform_indices = @transform_11, window_bounds = array<i64: 128, 128>}, {pipeline_mode = #tpu.pipeline_mode<synchronous>, transform_indices = @transform_12, window_bounds = array<i64: 1, 128>}, {pipeline_mode = #tpu.pipeline_mode<synchronous>, transform_indices = @transform_13, window_bounds = array<i64: 128, 128>}, {pipeline_mode = #tpu.pipeline_mode<synchronous>, transform_indices = @transform_14, window_bounds = array<i64: 1, 128>}, {pipeline_mode = #tpu.pipeline_mode<synchronous>, transform_indices = @transform_15, window_bounds = array<i64: 1, 128>}, {pipeline_mode = #tpu.pipeline_mode<synchronous>, transform_indices = @transform_16, window_bounds = array<i64: 1, 128>}, {pipeline_mode = #tpu.pipeline_mode<synchronous>, transform_indices = @transform_17, window_bounds = array<i64: 128, 540>}, {pipeline_mode = #tpu.pipeline_mode<synchronous>, transform_indices = @transform_18, window_bounds = array<i64: 3, 128>}, {pipeline_mode = #tpu.pipeline_mode<synchronous>, transform_indices = @transform_19, window_bounds = array<i64: 1, 128>}, {transform_indices = @transform_20, window_bounds = array<i64: 320, 540>}]} {
    %eq3A = arith.constant 0 : i32
    %eq3A_0 = arith.cmpi eq, %arg0, %eq3A : i32
    %convert_element_type3A = arith.extui %eq3A_0 : i1 to i32
    %cond3A = arith.constant 0 : i32
    %cond3A_1 = arith.cmpi ne, %convert_element_type3A, %cond3A : i32
    scf.if %cond3A_1 {
      %get3A_358 = arith.constant 0 : index
      %get3A_359 = arith.constant 0 : index
      %get3A_360 = vector.load %arg3[%get3A_358, %get3A_359] : memref<384x512xf32, #tpu.memory_space<vmem>>, vector<384x128xf32>
      %get3A_361 = arith.constant 0 : index
      %get3A_362 = arith.constant 128 : index
      %get3A_363 = vector.load %arg3[%get3A_361, %get3A_362] : memref<384x512xf32, #tpu.memory_space<vmem>>, vector<384x128xf32>
      %reduce_sum3A_364 = arith.constant dense<0.000000e+00> : vector<384xf32>
      %reduce_sum3A_365 = vector.multi_reduction <add>, %get3A_363, %reduce_sum3A_364 [1] : vector<384x128xf32> to vector<384xf32>
      %broadcast_in_dim3A_366 = vector.shape_cast %reduce_sum3A_365 : vector<384xf32> to vector<384x1xf32>
      %mul3A_367 = arith.constant 7.812500e-03 : f32
      %mul3A_368 = vector.broadcast %mul3A_367 : f32 to vector<384x1xf32>
      %mul3A_369 = arith.mulf %broadcast_in_dim3A_366, %mul3A_368 : vector<384x1xf32>
      %mul3A_370 = arith.constant 4.000000e+01 : f32
      %mul3A_371 = vector.broadcast %mul3A_370 : f32 to vector<384x1xf32>
      %mul3A_372 = arith.mulf %mul3A_369, %mul3A_371 : vector<384x1xf32>
      %get3A_373 = arith.constant 0 : index
      %get3A_374 = arith.constant 256 : index
      %get3A_375 = vector.load %arg3[%get3A_373, %get3A_374] : memref<384x512xf32, #tpu.memory_space<vmem>>, vector<384x128xf32>
      %reduce_sum3A_376 = arith.constant dense<0.000000e+00> : vector<384xf32>
      %reduce_sum3A_377 = vector.multi_reduction <add>, %get3A_375, %reduce_sum3A_376 [1] : vector<384x128xf32> to vector<384xf32>
      %broadcast_in_dim3A_378 = vector.shape_cast %reduce_sum3A_377 : vector<384xf32> to vector<384x1xf32>
      %mul3A_379 = arith.constant 7.812500e-03 : f32
      %mul3A_380 = vector.broadcast %mul3A_379 : f32 to vector<384x1xf32>
      %mul3A_381 = arith.mulf %broadcast_in_dim3A_378, %mul3A_380 : vector<384x1xf32>
      %mul3A_382 = arith.constant 4.000000e+01 : f32
      %mul3A_383 = vector.broadcast %mul3A_382 : f32 to vector<384x1xf32>
      %mul3A_384 = arith.mulf %mul3A_381, %mul3A_383 : vector<384x1xf32>
      %get3A_385 = arith.constant 0 : index
      %get3A_386 = arith.constant 384 : index
      %get3A_387 = vector.load %arg3[%get3A_385, %get3A_386] : memref<384x512xf32, #tpu.memory_space<vmem>>, vector<384x128xf32>
      %reduce_sum3A_388 = arith.constant dense<0.000000e+00> : vector<384xf32>
      %reduce_sum3A_389 = vector.multi_reduction <add>, %get3A_387, %reduce_sum3A_388 [1] : vector<384x128xf32> to vector<384xf32>
      %broadcast_in_dim3A_390 = vector.shape_cast %reduce_sum3A_389 : vector<384xf32> to vector<384x1xf32>
      %mul3A_391 = arith.constant 7.812500e-03 : f32
      %mul3A_392 = vector.broadcast %mul3A_391 : f32 to vector<384x1xf32>
      %mul3A_393 = arith.mulf %broadcast_in_dim3A_390, %mul3A_392 : vector<384x1xf32>
      %mul3A_394 = arith.constant 1.600000e+01 : f32
      %mul3A_395 = vector.broadcast %mul3A_394 : f32 to vector<384x1xf32>
      %mul3A_396 = arith.mulf %mul3A_393, %mul3A_395 : vector<384x1xf32>
      %get3A_397 = arith.constant 0 : index
      %get3A_398 = arith.constant 0 : index
      %get3A_399 = vector.load %arg19[%get3A_397, %get3A_398] : memref<3x128xf32, #tpu.memory_space<vmem>>, vector<1x128xf32>
      %mul3A_400 = vector.broadcast %mul3A_372 : vector<384x1xf32> to vector<384x128xf32>
      %mul3A_401 = vector.broadcast %get3A_399 : vector<1x128xf32> to vector<384x128xf32>
      %mul3A_402 = arith.mulf %mul3A_400, %mul3A_401 : vector<384x128xf32>
      %get3A_403 = arith.constant 1 : index
      %get3A_404 = arith.constant 0 : index
      %get3A_405 = vector.load %arg19[%get3A_403, %get3A_404] : memref<3x128xf32, #tpu.memory_space<vmem>>, vector<1x128xf32>
      %mul3A_406 = vector.broadcast %mul3A_384 : vector<384x1xf32> to vector<384x128xf32>
      %mul3A_407 = vector.broadcast %get3A_405 : vector<1x128xf32> to vector<384x128xf32>
      %mul3A_408 = arith.mulf %mul3A_406, %mul3A_407 : vector<384x128xf32>
      %add3A_409 = arith.addf %mul3A_402, %mul3A_408 : vector<384x128xf32>
      %get3A_410 = arith.constant 2 : index
      %get3A_411 = arith.constant 0 : index
      %get3A_412 = vector.load %arg19[%get3A_410, %get3A_411] : memref<3x128xf32, #tpu.memory_space<vmem>>, vector<1x128xf32>
      %mul3A_413 = vector.broadcast %mul3A_396 : vector<384x1xf32> to vector<384x128xf32>
      %mul3A_414 = vector.broadcast %get3A_412 : vector<1x128xf32> to vector<384x128xf32>
      %mul3A_415 = arith.mulf %mul3A_413, %mul3A_414 : vector<384x128xf32>
      %add3A_416 = arith.addf %add3A_409, %mul3A_415 : vector<384x128xf32>
      %get3A_417 = arith.constant 0 : index
      %get3A_418 = arith.constant 0 : index
      %get3A_419 = vector.load %arg20[%get3A_417, %get3A_418] : memref<1x128xf32, #tpu.memory_space<vmem>>, vector<1x128xf32>
      %add3A_420 = vector.broadcast %get3A_419 : vector<1x128xf32> to vector<384x128xf32>
      %add3A_421 = arith.addf %add3A_416, %add3A_420 : vector<384x128xf32>
      %sin3A_422 = math.sin %add3A_421 : vector<384x128xf32>
      %get3A_423 = arith.constant 0 : index
      %get3A_424 = arith.constant 0 : index
      %get3A_425 = vector.load %arg4[%get3A_423, %get3A_424] : memref<384x8xf32, #tpu.memory_space<vmem>>, vector<384x1xf32>
      %gt3A_426 = arith.constant 0.000000e+00 : f32
      %gt3A_427 = vector.broadcast %gt3A_426 : f32 to vector<384x1xf32>
      %gt3A_428 = arith.cmpf ogt, %get3A_425, %gt3A_427 : vector<384x1xf32>
      %add3A_429 = arith.addf %get3A_360, %sin3A_422 : vector<384x128xf32>
      %jit3A_430 = arith.constant 0.000000e+00 : f32
      %broadcast_in_dim3A_431 = vector.shape_cast %gt3A_428 : vector<384x1xi1> to vector<384x1xi1>
      %broadcast_in_dim3A_432 = vector.broadcast %broadcast_in_dim3A_431 : vector<384x1xi1> to vector<384x128xi1>
      %broadcast_in_dim3A_433 = vector.broadcast %jit3A_430 : f32 to vector<384x128xf32>
      %select_n3A_434 = arith.select %broadcast_in_dim3A_432, %add3A_429, %broadcast_in_dim3A_433 : vector<384x128xi1>, vector<384x128xf32>
      %get3A_435 = arith.constant 0 : index
      %get3A_436 = arith.constant 0 : index
      %get3A_437 = vector.load %arg10[%get3A_435, %get3A_436] : memref<128x128xf32, #tpu.memory_space<vmem>>, vector<128x128xf32>
      %dot_general3A_438 = arith.constant dense<0.000000e+00> : vector<384x128xf32>
      %dot_general3A_439 = tpu.matmul %select_n3A_434, %get3A_437, %dot_general3A_438 {dimension_numbers = #tpu.dot_dimension_numbers<[1], [0], [0], [1], [0, 0, 1, 1], [], []>, transpose_lhs_hint = false} : vector<384x128xf32>, vector<128x128xf32>, vector<384x128xf32> -> vector<384x128xf32>
      %get3A_440 = arith.constant 0 : index
      %get3A_441 = arith.constant 0 : index
      %get3A_442 = vector.load %arg11[%get3A_440, %get3A_441] : memref<1x128xf32, #tpu.memory_space<vmem>>, vector<1x128xf32>
      %add3A_443 = vector.broadcast %get3A_442 : vector<1x128xf32> to vector<384x128xf32>
      %add3A_444 = arith.addf %dot_general3A_439, %add3A_443 : vector<384x128xf32>
      %swap3A_445 = arith.constant 0 : index
      %swap3A_446 = arith.constant 0 : index
      %swap3A_447 = vector.load %arg22[%swap3A_445, %swap3A_446] : memref<384x256xf32, #tpu.memory_space<vmem>>, vector<384x128xf32>
      tpu.vector_store %arg22[%swap3A_445, %swap3A_446], %add3A_444 {strides = array<i32>} : memref<384x256xf32, #tpu.memory_space<vmem>>, vector<384x128xf32>,
      %get3A_448 = arith.constant 0 : index
      %get3A_449 = arith.constant 0 : index
      %get3A_450 = vector.load %arg12[%get3A_448, %get3A_449] : memref<128x128xf32, #tpu.memory_space<vmem>>, vector<128x128xf32>
      %dot_general3A_451 = arith.constant dense<0.000000e+00> : vector<384x128xf32>
      %dot_general3A_452 = tpu.matmul %select_n3A_434, %get3A_450, %dot_general3A_451 {dimension_numbers = #tpu.dot_dimension_numbers<[1], [0], [0], [1], [0, 0, 1, 1], [], []>, transpose_lhs_hint = false} : vector<384x128xf32>, vector<128x128xf32>, vector<384x128xf32> -> vector<384x128xf32>
      %get3A_453 = arith.constant 0 : index
      %get3A_454 = arith.constant 0 : index
      %get3A_455 = vector.load %arg13[%get3A_453, %get3A_454] : memref<1x128xf32, #tpu.memory_space<vmem>>, vector<1x128xf32>
      %add3A_456 = vector.broadcast %get3A_455 : vector<1x128xf32> to vector<384x128xf32>
      %add3A_457 = arith.addf %dot_general3A_452, %add3A_456 : vector<384x128xf32>
      %swap3A_458 = arith.constant 0 : index
      %swap3A_459 = arith.constant 128 : index
      %swap3A_460 = vector.load %arg22[%swap3A_458, %swap3A_459] : memref<384x256xf32, #tpu.memory_space<vmem>>, vector<384x128xf32>
      tpu.vector_store %arg22[%swap3A_458, %swap3A_459], %add3A_457 {strides = array<i32>} : memref<384x256xf32, #tpu.memory_space<vmem>>, vector<384x128xf32>,
    } else {
    }
    %get3A = arith.constant 0 : index
    %get3A_2 = arith.constant 0 : index
    %get3A_3 = vector.load %arg1[%get3A, %get3A_2] : memref<320x128xf32, #tpu.memory_space<vmem>>, vector<320x128xf32>
    %get3A_4 = arith.constant 0 : index
    %get3A_5 = arith.constant 0 : index
    %get3A_6 = vector.load %arg6[%get3A_4, %get3A_5] : memref<128x128xf32, #tpu.memory_space<vmem>>, vector<128x128xf32>
    %dot_general3A = arith.constant dense<0.000000e+00> : vector<320x128xf32>
    %dot_general3A_7 = tpu.matmul %get3A_3, %get3A_6, %dot_general3A {dimension_numbers = #tpu.dot_dimension_numbers<[1], [0], [0], [1], [0, 0, 1, 1], [], []>, transpose_lhs_hint = false} : vector<320x128xf32>, vector<128x128xf32>, vector<320x128xf32> -> vector<320x128xf32>
    %get3A_8 = arith.constant 0 : index
    %get3A_9 = arith.constant 0 : index
    %get3A_10 = vector.load %arg7[%get3A_8, %get3A_9] : memref<1x128xf32, #tpu.memory_space<vmem>>, vector<1x128xf32>
    %add3A = vector.broadcast %get3A_10 : vector<1x128xf32> to vector<320x128xf32>
    %add3A_11 = arith.addf %dot_general3A_7, %add3A : vector<320x128xf32>
    %get3A_12 = arith.constant 0 : index
    %get3A_13 = arith.constant 0 : index
    %get3A_14 = vector.load %arg2[%get3A_12, %get3A_13] : memref<320x8xf32, #tpu.memory_space<vmem>>, vector<320x1xf32>
    %get3A_15 = arith.constant 0 : index
    %get3A_16 = arith.constant 1 : index
    %get3A_17 = vector.load %arg2[%get3A_15, %get3A_16] : memref<320x8xf32, #tpu.memory_space<vmem>>, vector<320x1xf32>
    %get3A_18 = arith.constant 0 : index
    %get3A_19 = arith.constant 2 : index
    %get3A_20 = vector.load %arg2[%get3A_18, %get3A_19] : memref<320x8xf32, #tpu.memory_space<vmem>>, vector<320x1xf32>
    %get3A_21 = arith.constant 0 : index
    %get3A_22 = arith.constant 0 : index
    %get3A_23 = vector.load %arg19[%get3A_21, %get3A_22] : memref<3x128xf32, #tpu.memory_space<vmem>>, vector<1x128xf32>
    %mul3A = vector.broadcast %get3A_14 : vector<320x1xf32> to vector<320x128xf32>
    %mul3A_24 = vector.broadcast %get3A_23 : vector<1x128xf32> to vector<320x128xf32>
    %mul3A_25 = arith.mulf %mul3A, %mul3A_24 : vector<320x128xf32>
    %get3A_26 = arith.constant 1 : index
    %get3A_27 = arith.constant 0 : index
    %get3A_28 = vector.load %arg19[%get3A_26, %get3A_27] : memref<3x128xf32, #tpu.memory_space<vmem>>, vector<1x128xf32>
    %mul3A_29 = vector.broadcast %get3A_17 : vector<320x1xf32> to vector<320x128xf32>
    %mul3A_30 = vector.broadcast %get3A_28 : vector<1x128xf32> to vector<320x128xf32>
    %mul3A_31 = arith.mulf %mul3A_29, %mul3A_30 : vector<320x128xf32>
    %add3A_32 = arith.addf %mul3A_25, %mul3A_31 : vector<320x128xf32>
    %get3A_33 = arith.constant 2 : index
    %get3A_34 = arith.constant 0 : index
    %get3A_35 = vector.load %arg19[%get3A_33, %get3A_34] : memref<3x128xf32, #tpu.memory_space<vmem>>, vector<1x128xf32>
    %mul3A_36 = vector.broadcast %get3A_20 : vector<320x1xf32> to vector<320x128xf32>
    %mul3A_37 = vector.broadcast %get3A_35 : vector<1x128xf32> to vector<320x128xf32>
    %mul3A_38 = arith.mulf %mul3A_36, %mul3A_37 : vector<320x128xf32>
    %add3A_39 = arith.addf %add3A_32, %mul3A_38 : vector<320x128xf32>
    %get3A_40 = arith.constant 0 : index
    %get3A_41 = arith.constant 0 : index
    %get3A_42 = vector.load %arg20[%get3A_40, %get3A_41] : memref<1x128xf32, #tpu.memory_space<vmem>>, vector<1x128xf32>
    %add3A_43 = vector.broadcast %get3A_42 : vector<1x128xf32> to vector<320x128xf32>
    %add3A_44 = arith.addf %add3A_39, %add3A_43 : vector<320x128xf32>
    %sin3A = math.sin %add3A_44 : vector<320x128xf32>
    %add3A_45 = arith.addf %add3A_11, %sin3A : vector<320x128xf32>
    %get3A_46 = arith.constant 0 : index
    %get3A_47 = arith.constant 0 : index
    %get3A_48 = vector.load %arg8[%get3A_46, %get3A_47] : memref<128x128xf32, #tpu.memory_space<vmem>>, vector<128x128xf32>
    %dot_general3A_49 = arith.constant dense<0.000000e+00> : vector<320x128xf32>
    %dot_general3A_50 = tpu.matmul %add3A_45, %get3A_48, %dot_general3A_49 {dimension_numbers = #tpu.dot_dimension_numbers<[1], [0], [0], [1], [0, 0, 1, 1], [], []>, transpose_lhs_hint = false} : vector<320x128xf32>, vector<128x128xf32>, vector<320x128xf32> -> vector<320x128xf32>
    %get3A_51 = arith.constant 0 : index
    %get3A_52 = arith.constant 0 : index
    %get3A_53 = vector.load %arg9[%get3A_51, %get3A_52] : memref<1x128xf32, #tpu.memory_space<vmem>>, vector<1x128xf32>
    %add3A_54 = vector.broadcast %get3A_53 : vector<1x128xf32> to vector<320x128xf32>
    %add3A_55 = arith.addf %dot_general3A_50, %add3A_54 : vector<320x128xf32>
    %mul3A_56 = arith.constant 320 : i32
    %mul3A_57 = arith.muli %arg0, %mul3A_56 : i32
    %iota3A = tpu.iota {dimensions = array<i32: 0>} : vector<320x1xi32>
    %add3A_58 = vector.broadcast %mul3A_57 : i32 to vector<320x1xi32>
    %add3A_59 = arith.addi %add3A_58, %iota3A : vector<320x1xi32>
    %jit3A = arith.constant 20000 : i32
    %div3A = vector.broadcast %jit3A : i32 to vector<320x1xi32>
    %div3A_60 = arith.divsi %add3A_59, %div3A : vector<320x1xi32>
    %sign3A = arith.constant 0 : i32
    %sign3A_61 = vector.broadcast %sign3A : i32 to vector<320x1xi32>
    %sign3A_62 = arith.cmpi sgt, %add3A_59, %sign3A_61 : vector<320x1xi32>
    %sign3A_63 = arith.extui %sign3A_62 : vector<320x1xi1> to vector<320x1xi32>
    %sign3A_64 = arith.constant 0 : i32
    %sign3A_65 = vector.broadcast %sign3A_64 : i32 to vector<320x1xi32>
    %sign3A_66 = arith.cmpi slt, %add3A_59, %sign3A_65 : vector<320x1xi32>
    %sign3A_67 = arith.extui %sign3A_66 : vector<320x1xi1> to vector<320x1xi32>
    %sign3A_68 = arith.subi %sign3A_63, %sign3A_67 : vector<320x1xi32>
    %sign3A_69 = arith.constant 0 : i32
    %sign3A_70 = arith.cmpi sgt, %jit3A, %sign3A_69 : i32
    %sign3A_71 = arith.extui %sign3A_70 : i1 to i32
    %sign3A_72 = arith.constant 0 : i32
    %sign3A_73 = arith.cmpi slt, %jit3A, %sign3A_72 : i32
    %sign3A_74 = arith.extui %sign3A_73 : i1 to i32
    %sign3A_75 = arith.subi %sign3A_71, %sign3A_74 : i32
    %ne3A = vector.broadcast %sign3A_75 : i32 to vector<320x1xi32>
    %ne3A_76 = arith.cmpi ne, %sign3A_68, %ne3A : vector<320x1xi32>
    %rem3A = vector.broadcast %jit3A : i32 to vector<320x1xi32>
    %rem3A_77 = arith.remsi %add3A_59, %rem3A : vector<320x1xi32>
    %ne3A_78 = arith.constant 0 : i32
    %ne3A_79 = vector.broadcast %ne3A_78 : i32 to vector<320x1xi32>
    %ne3A_80 = arith.cmpi ne, %rem3A_77, %ne3A_79 : vector<320x1xi32>
    %and3A = arith.andi %ne3A_76, %ne3A_80 : vector<320x1xi1>
    %sub3A = arith.constant 1 : i32
    %sub3A_81 = vector.broadcast %sub3A : i32 to vector<320x1xi32>
    %sub3A_82 = arith.subi %div3A_60, %sub3A_81 : vector<320x1xi32>
    %select_n3A = arith.select %and3A, %sub3A_82, %div3A_60 : vector<320x1xi1>, vector<320x1xi32>
    %convert_element_type3A_83 = arith.sitofp %select_n3A : vector<320x1xi32> to vector<320x1xf32>
    %iota3A_84 = tpu.iota {dimensions = array<i32: 1>} : vector<1x384xi32>
    %jit3A_85 = arith.constant 162 : i32
    %div3A_86 = vector.broadcast %jit3A_85 : i32 to vector<1x384xi32>
    %div3A_87 = arith.divsi %iota3A_84, %div3A_86 : vector<1x384xi32>
    %sign3A_88 = arith.constant 0 : i32
    %sign3A_89 = vector.broadcast %sign3A_88 : i32 to vector<1x384xi32>
    %sign3A_90 = arith.cmpi sgt, %iota3A_84, %sign3A_89 : vector<1x384xi32>
    %sign3A_91 = arith.extui %sign3A_90 : vector<1x384xi1> to vector<1x384xi32>
    %sign3A_92 = arith.constant 0 : i32
    %sign3A_93 = vector.broadcast %sign3A_92 : i32 to vector<1x384xi32>
    %sign3A_94 = arith.cmpi slt, %iota3A_84, %sign3A_93 : vector<1x384xi32>
    %sign3A_95 = arith.extui %sign3A_94 : vector<1x384xi1> to vector<1x384xi32>
    %sign3A_96 = arith.subi %sign3A_91, %sign3A_95 : vector<1x384xi32>
    %sign3A_97 = arith.constant 0 : i32
    %sign3A_98 = arith.cmpi sgt, %jit3A_85, %sign3A_97 : i32
    %sign3A_99 = arith.extui %sign3A_98 : i1 to i32
    %sign3A_100 = arith.constant 0 : i32
    %sign3A_101 = arith.cmpi slt, %jit3A_85, %sign3A_100 : i32
    %sign3A_102 = arith.extui %sign3A_101 : i1 to i32
    %sign3A_103 = arith.subi %sign3A_99, %sign3A_102 : i32
    %ne3A_104 = vector.broadcast %sign3A_103 : i32 to vector<1x384xi32>
    %ne3A_105 = arith.cmpi ne, %sign3A_96, %ne3A_104 : vector<1x384xi32>
    %rem3A_106 = vector.broadcast %jit3A_85 : i32 to vector<1x384xi32>
    %rem3A_107 = arith.remsi %iota3A_84, %rem3A_106 : vector<1x384xi32>
    %ne3A_108 = arith.constant 0 : i32
    %ne3A_109 = vector.broadcast %ne3A_108 : i32 to vector<1x384xi32>
    %ne3A_110 = arith.cmpi ne, %rem3A_107, %ne3A_109 : vector<1x384xi32>
    %and3A_111 = arith.andi %ne3A_105, %ne3A_110 : vector<1x384xi1>
    %sub3A_112 = arith.constant 1 : i32
    %sub3A_113 = vector.broadcast %sub3A_112 : i32 to vector<1x384xi32>
    %sub3A_114 = arith.subi %div3A_87, %sub3A_113 : vector<1x384xi32>
    %select_n3A_115 = arith.select %and3A_111, %sub3A_114, %div3A_87 : vector<1x384xi1>, vector<1x384xi32>
    %convert_element_type3A_116 = arith.sitofp %select_n3A_115 : vector<1x384xi32> to vector<1x384xf32>
    %eq3A_117 = vector.broadcast %convert_element_type3A_116 : vector<1x384xf32> to vector<320x384xf32>
    %eq3A_118 = vector.broadcast %convert_element_type3A_83 : vector<320x1xf32> to vector<320x384xf32>
    %eq3A_119 = arith.cmpf oeq, %eq3A_117, %eq3A_118 : vector<320x384xf32>
    %get3A_120 = arith.constant 0 : index
    %get3A_121 = arith.constant 0 : index
    %get3A_122 = vector.load %arg5[%get3A_120, %get3A_121] : memref<8x384xf32, #tpu.memory_space<vmem>>, vector<1x384xf32>
    %gt3A = arith.constant 0.000000e+00 : f32
    %gt3A_123 = vector.broadcast %gt3A : f32 to vector<1x384xf32>
    %gt3A_124 = arith.cmpf ogt, %get3A_122, %gt3A_123 : vector<1x384xf32>
    %and3A_125 = vector.broadcast %gt3A_124 : vector<1x384xi1> to vector<320x384xi1>
    %and3A_126 = arith.andi %eq3A_119, %and3A_125 : vector<320x384xi1>
    %jit3A_127 = arith.constant 0.000000e+00 : f32
    %jit3A_128 = arith.constant -1.000000e+30 : f32
    %broadcast_in_dim3A = vector.broadcast %jit3A_127 : f32 to vector<320x384xf32>
    %broadcast_in_dim3A_129 = vector.broadcast %jit3A_128 : f32 to vector<320x384xf32>
    %select_n3A_130 = arith.select %and3A_126, %broadcast_in_dim3A, %broadcast_in_dim3A_129 : vector<320x384xi1>, vector<320x384xf32>
    %get3A_131 = arith.constant 0 : index
    %get3A_132 = arith.constant 0 : index
    %get3A_133 = vector.load %arg22[%get3A_131, %get3A_132] : memref<384x256xf32, #tpu.memory_space<vmem>>, vector<384x128xf32>
    %get3A_134 = arith.constant 0 : index
    %get3A_135 = arith.constant 128 : index
    %get3A_136 = vector.load %arg22[%get3A_134, %get3A_135] : memref<384x256xf32, #tpu.memory_space<vmem>>, vector<384x128xf32>
    %slice3A = vector.extract_strided_slice %add3A_55 {offsets = [0, 0], sizes = [320, 16], strides = [1, 1]} : vector<320x128xf32> to vector<320x16xf32>
    %slice3A_137 = vector.extract_strided_slice %get3A_133 {offsets = [0, 0], sizes = [384, 16], strides = [1, 1]} : vector<384x128xf32> to vector<384x16xf32>
    %slice3A_138 = vector.extract_strided_slice %get3A_136 {offsets = [0, 0], sizes = [384, 16], strides = [1, 1]} : vector<384x128xf32> to vector<384x16xf32>
    %dot_general3A_139 = arith.constant dense<0.000000e+00> : vector<320x384xf32>
    %dot_general3A_140 = tpu.matmul %slice3A, %slice3A_137, %dot_general3A_139 {dimension_numbers = #tpu.dot_dimension_numbers<[1], [1], [0], [0], [0, 0, 1, 0], [], []>, transpose_lhs_hint = false} : vector<320x16xf32>, vector<384x16xf32>, vector<320x384xf32> -> vector<320x384xf32>
    %mul3A_141 = arith.constant 2.500000e-01 : f32
    %mul3A_142 = vector.broadcast %mul3A_141 : f32 to vector<320x384xf32>
    %mul3A_143 = arith.mulf %dot_general3A_140, %mul3A_142 : vector<320x384xf32>
    %add3A_144 = arith.addf %mul3A_143, %select_n3A_130 : vector<320x384xf32>
    %reduce_max3A = arith.constant dense<0xFF800000> : vector<320xf32>
    %reduce_max3A_145 = vector.multi_reduction <maximumf>, %add3A_144, %reduce_max3A [1] : vector<320x384xf32> to vector<320xf32>
    %broadcast_in_dim3A_146 = vector.shape_cast %reduce_max3A_145 : vector<320xf32> to vector<320x1xf32>
    %sub3A_147 = vector.broadcast %broadcast_in_dim3A_146 : vector<320x1xf32> to vector<320x384xf32>
    %sub3A_148 = arith.subf %add3A_144, %sub3A_147 : vector<320x384xf32>
    %exp3A = math.exp %sub3A_148 : vector<320x384xf32>
    %reduce_sum3A = arith.constant dense<0.000000e+00> : vector<320xf32>
    %reduce_sum3A_149 = vector.multi_reduction <add>, %exp3A, %reduce_sum3A [1] : vector<320x384xf32> to vector<320xf32>
    %broadcast_in_dim3A_150 = vector.shape_cast %reduce_sum3A_149 : vector<320xf32> to vector<320x1xf32>
    %div3A_151 = vector.broadcast %broadcast_in_dim3A_150 : vector<320x1xf32> to vector<320x384xf32>
    %div3A_152 = arith.divf %exp3A, %div3A_151 : vector<320x384xf32>
    %dot_general3A_153 = arith.constant dense<0.000000e+00> : vector<320x16xf32>
    %dot_general3A_154 = tpu.matmul %div3A_152, %slice3A_138, %dot_general3A_153 {dimension_numbers = #tpu.dot_dimension_numbers<[1], [0], [0], [1], [0, 0, 1, 1], [], []>, transpose_lhs_hint = false} : vector<320x384xf32>, vector<384x16xf32>, vector<320x16xf32> -> vector<320x16xf32>
    %slice3A_155 = vector.extract_strided_slice %add3A_55 {offsets = [0, 16], sizes = [320, 16], strides = [1, 1]} : vector<320x128xf32> to vector<320x16xf32>
    %slice3A_156 = vector.extract_strided_slice %get3A_133 {offsets = [0, 16], sizes = [384, 16], strides = [1, 1]} : vector<384x128xf32> to vector<384x16xf32>
    %slice3A_157 = vector.extract_strided_slice %get3A_136 {offsets = [0, 16], sizes = [384, 16], strides = [1, 1]} : vector<384x128xf32> to vector<384x16xf32>
    %dot_general3A_158 = arith.constant dense<0.000000e+00> : vector<320x384xf32>
    %dot_general3A_159 = tpu.matmul %slice3A_155, %slice3A_156, %dot_general3A_158 {dimension_numbers = #tpu.dot_dimension_numbers<[1], [1], [0], [0], [0, 0, 1, 0], [], []>, transpose_lhs_hint = false} : vector<320x16xf32>, vector<384x16xf32>, vector<320x384xf32> -> vector<320x384xf32>
    %mul3A_160 = arith.constant 2.500000e-01 : f32
    %mul3A_161 = vector.broadcast %mul3A_160 : f32 to vector<320x384xf32>
    %mul3A_162 = arith.mulf %dot_general3A_159, %mul3A_161 : vector<320x384xf32>
    %add3A_163 = arith.addf %mul3A_162, %select_n3A_130 : vector<320x384xf32>
    %reduce_max3A_164 = arith.constant dense<0xFF800000> : vector<320xf32>
    %reduce_max3A_165 = vector.multi_reduction <maximumf>, %add3A_163, %reduce_max3A_164 [1] : vector<320x384xf32> to vector<320xf32>
    %broadcast_in_dim3A_166 = vector.shape_cast %reduce_max3A_165 : vector<320xf32> to vector<320x1xf32>
    %sub3A_167 = vector.broadcast %broadcast_in_dim3A_166 : vector<320x1xf32> to vector<320x384xf32>
    %sub3A_168 = arith.subf %add3A_163, %sub3A_167 : vector<320x384xf32>
    %exp3A_169 = math.exp %sub3A_168 : vector<320x384xf32>
    %reduce_sum3A_170 = arith.constant dense<0.000000e+00> : vector<320xf32>
    %reduce_sum3A_171 = vector.multi_reduction <add>, %exp3A_169, %reduce_sum3A_170 [1] : vector<320x384xf32> to vector<320xf32>
    %broadcast_in_dim3A_172 = vector.shape_cast %reduce_sum3A_171 : vector<320xf32> to vector<320x1xf32>
    %div3A_173 = vector.broadcast %broadcast_in_dim3A_172 : vector<320x1xf32> to vector<320x384xf32>
    %div3A_174 = arith.divf %exp3A_169, %div3A_173 : vector<320x384xf32>
    %dot_general3A_175 = arith.constant dense<0.000000e+00> : vector<320x16xf32>
    %dot_general3A_176 = tpu.matmul %div3A_174, %slice3A_157, %dot_general3A_175 {dimension_numbers = #tpu.dot_dimension_numbers<[1], [0], [0], [1], [0, 0, 1, 1], [], []>, transpose_lhs_hint = false} : vector<320x384xf32>, vector<384x16xf32>, vector<320x16xf32> -> vector<320x16xf32>
    %slice3A_177 = vector.extract_strided_slice %add3A_55 {offsets = [0, 32], sizes = [320, 16], strides = [1, 1]} : vector<320x128xf32> to vector<320x16xf32>
    %slice3A_178 = vector.extract_strided_slice %get3A_133 {offsets = [0, 32], sizes = [384, 16], strides = [1, 1]} : vector<384x128xf32> to vector<384x16xf32>
    %slice3A_179 = vector.extract_strided_slice %get3A_136 {offsets = [0, 32], sizes = [384, 16], strides = [1, 1]} : vector<384x128xf32> to vector<384x16xf32>
    %dot_general3A_180 = arith.constant dense<0.000000e+00> : vector<320x384xf32>
    %dot_general3A_181 = tpu.matmul %slice3A_177, %slice3A_178, %dot_general3A_180 {dimension_numbers = #tpu.dot_dimension_numbers<[1], [1], [0], [0], [0, 0, 1, 0], [], []>, transpose_lhs_hint = false} : vector<320x16xf32>, vector<384x16xf32>, vector<320x384xf32> -> vector<320x384xf32>
    %mul3A_182 = arith.constant 2.500000e-01 : f32
    %mul3A_183 = vector.broadcast %mul3A_182 : f32 to vector<320x384xf32>
    %mul3A_184 = arith.mulf %dot_general3A_181, %mul3A_183 : vector<320x384xf32>
    %add3A_185 = arith.addf %mul3A_184, %select_n3A_130 : vector<320x384xf32>
    %reduce_max3A_186 = arith.constant dense<0xFF800000> : vector<320xf32>
    %reduce_max3A_187 = vector.multi_reduction <maximumf>, %add3A_185, %reduce_max3A_186 [1] : vector<320x384xf32> to vector<320xf32>
    %broadcast_in_dim3A_188 = vector.shape_cast %reduce_max3A_187 : vector<320xf32> to vector<320x1xf32>
    %sub3A_189 = vector.broadcast %broadcast_in_dim3A_188 : vector<320x1xf32> to vector<320x384xf32>
    %sub3A_190 = arith.subf %add3A_185, %sub3A_189 : vector<320x384xf32>
    %exp3A_191 = math.exp %sub3A_190 : vector<320x384xf32>
    %reduce_sum3A_192 = arith.constant dense<0.000000e+00> : vector<320xf32>
    %reduce_sum3A_193 = vector.multi_reduction <add>, %exp3A_191, %reduce_sum3A_192 [1] : vector<320x384xf32> to vector<320xf32>
    %broadcast_in_dim3A_194 = vector.shape_cast %reduce_sum3A_193 : vector<320xf32> to vector<320x1xf32>
    %div3A_195 = vector.broadcast %broadcast_in_dim3A_194 : vector<320x1xf32> to vector<320x384xf32>
    %div3A_196 = arith.divf %exp3A_191, %div3A_195 : vector<320x384xf32>
    %dot_general3A_197 = arith.constant dense<0.000000e+00> : vector<320x16xf32>
    %dot_general3A_198 = tpu.matmul %div3A_196, %slice3A_179, %dot_general3A_197 {dimension_numbers = #tpu.dot_dimension_numbers<[1], [0], [0], [1], [0, 0, 1, 1], [], []>, transpose_lhs_hint = false} : vector<320x384xf32>, vector<384x16xf32>, vector<320x16xf32> -> vector<320x16xf32>
    %slice3A_199 = vector.extract_strided_slice %add3A_55 {offsets = [0, 48], sizes = [320, 16], strides = [1, 1]} : vector<320x128xf32> to vector<320x16xf32>
    %slice3A_200 = vector.extract_strided_slice %get3A_133 {offsets = [0, 48], sizes = [384, 16], strides = [1, 1]} : vector<384x128xf32> to vector<384x16xf32>
    %slice3A_201 = vector.extract_strided_slice %get3A_136 {offsets = [0, 48], sizes = [384, 16], strides = [1, 1]} : vector<384x128xf32> to vector<384x16xf32>
    %dot_general3A_202 = arith.constant dense<0.000000e+00> : vector<320x384xf32>
    %dot_general3A_203 = tpu.matmul %slice3A_199, %slice3A_200, %dot_general3A_202 {dimension_numbers = #tpu.dot_dimension_numbers<[1], [1], [0], [0], [0, 0, 1, 0], [], []>, transpose_lhs_hint = false} : vector<320x16xf32>, vector<384x16xf32>, vector<320x384xf32> -> vector<320x384xf32>
    %mul3A_204 = arith.constant 2.500000e-01 : f32
    %mul3A_205 = vector.broadcast %mul3A_204 : f32 to vector<320x384xf32>
    %mul3A_206 = arith.mulf %dot_general3A_203, %mul3A_205 : vector<320x384xf32>
    %add3A_207 = arith.addf %mul3A_206, %select_n3A_130 : vector<320x384xf32>
    %reduce_max3A_208 = arith.constant dense<0xFF800000> : vector<320xf32>
    %reduce_max3A_209 = vector.multi_reduction <maximumf>, %add3A_207, %reduce_max3A_208 [1] : vector<320x384xf32> to vector<320xf32>
    %broadcast_in_dim3A_210 = vector.shape_cast %reduce_max3A_209 : vector<320xf32> to vector<320x1xf32>
    %sub3A_211 = vector.broadcast %broadcast_in_dim3A_210 : vector<320x1xf32> to vector<320x384xf32>
    %sub3A_212 = arith.subf %add3A_207, %sub3A_211 : vector<320x384xf32>
    %exp3A_213 = math.exp %sub3A_212 : vector<320x384xf32>
    %reduce_sum3A_214 = arith.constant dense<0.000000e+00> : vector<320xf32>
    %reduce_sum3A_215 = vector.multi_reduction <add>, %exp3A_213, %reduce_sum3A_214 [1] : vector<320x384xf32> to vector<320xf32>
    %broadcast_in_dim3A_216 = vector.shape_cast %reduce_sum3A_215 : vector<320xf32> to vector<320x1xf32>
    %div3A_217 = vector.broadcast %broadcast_in_dim3A_216 : vector<320x1xf32> to vector<320x384xf32>
    %div3A_218 = arith.divf %exp3A_213, %div3A_217 : vector<320x384xf32>
    %dot_general3A_219 = arith.constant dense<0.000000e+00> : vector<320x16xf32>
    %dot_general3A_220 = tpu.matmul %div3A_218, %slice3A_201, %dot_general3A_219 {dimension_numbers = #tpu.dot_dimension_numbers<[1], [0], [0], [1], [0, 0, 1, 1], [], []>, transpose_lhs_hint = false} : vector<320x384xf32>, vector<384x16xf32>, vector<320x16xf32> -> vector<320x16xf32>
    %slice3A_221 = vector.extract_strided_slice %add3A_55 {offsets = [0, 64], sizes = [320, 16], strides = [1, 1]} : vector<320x128xf32> to vector<320x16xf32>
    %slice3A_222 = vector.extract_strided_slice %get3A_133 {offsets = [0, 64], sizes = [384, 16], strides = [1, 1]} : vector<384x128xf32> to vector<384x16xf32>
    %slice3A_223 = vector.extract_strided_slice %get3A_136 {offsets = [0, 64], sizes = [384, 16], strides = [1, 1]} : vector<384x128xf32> to vector<384x16xf32>
    %dot_general3A_224 = arith.constant dense<0.000000e+00> : vector<320x384xf32>
    %dot_general3A_225 = tpu.matmul %slice3A_221, %slice3A_222, %dot_general3A_224 {dimension_numbers = #tpu.dot_dimension_numbers<[1], [1], [0], [0], [0, 0, 1, 0], [], []>, transpose_lhs_hint = false} : vector<320x16xf32>, vector<384x16xf32>, vector<320x384xf32> -> vector<320x384xf32>
    %mul3A_226 = arith.constant 2.500000e-01 : f32
    %mul3A_227 = vector.broadcast %mul3A_226 : f32 to vector<320x384xf32>
    %mul3A_228 = arith.mulf %dot_general3A_225, %mul3A_227 : vector<320x384xf32>
    %add3A_229 = arith.addf %mul3A_228, %select_n3A_130 : vector<320x384xf32>
    %reduce_max3A_230 = arith.constant dense<0xFF800000> : vector<320xf32>
    %reduce_max3A_231 = vector.multi_reduction <maximumf>, %add3A_229, %reduce_max3A_230 [1] : vector<320x384xf32> to vector<320xf32>
    %broadcast_in_dim3A_232 = vector.shape_cast %reduce_max3A_231 : vector<320xf32> to vector<320x1xf32>
    %sub3A_233 = vector.broadcast %broadcast_in_dim3A_232 : vector<320x1xf32> to vector<320x384xf32>
    %sub3A_234 = arith.subf %add3A_229, %sub3A_233 : vector<320x384xf32>
    %exp3A_235 = math.exp %sub3A_234 : vector<320x384xf32>
    %reduce_sum3A_236 = arith.constant dense<0.000000e+00> : vector<320xf32>
    %reduce_sum3A_237 = vector.multi_reduction <add>, %exp3A_235, %reduce_sum3A_236 [1] : vector<320x384xf32> to vector<320xf32>
    %broadcast_in_dim3A_238 = vector.shape_cast %reduce_sum3A_237 : vector<320xf32> to vector<320x1xf32>
    %div3A_239 = vector.broadcast %broadcast_in_dim3A_238 : vector<320x1xf32> to vector<320x384xf32>
    %div3A_240 = arith.divf %exp3A_235, %div3A_239 : vector<320x384xf32>
    %dot_general3A_241 = arith.constant dense<0.000000e+00> : vector<320x16xf32>
    %dot_general3A_242 = tpu.matmul %div3A_240, %slice3A_223, %dot_general3A_241 {dimension_numbers = #tpu.dot_dimension_numbers<[1], [0], [0], [1], [0, 0, 1, 1], [], []>, transpose_lhs_hint = false} : vector<320x384xf32>, vector<384x16xf32>, vector<320x16xf32> -> vector<320x16xf32>
    %slice3A_243 = vector.extract_strided_slice %add3A_55 {offsets = [0, 80], sizes = [320, 16], strides = [1, 1]} : vector<320x128xf32> to vector<320x16xf32>
    %slice3A_244 = vector.extract_strided_slice %get3A_133 {offsets = [0, 80], sizes = [384, 16], strides = [1, 1]} : vector<384x128xf32> to vector<384x16xf32>
    %slice3A_245 = vector.extract_strided_slice %get3A_136 {offsets = [0, 80], sizes = [384, 16], strides = [1, 1]} : vector<384x128xf32> to vector<384x16xf32>
    %dot_general3A_246 = arith.constant dense<0.000000e+00> : vector<320x384xf32>
    %dot_general3A_247 = tpu.matmul %slice3A_243, %slice3A_244, %dot_general3A_246 {dimension_numbers = #tpu.dot_dimension_numbers<[1], [1], [0], [0], [0, 0, 1, 0], [], []>, transpose_lhs_hint = false} : vector<320x16xf32>, vector<384x16xf32>, vector<320x384xf32> -> vector<320x384xf32>
    %mul3A_248 = arith.constant 2.500000e-01 : f32
    %mul3A_249 = vector.broadcast %mul3A_248 : f32 to vector<320x384xf32>
    %mul3A_250 = arith.mulf %dot_general3A_247, %mul3A_249 : vector<320x384xf32>
    %add3A_251 = arith.addf %mul3A_250, %select_n3A_130 : vector<320x384xf32>
    %reduce_max3A_252 = arith.constant dense<0xFF800000> : vector<320xf32>
    %reduce_max3A_253 = vector.multi_reduction <maximumf>, %add3A_251, %reduce_max3A_252 [1] : vector<320x384xf32> to vector<320xf32>
    %broadcast_in_dim3A_254 = vector.shape_cast %reduce_max3A_253 : vector<320xf32> to vector<320x1xf32>
    %sub3A_255 = vector.broadcast %broadcast_in_dim3A_254 : vector<320x1xf32> to vector<320x384xf32>
    %sub3A_256 = arith.subf %add3A_251, %sub3A_255 : vector<320x384xf32>
    %exp3A_257 = math.exp %sub3A_256 : vector<320x384xf32>
    %reduce_sum3A_258 = arith.constant dense<0.000000e+00> : vector<320xf32>
    %reduce_sum3A_259 = vector.multi_reduction <add>, %exp3A_257, %reduce_sum3A_258 [1] : vector<320x384xf32> to vector<320xf32>
    %broadcast_in_dim3A_260 = vector.shape_cast %reduce_sum3A_259 : vector<320xf32> to vector<320x1xf32>
    %div3A_261 = vector.broadcast %broadcast_in_dim3A_260 : vector<320x1xf32> to vector<320x384xf32>
    %div3A_262 = arith.divf %exp3A_257, %div3A_261 : vector<320x384xf32>
    %dot_general3A_263 = arith.constant dense<0.000000e+00> : vector<320x16xf32>
    %dot_general3A_264 = tpu.matmul %div3A_262, %slice3A_245, %dot_general3A_263 {dimension_numbers = #tpu.dot_dimension_numbers<[1], [0], [0], [1], [0, 0, 1, 1], [], []>, transpose_lhs_hint = false} : vector<320x384xf32>, vector<384x16xf32>, vector<320x16xf32> -> vector<320x16xf32>
    %slice3A_265 = vector.extract_strided_slice %add3A_55 {offsets = [0, 96], sizes = [320, 16], strides = [1, 1]} : vector<320x128xf32> to vector<320x16xf32>
    %slice3A_266 = vector.extract_strided_slice %get3A_133 {offsets = [0, 96], sizes = [384, 16], strides = [1, 1]} : vector<384x128xf32> to vector<384x16xf32>
    %slice3A_267 = vector.extract_strided_slice %get3A_136 {offsets = [0, 96], sizes = [384, 16], strides = [1, 1]} : vector<384x128xf32> to vector<384x16xf32>
    %dot_general3A_268 = arith.constant dense<0.000000e+00> : vector<320x384xf32>
    %dot_general3A_269 = tpu.matmul %slice3A_265, %slice3A_266, %dot_general3A_268 {dimension_numbers = #tpu.dot_dimension_numbers<[1], [1], [0], [0], [0, 0, 1, 0], [], []>, transpose_lhs_hint = false} : vector<320x16xf32>, vector<384x16xf32>, vector<320x384xf32> -> vector<320x384xf32>
    %mul3A_270 = arith.constant 2.500000e-01 : f32
    %mul3A_271 = vector.broadcast %mul3A_270 : f32 to vector<320x384xf32>
    %mul3A_272 = arith.mulf %dot_general3A_269, %mul3A_271 : vector<320x384xf32>
    %add3A_273 = arith.addf %mul3A_272, %select_n3A_130 : vector<320x384xf32>
    %reduce_max3A_274 = arith.constant dense<0xFF800000> : vector<320xf32>
    %reduce_max3A_275 = vector.multi_reduction <maximumf>, %add3A_273, %reduce_max3A_274 [1] : vector<320x384xf32> to vector<320xf32>
    %broadcast_in_dim3A_276 = vector.shape_cast %reduce_max3A_275 : vector<320xf32> to vector<320x1xf32>
    %sub3A_277 = vector.broadcast %broadcast_in_dim3A_276 : vector<320x1xf32> to vector<320x384xf32>
    %sub3A_278 = arith.subf %add3A_273, %sub3A_277 : vector<320x384xf32>
    %exp3A_279 = math.exp %sub3A_278 : vector<320x384xf32>
    %reduce_sum3A_280 = arith.constant dense<0.000000e+00> : vector<320xf32>
    %reduce_sum3A_281 = vector.multi_reduction <add>, %exp3A_279, %reduce_sum3A_280 [1] : vector<320x384xf32> to vector<320xf32>
    %broadcast_in_dim3A_282 = vector.shape_cast %reduce_sum3A_281 : vector<320xf32> to vector<320x1xf32>
    %div3A_283 = vector.broadcast %broadcast_in_dim3A_282 : vector<320x1xf32> to vector<320x384xf32>
    %div3A_284 = arith.divf %exp3A_279, %div3A_283 : vector<320x384xf32>
    %dot_general3A_285 = arith.constant dense<0.000000e+00> : vector<320x16xf32>
    %dot_general3A_286 = tpu.matmul %div3A_284, %slice3A_267, %dot_general3A_285 {dimension_numbers = #tpu.dot_dimension_numbers<[1], [0], [0], [1], [0, 0, 1, 1], [], []>, transpose_lhs_hint = false} : vector<320x384xf32>, vector<384x16xf32>, vector<320x16xf32> -> vector<320x16xf32>
    %slice3A_287 = vector.extract_strided_slice %add3A_55 {offsets = [0, 112], sizes = [320, 16], strides = [1, 1]} : vector<320x128xf32> to vector<320x16xf32>
    %slice3A_288 = vector.extract_strided_slice %get3A_133 {offsets = [0, 112], sizes = [384, 16], strides = [1, 1]} : vector<384x128xf32> to vector<384x16xf32>
    %slice3A_289 = vector.extract_strided_slice %get3A_136 {offsets = [0, 112], sizes = [384, 16], strides = [1, 1]} : vector<384x128xf32> to vector<384x16xf32>
    %dot_general3A_290 = arith.constant dense<0.000000e+00> : vector<320x384xf32>
    %dot_general3A_291 = tpu.matmul %slice3A_287, %slice3A_288, %dot_general3A_290 {dimension_numbers = #tpu.dot_dimension_numbers<[1], [1], [0], [0], [0, 0, 1, 0], [], []>, transpose_lhs_hint = false} : vector<320x16xf32>, vector<384x16xf32>, vector<320x384xf32> -> vector<320x384xf32>
    %mul3A_292 = arith.constant 2.500000e-01 : f32
    %mul3A_293 = vector.broadcast %mul3A_292 : f32 to vector<320x384xf32>
    %mul3A_294 = arith.mulf %dot_general3A_291, %mul3A_293 : vector<320x384xf32>
    %add3A_295 = arith.addf %mul3A_294, %select_n3A_130 : vector<320x384xf32>
    %reduce_max3A_296 = arith.constant dense<0xFF800000> : vector<320xf32>
    %reduce_max3A_297 = vector.multi_reduction <maximumf>, %add3A_295, %reduce_max3A_296 [1] : vector<320x384xf32> to vector<320xf32>
    %broadcast_in_dim3A_298 = vector.shape_cast %reduce_max3A_297 : vector<320xf32> to vector<320x1xf32>
    %sub3A_299 = vector.broadcast %broadcast_in_dim3A_298 : vector<320x1xf32> to vector<320x384xf32>
    %sub3A_300 = arith.subf %add3A_295, %sub3A_299 : vector<320x384xf32>
    %exp3A_301 = math.exp %sub3A_300 : vector<320x384xf32>
    %reduce_sum3A_302 = arith.constant dense<0.000000e+00> : vector<320xf32>
    %reduce_sum3A_303 = vector.multi_reduction <add>, %exp3A_301, %reduce_sum3A_302 [1] : vector<320x384xf32> to vector<320xf32>
    %broadcast_in_dim3A_304 = vector.shape_cast %reduce_sum3A_303 : vector<320xf32> to vector<320x1xf32>
    %div3A_305 = vector.broadcast %broadcast_in_dim3A_304 : vector<320x1xf32> to vector<320x384xf32>
    %div3A_306 = arith.divf %exp3A_301, %div3A_305 : vector<320x384xf32>
    %dot_general3A_307 = arith.constant dense<0.000000e+00> : vector<320x16xf32>
    %dot_general3A_308 = tpu.matmul %div3A_306, %slice3A_289, %dot_general3A_307 {dimension_numbers = #tpu.dot_dimension_numbers<[1], [0], [0], [1], [0, 0, 1, 1], [], []>, transpose_lhs_hint = false} : vector<320x384xf32>, vector<384x16xf32>, vector<320x16xf32> -> vector<320x16xf32>
    %concatenate3A = tpu.concatenate %dot_general3A_154, %dot_general3A_176, %dot_general3A_198, %dot_general3A_220, %dot_general3A_242, %dot_general3A_264, %dot_general3A_286, %dot_general3A_308 in 1 : vector<320x16xf32>, vector<320x16xf32>, vector<320x16xf32>, vector<320x16xf32>, vector<320x16xf32>, vector<320x16xf32>, vector<320x16xf32>, vector<320x16xf32> -> vector<320x128xf32>
    %get3A_309 = arith.constant 0 : index
    %get3A_310 = arith.constant 0 : index
    %get3A_311 = vector.load %arg14[%get3A_309, %get3A_310] : memref<128x128xf32, #tpu.memory_space<vmem>>, vector<128x128xf32>
    %dot_general3A_312 = arith.constant dense<0.000000e+00> : vector<320x128xf32>
    %dot_general3A_313 = tpu.matmul %concatenate3A, %get3A_311, %dot_general3A_312 {dimension_numbers = #tpu.dot_dimension_numbers<[1], [0], [0], [1], [0, 0, 1, 1], [], []>, transpose_lhs_hint = false} : vector<320x128xf32>, vector<128x128xf32>, vector<320x128xf32> -> vector<320x128xf32>
    %get3A_314 = arith.constant 0 : index
    %get3A_315 = arith.constant 0 : index
    %get3A_316 = vector.load %arg15[%get3A_314, %get3A_315] : memref<1x128xf32, #tpu.memory_space<vmem>>, vector<1x128xf32>
    %add3A_317 = vector.broadcast %get3A_316 : vector<1x128xf32> to vector<320x128xf32>
    %add3A_318 = arith.addf %dot_general3A_313, %add3A_317 : vector<320x128xf32>
    %add3A_319 = arith.addf %add3A_45, %add3A_318 : vector<320x128xf32>
    %reduce_sum3A_320 = arith.constant dense<0.000000e+00> : vector<320xf32>
    %reduce_sum3A_321 = vector.multi_reduction <add>, %add3A_319, %reduce_sum3A_320 [1] : vector<320x128xf32> to vector<320xf32>
    %broadcast_in_dim3A_322 = vector.shape_cast %reduce_sum3A_321 : vector<320xf32> to vector<320x1xf32>
    %div3A_323 = arith.constant 1.280000e+02 : f32
    %div3A_324 = vector.broadcast %div3A_323 : f32 to vector<320x1xf32>
    %div3A_325 = arith.divf %broadcast_in_dim3A_322, %div3A_324 : vector<320x1xf32>
    %sub3A_326 = vector.broadcast %div3A_325 : vector<320x1xf32> to vector<320x128xf32>
    %sub3A_327 = arith.subf %add3A_319, %sub3A_326 : vector<320x128xf32>
    %mul3A_328 = arith.mulf %sub3A_327, %sub3A_327 : vector<320x128xf32>
    %reduce_sum3A_329 = arith.constant dense<0.000000e+00> : vector<320xf32>
    %reduce_sum3A_330 = vector.multi_reduction <add>, %mul3A_328, %reduce_sum3A_329 [1] : vector<320x128xf32> to vector<320xf32>
    %broadcast_in_dim3A_331 = vector.shape_cast %reduce_sum3A_330 : vector<320xf32> to vector<320x1xf32>
    %div3A_332 = arith.constant 1.280000e+02 : f32
    %div3A_333 = vector.broadcast %div3A_332 : f32 to vector<320x1xf32>
    %div3A_334 = arith.divf %broadcast_in_dim3A_331, %div3A_333 : vector<320x1xf32>
    %add3A_335 = arith.constant 9.99999974E-6 : f32
    %add3A_336 = vector.broadcast %add3A_335 : f32 to vector<320x1xf32>
    %add3A_337 = arith.addf %div3A_334, %add3A_336 : vector<320x1xf32>
    %rsqrt3A = math.rsqrt %add3A_337 : vector<320x1xf32>
    %mul3A_338 = vector.broadcast %rsqrt3A : vector<320x1xf32> to vector<320x128xf32>
    %mul3A_339 = arith.mulf %sub3A_327, %mul3A_338 : vector<320x128xf32>
    %get3A_340 = arith.constant 0 : index
    %get3A_341 = arith.constant 0 : index
    %get3A_342 = vector.load %arg16[%get3A_340, %get3A_341] : memref<1x128xf32, #tpu.memory_space<vmem>>, vector<1x128xf32>
    %mul3A_343 = vector.broadcast %get3A_342 : vector<1x128xf32> to vector<320x128xf32>
    %mul3A_344 = arith.mulf %mul3A_339, %mul3A_343 : vector<320x128xf32>
    %get3A_345 = arith.constant 0 : index
    %get3A_346 = arith.constant 0 : index
    %get3A_347 = vector.load %arg17[%get3A_345, %get3A_346] : memref<1x128xf32, #tpu.memory_space<vmem>>, vector<1x128xf32>
    %add3A_348 = vector.broadcast %get3A_347 : vector<1x128xf32> to vector<320x128xf32>
    %add3A_349 = arith.addf %mul3A_344, %add3A_348 : vector<320x128xf32>
    %add3A_350 = arith.addf %get3A_3, %add3A_349 : vector<320x128xf32>
    %get3A_351 = arith.constant 0 : index
    %get3A_352 = arith.constant 0 : index
    %get3A_353 = vector.load %arg18[%get3A_351, %get3A_352] : memref<128x540xf32, #tpu.memory_space<vmem>>, vector<128x540xf32>
    %dot_general3A_354 = arith.constant dense<0.000000e+00> : vector<320x540xf32>
    %dot_general3A_355 = tpu.matmul %add3A_350, %get3A_353, %dot_general3A_354 {dimension_numbers = #tpu.dot_dimension_numbers<[1], [0], [0], [1], [0, 0, 1, 1], [], []>, transpose_lhs_hint = false} : vector<320x128xf32>, vector<128x540xf32>, vector<320x540xf32> -> vector<320x540xf32>
    %swap3A = arith.constant 0 : index
    %swap3A_356 = arith.constant 0 : index
    %swap3A_357 = vector.load %arg21[%swap3A, %swap3A_356] : memref<320x540xf32, #tpu.memory_space<vmem>>, vector<320x540xf32>
    tpu.vector_store %arg21[%swap3A, %swap3A_356], %dot_general3A_355 {strides = array<i32>} : memref<320x540xf32, #tpu.memory_space<vmem>>, vector<320x540xf32>,
    return
  }
  func.func @transform_0(%arg0: i32) -> (i32, i32) {
    %c0_i32 = arith.constant 0 : i32
    %c0_i32_0 = arith.constant 0 : i32
    return %arg0, %c0_i32 : i32, i32
  }
  func.func @transform_1(%arg0: i32) -> (i32, i32) {
    %c0_i32 = arith.constant 0 : i32
    %c0_i32_0 = arith.constant 0 : i32
    return %arg0, %c0_i32 : i32, i32
  }
  func.func @transform_2(%arg0: i32) -> (i32, i32) {
    %c0_i32 = arith.constant 0 : i32
    %c0_i32_0 = arith.constant 0 : i32
    %c0_i32_1 = arith.constant 0 : i32
    return %c0_i32, %c0_i32_0 : i32, i32
  }
  func.func @transform_3(%arg0: i32) -> (i32, i32) {
    %c0_i32 = arith.constant 0 : i32
    %c0_i32_0 = arith.constant 0 : i32
    %c0_i32_1 = arith.constant 0 : i32
    return %c0_i32, %c0_i32_0 : i32, i32
  }
  func.func @transform_4(%arg0: i32) -> (i32, i32) {
    %c0_i32 = arith.constant 0 : i32
    %c0_i32_0 = arith.constant 0 : i32
    %c0_i32_1 = arith.constant 0 : i32
    return %c0_i32, %c0_i32_0 : i32, i32
  }
  func.func @transform_5(%arg0: i32) -> (i32, i32) {
    %c0_i32 = arith.constant 0 : i32
    %c0_i32_0 = arith.constant 0 : i32
    %c0_i32_1 = arith.constant 0 : i32
    return %c0_i32, %c0_i32_0 : i32, i32
  }
  func.func @transform_6(%arg0: i32) -> (i32, i32) {
    %c0_i32 = arith.constant 0 : i32
    %c0_i32_0 = arith.constant 0 : i32
    %c0_i32_1 = arith.constant 0 : i32
    return %c0_i32, %c0_i32_0 : i32, i32
  }
  func.func @transform_7(%arg0: i32) -> (i32, i32) {
    %c0_i32 = arith.constant 0 : i32
    %c0_i32_0 = arith.constant 0 : i32
    %c0_i32_1 = arith.constant 0 : i32
    return %c0_i32, %c0_i32_0 : i32, i32
  }
  func.func @transform_8(%arg0: i32) -> (i32, i32) {
    %c0_i32 = arith.constant 0 : i32
    %c0_i32_0 = arith.constant 0 : i32
    %c0_i32_1 = arith.constant 0 : i32
    return %c0_i32, %c0_i32_0 : i32, i32
  }
  func.func @transform_9(%arg0: i32) -> (i32, i32) {
    %c0_i32 = arith.constant 0 : i32
    %c0_i32_0 = arith.constant 0 : i32
    %c0_i32_1 = arith.constant 0 : i32
    return %c0_i32, %c0_i32_0 : i32, i32
  }
  func.func @transform_10(%arg0: i32) -> (i32, i32) {
    %c0_i32 = arith.constant 0 : i32
    %c0_i32_0 = arith.constant 0 : i32
    %c0_i32_1 = arith.constant 0 : i32
    return %c0_i32, %c0_i32_0 : i32, i32
  }
  func.func @transform_11(%arg0: i32) -> (i32, i32) {
    %c0_i32 = arith.constant 0 : i32
    %c0_i32_0 = arith.constant 0 : i32
    %c0_i32_1 = arith.constant 0 : i32
    return %c0_i32, %c0_i32_0 : i32, i32
  }
  func.func @transform_12(%arg0: i32) -> (i32, i32) {
    %c0_i32 = arith.constant 0 : i32
    %c0_i32_0 = arith.constant 0 : i32
    %c0_i32_1 = arith.constant 0 : i32
    return %c0_i32, %c0_i32_0 : i32, i32
  }
  func.func @transform_13(%arg0: i32) -> (i32, i32) {
    %c0_i32 = arith.constant 0 : i32
    %c0_i32_0 = arith.constant 0 : i32
    %c0_i32_1 = arith.constant 0 : i32
    return %c0_i32, %c0_i32_0 : i32, i32
  }
  func.func @transform_14(%arg0: i32) -> (i32, i32) {
    %c0_i32 = arith.constant 0 : i32
    %c0_i32_0 = arith.constant 0 : i32
    %c0_i32_1 = arith.constant 0 : i32
    return %c0_i32, %c0_i32_0 : i32, i32
  }
  func.func @transform_15(%arg0: i32) -> (i32, i32) {
    %c0_i32 = arith.constant 0 : i32
    %c0_i32_0 = arith.constant 0 : i32
    %c0_i32_1 = arith.constant 0 : i32
    return %c0_i32, %c0_i32_0 : i32, i32
  }
  func.func @transform_16(%arg0: i32) -> (i32, i32) {
    %c0_i32 = arith.constant 0 : i32
    %c0_i32_0 = arith.constant 0 : i32
    %c0_i32_1 = arith.constant 0 : i32
    return %c0_i32, %c0_i32_0 : i32, i32
  }
  func.func @transform_17(%arg0: i32) -> (i32, i32) {
    %c0_i32 = arith.constant 0 : i32
    %c0_i32_0 = arith.constant 0 : i32
    %c0_i32_1 = arith.constant 0 : i32
    return %c0_i32, %c0_i32_0 : i32, i32
  }
  func.func @transform_18(%arg0: i32) -> (i32, i32) {
    %c0_i32 = arith.constant 0 : i32
    %c0_i32_0 = arith.constant 0 : i32
    %c0_i32_1 = arith.constant 0 : i32
    return %c0_i32, %c0_i32_0 : i32, i32
  }
  func.func @transform_19(%arg0: i32) -> (i32, i32) {
    %c0_i32 = arith.constant 0 : i32
    %c0_i32_0 = arith.constant 0 : i32
    %c0_i32_1 = arith.constant 0 : i32
    return %c0_i32, %c0_i32_0 : i32, i32
  }
  func.func @transform_20(%arg0: i32) -> (i32, i32) {
    %c0_i32 = arith.constant 0 : i32
    %c0_i32_0 = arith.constant 0 : i32
    return %arg0, %c0_i32 : i32, i32
  }
}

</mosaic_0001>

<sc_bundles>
// kernel: gather_offload_async_start.1
scs
__scs_entry_jumppad:
0x0: {  	(pc) =	sbr.rel $0x88, $3  }
0x1: {  	(tag) =	ssettag $0x0;
	lr =	simm.s32 $0x1  }
0x2: {  	[smem:$0x3F8E] =	sst lr;
	_ =	strace $0xD0000000  }
0x3: {  	_ = 	snop  }
0x4: {  	_ = 	snop  }
0x5: {  	_ = 	snop  }
0x6: {  	_ = 	snop  }
0x7: {  	_ = 	snop  }
__scs_overlays_trampoline_lowered:
0x8: {  	[smem:$0x3F9D] =	sst s0  }
0x9: {  	[smem:$0x3F9E] =	sst s1  }
0xa: {  	[smem:$0x3F9F] =	sst s2  }
0xb: {  	[smem:$0x3FA0] =	sst s3  }
0xc: {  	[smem:$0x3FA1] =	sst s4  }
0xd: {  	[smem:$0x3FA2] =	sst s5  }
0xe: {  	[smem:$0x3FA3] =	sst s6  }
0xf: {  	[smem:$0x3FA4] =	sst s7  }
0x10: {  	[smem:$0x3FA5] =	sst s8  }
0x11: {  	[smem:$0x3FA6] =	sst s9;
	s0 =	simm.s32 @!p0 $0x0  }
0x12: {  	s1 =	sld [smem:$0x3F8C];
	s0 =	simm.s32 @p0 $0x1  }
0x13: {  	[smem:$0x3FA7] =	sst s0;
	s0 =	simm.s32 @!p1 $0x0  }
0x14: {  	s2 =	sld [smem:$0x3F8B];
	s0 =	simm.s32 @p1 $0x1  }
0x15: {  	[smem:$0x3FA8] =	sst s0;
	s0 =	simm.s32 @!p2 $0x0  }
0x16: {  	s3 =	sld [smem:$0x3FDB];
	s0 =	simm.s32 @p2 $0x1  }
0x17: {  	s4 =	simm.s32 $0x1BF5;
	[smem:$0x3FAA] =	sst s0  }
0x18: {  	s0 =	sld [smem:$0x3F8D];
	_ =	swait.ge [sflag:s4], $0x0  }
0x19: {  	s7 =	sld [smem:$0x3F8E]  }
0x1a: {  	s8 =	sadd.s32 $0xFFFFE003, lr  }
0x1b: {  	s9 =	sadd.s32 $0xFFFFFEF7, lr;
	s5 =	simm.s32 $0xFFFFFFFF;
	p2 =	slt.u32 s8, $0xFFFFF086  }
0x1c: {  	p1 =	slt.u32 s9, $0xF7A;
	s5 =	simm.s32 @!p2 $0x0  }
0x1d: {  	s5 =	simm.s32 @p1 $0x1;
	p0 =	seq.s32 s7, s2  }
0x1e: {  	s7 =	smul.u32 @!p0 $0xF7A, s2;
	p2 =	seq.s32 @!p0 s5, $0x0  }
0x1f: {  	s9 =	smul.u32 $0xF7A, s1;
	s8 =	simm.s32 @!p0 $0x1BF5;
	p2 =	por !p2, p0  }
0x20: {  	[sflag:s8] =	ssyncset.s32 @!p0 $0xFFFFF086;
	s6 =	sadd.s32 @!p0 s3, s7;
	s7 =	simm.s32 @!p0 $0x108  }
0x21: {  	s3 =	sadd.s32 s3, s9;
	s6 =	sadd.s32 @!p0 $0x88, s6;
	s7 =	simm.s32 @p2 $0x1082  }
0x22: {  	[simem:s7], [sflag:s8] =	dma.local @!p0 [hbm:s6], $0xF7A  }
0x23: {  	s9 =	sor.u32 $0xD0000000, s2;
	s6 =	simm.s32 $0x108;
	_ =	swait.ge @!p0 [sflag:s8], $0x0  }
0x24: {  	s3 =	sadd.s32 $0x88, s3;
	s6 =	simm.s32 @!p1 $0x1082;
	[sflag:s4] =	ssyncset.s32 $0xFFFFF086  }
0x25: {  	[simem:s6], [sflag:s4] =	dma.local [hbm:s3], $0xF7A  }
0x26: {  	[smem:$0x3F8E] =	sst s1;
	(tag) =	ssettag s2;
	_ =	strace s9  }
0x27: {  	s1 =	sld [smem:$0x3F9E]  }
0x28: {  	s2 =	sld [smem:$0x3F9F]  }
0x29: {  	s4 =	sld [smem:$0x3FA1]  }
0x2a: {  	p0 =	seq.s32 s5, $0x0;
	s5 =	sld [smem:$0x3FA2]  }
0x2b: {  	s6 =	sld [smem:$0x3FA3]  }
0x2c: {  	s7 =	sld [smem:$0x3FA4]  }
0x2d: {  	s3 =	simm.s32 $0x108;
	s8 =	sld [smem:$0x3FA5]  }
0x2e: {  	s3 =	simm.s32 @!p0 $0x1082;
	s9 =	sld [smem:$0x3FA6]  }
0x2f: {  	lr =	sadd.s32 s0, s3;
	s0 =	sld [smem:$0x3F9D]  }
0x30: {  	s3 =	sld [smem:$0x3FA0]  }
0x31: {  	[smem:$0x3FA9] =	sst s10  }
0x32: {  	s10 =	sld [smem:$0x3FA7];
	_ =	sdelay $0x3  }
0x33: {  	p0 =	seq.s32 s10, $0x1;
	s10 =	sld [smem:$0x3FA9];
	_ =	sdelay $0x3  }
0x34: {  	[smem:$0x3FA9] =	sst s10  }
0x35: {  	s10 =	sld [smem:$0x3FA8];
	_ =	sdelay $0x3  }
0x36: {  	p1 =	seq.s32 s10, $0x1;
	s10 =	sld [smem:$0x3FA9];
	_ =	sdelay $0x3  }
0x37: {  	[smem:$0x3FA9] =	sst s10  }
0x38: {  	s10 =	sld [smem:$0x3FAA]  }
0x39: {  	_ = 	snop;
	(pc) =	sbr.ind lr, $3  }
0x3a: {  	_ = 	snop  }
0x3b: {  	_ = 	snop  }
0x3c: {  	p2 =	seq.s32 s10, $0x1;
	s10 =	sld [smem:$0x3FA9]  }
0x3d: {  	_ =	shalt  }
0x3e: {  	_ =	shalt  }
0x3f: {  	_ =	shalt  }
0x40: {  	_ =	shalt  }
0x41: {  	_ =	shalt  }
0x42: {  	_ =	shalt  }
0x43: {  	_ =	shalt  }
0x44: {  	_ =	shalt  }
0x45: {  	_ =	shalt  }
0x46: {  	_ =	shalt  }
0x47: {  	_ =	shalt  }
0x48: {  	_ =	shalt  }
0x49: {  	_ =	shalt  }
0x4a: {  	_ =	shalt  }
0x4b: {  	_ =	shalt  }
0x4c: {  	_ =	shalt  }
0x4d: {  	_ =	shalt  }
0x4e: {  	_ =	shalt  }
0x4f: {  	_ =	shalt  }
0x50: {  	_ =	shalt  }
0x51: {  	_ =	shalt  }
0x52: {  	_ =	shalt  }
0x53: {  	_ =	shalt  }
0x54: {  	_ =	shalt  }
0x55: {  	_ =	shalt  }
0x56: {  	_ =	shalt  }
0x57: {  	_ =	shalt  }
0x58: {  	_ =	shalt  }
0x59: {  	_ =	shalt  }
0x5a: {  	_ =	shalt  }
0x5b: {  	_ =	shalt  }
0x5c: {  	_ =	shalt  }
0x5d: {  	_ =	shalt  }
0x5e: {  	_ =	shalt  }
0x5f: {  	_ =	shalt  }
0x60: {  	_ =	shalt  }
0x61: {  	_ =	shalt  }
0x62: {  	_ =	shalt  }
0x63: {  	_ =	shalt  }
0x64: {  	_ =	shalt  }
0x65: {  	_ =	shalt  }
0x66: {  	_ =	shalt  }
0x67: {  	_ =	shalt  }
0x68: {  	_ =	shalt  }
0x69: {  	_ =	shalt  }
0x6a: {  	_ =	shalt  }
0x6b: {  	_ =	shalt  }
0x6c: {  	_ =	shalt  }
0x6d: {  	_ =	shalt  }
0x6e: {  	_ =	shalt  }
0x6f: {  	_ =	shalt  }
0x70: {  	_ =	shalt  }
0x71: {  	_ =	shalt  }
0x72: {  	_ =	shalt  }
0x73: {  	_ =	shalt  }
0x74: {  	_ =	shalt  }
0x75: {  	_ =	shalt  }
0x76: {  	_ =	shalt  }
0x77: {  	_ =	shalt  }
0x78: {  	_ =	shalt  }
0x79: {  	_ =	shalt  }
0x7a: {  	_ =	shalt  }
0x7b: {  	_ =	shalt  }
0x7c: {  	_ =	shalt  }
0x7d: {  	_ =	shalt  }
0x7e: {  	_ =	shalt  }
0x7f: {  	_ =	shalt  }
0x80: {  	_ =	shalt  }
0x81: {  	_ =	shalt  }
0x82: {  	_ =	shalt  }
0x83: {  	_ =	shalt  }
0x84: {  	_ =	shalt  }
0x85: {  	_ =	shalt  }
0x86: {  	_ =	shalt  }
0x87: {  	_ =	shalt  }
.Lfunc_end0:
.L_simem_size_0:
called_computation.1_lowered:
.L_overlay_start_0:
0x88: {  	s2 =	sld [smem:$0x3FD9]  }
0x89: {  	s3 =	sld [smem:$0x3FFE];
	_ =	sdelay $0x1  }
0x8a: {  	s1 =	srdreg.scid  }
0x8b: {  	s0 =	sand.u32 $0x1, s1  }
0x8c: {  	s16 =	sshll.u32 s0, $0xA;
	s2 =	sadd.s32 s3, s2  }
0x8d: {  	s2 =	sadd.s32 s2, s16  }
0x8e: {  	[smem:$0x3FB5] =	sst s2  }
0x8f: {  	_ = 	snop  }
0x90: {  	(tm) =	ssettm $0x1  }
0x91: {  	s17 =	sld [smem:$0x3FFB];
	_ =	sdelay $0x3  }
0x92: {  	_ =	strace s17  }
0x93: {  	s2 =	sld [smem:$0x3FFC];
	_ =	sdelay $0x3  }
0x94: {  	_ =	strace s2  }
0x95: {  	s2 =	sld [smem:$0x3FFD];
	_ =	sdelay $0x3  }
0x96: {  	_ =	strace s2  }
0x97: {  	_ =	strace $0x8FFFFFFF  }
0x98: {  	s18 =	sld [smem:$0x3FDB];
	_ =	sdelay $0x1  }
0x99: {  	s19 =	simm.s32 $_scs_section_size  }
0x9a: {  	s4 =	simm.s32 $_size__tile_overlayer_lowered;
	s5 =	simm.s32 $_tile_overlayer_lowered  }
0x9b: {  	s22 =	simm.s32 $0x1BFF;
	s21 =	sshll.u32 s5, $0x1;
	s2 =	sadd.s32 s19, s18  }
0x9c: {  	s6 =	simm.s32 $0x0;
	s20 =	sshll.u32 s4, $0x1;
	s4 =	sadd.s32 s21, s2  }
0x9d: {  	[timem:s6], [sflag:s22] =	dma.local [hbm:s4], s20  }
0x9e: {  	_ =	swait.ge [sflag:s22], s20  }
0x9f: {  	s3 =	ssub.s32 $0x0, s20;
	[sflag:s22] =	ssyncset.done $0x0  }
0xa0: {  	[sflag:s22] =	ssyncadd.s32 s3;
	_ =	sdelay $0x1  }
0xa1: {  	s23 =	simm.s32 $0x1B8B  }
0xa2: {  	_ =	swait.ge [sflag:s23], $0x1  }
0xa3: {  	[sflag:s23] =	ssyncset.done $0x0  }
0xa4: {  	s25 =	simm.s32 $0x1B8E;
	s24 =	sld [smem:$0x3FFE];
	[sflag:s23] =	ssyncadd.s32 $0xFFFFFFFF  }
0xa5: {  	s26 =	simm.s32 $execute0_lowered;
	[smem:$0x3FD2] =	sst s25  }
0xa6: {  	s4 =	sshll.u32 s26, $0x1;
	_ =	strace $0x80000046;
	[dreg:$0x1] =	wrdreg $0xFFFFFFFF  }
0xa7: {  	s28 =	simm.s32 $_size_execute0_lowered;
	s2 =	sadd.s32 s2, s4;
	[dreg:$0x0] =	wrdreg $0x0  }
0xa8: {  	s4 =	sshll.u32 s28, $0x1;
	[dreg:$0x2] =	wrdreg s2  }
0xa9: {  	[dreg:$0x3] =	wrdreg s4  }
0xaa: {  	[dreg:$0x4] =	wrdreg $0xC0  }
0xab: {  	_ =	task [dreg:s6], $0x5FFFF  }
0xac: {  	[dreg:$0x1] =	wrdreg $0xFFFFFFFF  }
0xad: {  	[dreg:$0x0] =	wrdreg $0x60  }
0xae: {  	[dreg:$0x2] =	wrdreg s24  }
0xaf: {  	[dreg:$0x3] =	wrdreg $0x9  }
0xb0: {  	_ =	task.clear_ibuf [dreg:s6], $0x4FFFF;
	_ =	strace $0x90000046  }
0xb1: {  	s29 =	simm.s32 $0x9;
	_ =	strace $0x80000048  }
0xb2: {  	_ =	swait.ge [sflag:s29], $0x1  }
0xb3: {  	[sflag:s29] =	ssyncadd.s32 $0xFFFFFFFF  }
0xb4: {  	_ =	strace $0x90000048  }
0xb5: {  	_ =	sfence  }
0xb6: {  	s30 =	sld [smem:$0x0];
	_ =	sdelay $0x2  }
0xb7: {  	s31 =	sshll.u32 s1, $0xD;
	s1 =	sshrl.u32 s1, $0x2  }
0xb8: {  	s3 =	sand.u32 $0x4000, s31;
	s1 =	sadd.s32 s1, s30  }
0xb9: {  	s0 =	sor.u32 s3, s0;
	s1 =	sshll.u32 s1, $0x11  }
0xba: {  	s0 =	sor.u32 s1, s0  }
0xbb: {  	s0 =	sadd.s32 $0x8F2B, s0  }
0xbc: {  	[sflag:s0] =	ssyncadd.remote.s32 $0x1  }
0xbd: {  	_ =	sfence.sel $0xFFFF  }
0xbe: {  	[dreg:$0x0] =	wrdreg $0xFFFFFFFF;
	(pc) =	sbr.abs _section_cstart, $3  }
0xbf: {  	[dreg:$0x1] =	wrdreg $0xFFFFFFFF  }
0xc0: {  	_ =	task.clear_ibuf [dreg:s6], $0x2FFFF;
	_ =	strace $0x9FFFFFFF  }
0xc1: {  	(tm) =	ssettm $0x7FFFFFFF  }
tec
execute0_lowered:
.L_overlay_start_1:
0x0: {  	(tag) =	ssettag $0x1  }
0x1: {  	s8 =	rddreg [dreg:$0x0]  }
0x2: {  	s0 =	rddreg [dreg:$0x1];
	_ =	strace $0x80000047;
	s1 =	stileid.u32  }
0x3: {  	s3 =	srdreg.scid;
	s4 =	simm.s32 $0x1;
	s7 =	simm.s32 $0x1  }
0x4: {  	s9 =	simm.s32 $0x1;
	s10 =	simm.s32 $0x3;
	s13 =	simm.s32 $0x0  }
0x5: {  	s12 =	simm.s32 $0x0;
	s5 =	sand.u32 $0x1, s3;
	s6 =	sshll.u32 s1, $0x1  }
0x6: {  	s2 =	sadd.s32 $0x3600, s8;
	s3 =	sadd.s32 $0xC2A00, s8;
	s5 =	sor.u32 s6, s5  }
.Ltmp0:
0x7: {  	[sflag:s4] =	ssyncpa.u1 $0x0;
	p0 =	slt.u32 s5, $0x13;
	(pc) =	sbr.rel .LBB2_1-.Ltmp0, $4  }
0x8: {  	s6 =	simm.s32 $0x2;
	s7 =	simm.s32 @!p0 $0x0;
	p0 =	sne.s32 s5, $0x12  }
0x9: {  	[sflag:s6] =	ssyncpa.u1 $0x0;
	s5 =	smul.u32 $0x320, s5;
	s9 =	simm.s32 @!p0 $0x0  }
0xa: {  	s8 =	sadd.s32 $0x165200, s8;
	[sflag:s10] =	ssyncpa.u1 $0x0;
	s7 =	sadd.s32 s9, s7  }
0xb: {  	vm0 =	vmmov $0xffff;
	s10 =	simm.s32 $0x0;
	s11 =	smov.u32 s5;
	s9 =	sadd.s32 $0x1, s7  }
.LBB2_4:
0xc: {  	v2 =	vnsel vm1, $0x0, v2  }
0xd: {  	vm1 =	vgt.s32 v0, $0x0;
	v2 =	vmin.u32 v2, $0x9C3F  }
0xe: {  	v0 =	vnsel vm1, $0x0, v0  }
0xf: {  	v0 =	vmin.u32 v0, $0x9C3F  }
0x10: {  	[tilespmem:s18], [sflag:$0x1] =	stream.indirect_vreg.gather [hbm4b:s2+s10], $0x1, v1, vm0, $0x4038;
	[tilespmem:$0xC80] =	vst v63  }
0x11: {  	(ifvalue) =	ssetifvalue $0x7FFFFFFF  }
0x12: {  	[tilespmem:s15], [sflag:$0x1] =	stream.indirect_vreg.gather [hbm4b:s2+s10], $0x1, v2, vm0, $0x4038;
	[tilespmem:$0xC80] =	vst v63  }
0x13: {  	s29 =	sadd.s32 $0x10, s15;
	(ifvalue) =	ssetifvalue $0x7FFFFFFF  }
0x14: {  	[tilespmem:s29], [sflag:$0x1] =	stream.indirect_vreg.gather [hbm4b:s2+s10], $0x1, v0, vm0, $0x4038;
	[tilespmem:$0xC80] =	vst v63  }
0x15: {  	_ =	swait.ge [sflag:s4], $0x320  }
0x16: {  	s30 =	sshrl.u32 s13, $0x3;
	[sflag:s4] =	ssyncset.done $0x0  }
0x17: {  	s31 =	sand.u32 $0x7, s13;
	s15 =	sadd.s32 s8, s30;
	[sflag:s4] =	ssyncadd.s32 $0xFFFFFCE0  }
0x18: {  	[hbm4b:s15+s31] =	stream.linear.scatter [tilespmem:s14], [sflag:$0x3], $0x320, $0x38;
	[tilespmem:$0xC80] =	vst v63  }
.LBB2_5:
0x19: {  	s15 =	sadd.s32 $0x6400, s11  }
0x1a: {  	p1 =	sgt.s32 s15, $0x9C3F  }
0x1b: {  	s15 =	smov.u32 @p1 s5;
	p1 =	sne.s32 s12, s9  }
.Ltmp1:
0x1c: {  	p0 =	slt.u32 s12, $0x2;
	(pc) =	sbr.rel @!p1 .LBB2_6-.Ltmp1, $4  }
0x1d: {  	s14 =	simm.s32 @!p0 $0x3  }
0x1e: {  	_ =	swait.ge @!p0 [sflag:s14], $0x320  }
0x1f: {  	s16 =	sadd.s32 $0x1, s12;
	s13 =	smov.u32 s11;
	[sflag:s14] =	ssyncset.done @!p0 $0x0  }
0x20: {  	s12 =	smov.u32 s16;
	s11 =	smov.u32 s15;
	[sflag:s14] =	ssyncadd.s32 @!p0 $0xFFFFFCE0  }
.LBB2_1:
0x21: {  	p0 =	sge.u32 s12, s7  }
0x22: {  	s14 =	sxor.u32 @!p0 $0x1, s12  }
0x23: {  	s14 =	smul.u32 @!p0 $0xC80, s14  }
0x24: {  	s31 =	sadd.s32 $0xFFFFFFFF, s12;
	s15 =	sshrl.u32 @!p0 s11, $0x3  }
0x25: {  	s16 =	sand.u32 @!p0 $0x7, s11;
	s15 =	sadd.s32 @!p0 s3, s15;
	s14 =	sshra.s32 @!p0 s14, $0x2  }
0x26: {  	[tilespmem:s14], [sflag:$0x2] =	stream.linear.gather @!p0 [hbm4b:s15+s16], $0x320, $0x38;
	[tilespmem:$0xC80] =	vst v63  }
0x27: {  	p0 =	sge.u32 s31, s7  }
.Ltmp2:
0x28: {  	_ = 	snop;
	(pc) =	sbr.rel @p0 .LBB2_5-.Ltmp2, $1  }
0x29: {  	_ =	sdelay $0x3  }
0x2a: {  	s14 =	sand.u32 $0x1, s12  }
0x2b: {  	_ =	swait.ge [sflag:s6], $0x320;
	p0 =	seq.s32 s14, $0x1;
	s14 =	simm.s32 $0x320  }
0x2c: {  	[sflag:s6] =	ssyncset.done $0x0;
	s14 =	simm.s32 @!p0 $0x0  }
0x2d: {  	[sflag:s6] =	ssyncadd.s32 $0xFFFFFCE0;
	(ifvalue) =	ssetifvalue $0x7FFFFFFF;
	v0 =	vld.msk [tilespmem:s14+$0x0 ss:$0x1], $0xffff;
	_ =	sdelay $0x4  }
0x2e: {  	s15 =	sadd.s32 $0x10, s14;
	vm1 =	vgt.s32 v0, $0x0  }
0x2f: {  	v2 =	vld.msk [tilespmem:s15+$0x0 ss:$0x1], $0xffff;
	v1 =	vnsel vm1, $0x0, v0  }
0x30: {  	v1 =	vmin.u32 v1, $0x9C3F;
	_ =	sdelay $0x2  }
0x31: {  	s17 =	simm.s32 $0x20;
	s14 =	sadd.s32 $0x640, s14;
	s16 =	sadd.s32 $0x10, s15  }
0x32: {  	s15 =	sadd.s32 $0x10, s14;
	s18 =	smov.u32 s14;
	v0 =	vld.msk [tilespmem:s16+$0x0 ss:$0x1], $0xffff;
	vm1 =	vgt.s32 v2, $0x0;
	(ifvalue) =	ssetifvalue $0x7FFFFFFF  }
.LBB2_3:
0x33: {  	[tilespmem:s18], [sflag:$0x1] =	stream.indirect_vreg.gather [hbm4b:s2+s10], $0x1, v1, vm0, $0x4038;
	[tilespmem:$0xC80] =	vst v63  }
0x34: {  	s17 =	sadd.s32 $0x10, s17  }
0x35: {  	v2 =	vnsel vm1, $0x0, v2;
	p0 =	slt.u32 s17, $0x310  }
.Ltmp3:
0x36: {  	s18 =	smov.u32 s15;
	v1 =	vmin.u32 v2, $0x9C3F;
	(pc) =	sbr.rel @p0 .LBB2_3-.Ltmp3, $3  }
0x37: {  	_ =	sdelay $0x1  }
0x38: {  	s16 =	sadd.s32 $0x10, s16  }
0x39: {  	vm1 =	vgt.s32 v0, $0x0;
	s15 =	sadd.s32 $0x10, s15;
	v2 =	vmov v0;
	(ifvalue) =	ssetifvalue $0x7FFFFFFF;
	v0 =	vld.msk [tilespmem:s16+$0x0 ss:$0x1], $0xffff  }
.Ltmp4:
0x3a: {  	_ = 	snop;
	(pc) =	sbr.rel .LBB2_4-.Ltmp4, $1  }
0x3b: {  	_ =	sdelay $0x3  }
.LBB2_6:
0x3c: {  	_ =	sfence.sel $0x180000  }
0x3d: {  	s2 =	simm.s32 $0x2;
	[bflag:$0x0] =	sbarrier.arrive $0xFFFF  }
0x3e: {  	s30 =	simm.s32 $0x3;
	[sflag:s2] =	ssyncpa.u1 $0x1  }
0x3f: {  	s31 =	simm.s32 $0x1;
	[sflag:s30] =	ssyncpa.u1 $0x1  }
0x40: {  	[sflag:s31] =	ssyncpa.u1 $0x1  }
0x41: {  	p0 =	sne.s32 s1, $0x0;
	_ =	strace $0x90000047  }
0x42: {  	s0 =	sadd.s32 @!p0 $0x100000, s0;
	[bflag:$0x2] =	sbarrier.arrive $0xFFFF  }
0x43: {  	[sflag:s0] =	ssyncadd.tile.s32 @!p0 $0x1;
	_ =	shalt  }
.Lfunc_end2:
_tile_overlayer_lowered:
.L_overlay_start_2:
0x44: {  	(tag) =	ssettag $0x2  }
0x45: {  	s0 =	rddreg [dreg:$0x0];
	s2 =	stileid.u32  }
0x46: {  	s1 =	rddreg [dreg:$0x1];
	p0 =	sne.s32 s2, $0x0  }
0x47: {  	s3 =	rddreg [dreg:$0x2];
	[bflag:$0x3] =	sbarrier.arrive $0xFFFF;
	s2 =	simm.s32 @!p0 $0x1C01  }
0x48: {  	[timem:s3], [sflag:s2] =	dma.local @!p0 [hbm:s0], s1  }
0x49: {  	s0 =	simm.s32 @!p0 $0x1  }
0x4a: {  	_ =	swait.ge @!p0 [sflag:s0], s1  }
0x4b: {  	s1 =	ssub.s32 @!p0 $0x0, s1;
	[sflag:s0] =	ssyncset.done @!p0 $0x0  }
0x4c: {  	[sflag:s0] =	ssyncadd.s32 @!p0 s1  }
0x4d: {  	[bflag:$0x3] =	sbarrier.arrive $0xFFFF  }
0x4e: {  	_ =	shalt  }

// kernel: gather_offload_async_start.2
scs
__scs_entry_jumppad:
0x0: {  	(pc) =	sbr.rel $0x88, $3  }
0x1: {  	(tag) =	ssettag $0x0;
	lr =	simm.s32 $0x1  }
0x2: {  	[smem:$0x3F8E] =	sst lr;
	_ =	strace $0xD0000000  }
0x3: {  	_ = 	snop  }
0x4: {  	_ = 	snop  }
0x5: {  	_ = 	snop  }
0x6: {  	_ = 	snop  }
0x7: {  	_ = 	snop  }
__scs_overlays_trampoline_lowered:
0x8: {  	[smem:$0x3F9D] =	sst s0  }
0x9: {  	[smem:$0x3F9E] =	sst s1  }
0xa: {  	[smem:$0x3F9F] =	sst s2  }
0xb: {  	[smem:$0x3FA0] =	sst s3  }
0xc: {  	[smem:$0x3FA1] =	sst s4  }
0xd: {  	[smem:$0x3FA2] =	sst s5  }
0xe: {  	[smem:$0x3FA3] =	sst s6  }
0xf: {  	[smem:$0x3FA4] =	sst s7  }
0x10: {  	[smem:$0x3FA5] =	sst s8  }
0x11: {  	[smem:$0x3FA6] =	sst s9;
	s0 =	simm.s32 @!p0 $0x0  }
0x12: {  	s1 =	sld [smem:$0x3F8C];
	s0 =	simm.s32 @p0 $0x1  }
0x13: {  	[smem:$0x3FA7] =	sst s0;
	s0 =	simm.s32 @!p1 $0x0  }
0x14: {  	s2 =	sld [smem:$0x3F8B];
	s0 =	simm.s32 @p1 $0x1  }
0x15: {  	[smem:$0x3FA8] =	sst s0;
	s0 =	simm.s32 @!p2 $0x0  }
0x16: {  	s3 =	sld [smem:$0x3FDB];
	s0 =	simm.s32 @p2 $0x1  }
0x17: {  	s4 =	simm.s32 $0x1BF5;
	[smem:$0x3FAA] =	sst s0  }
0x18: {  	s0 =	sld [smem:$0x3F8D];
	_ =	swait.ge [sflag:s4], $0x0  }
0x19: {  	s7 =	sld [smem:$0x3F8E]  }
0x1a: {  	s8 =	sadd.s32 $0xFFFFE003, lr  }
0x1b: {  	s9 =	sadd.s32 $0xFFFFFEF7, lr;
	s5 =	simm.s32 $0xFFFFFFFF;
	p2 =	slt.u32 s8, $0xFFFFF086  }
0x1c: {  	p1 =	slt.u32 s9, $0xF7A;
	s5 =	simm.s32 @!p2 $0x0  }
0x1d: {  	s5 =	simm.s32 @p1 $0x1;
	p0 =	seq.s32 s7, s2  }
0x1e: {  	s7 =	smul.u32 @!p0 $0xF7A, s2;
	p2 =	seq.s32 @!p0 s5, $0x0  }
0x1f: {  	s9 =	smul.u32 $0xF7A, s1;
	s8 =	simm.s32 @!p0 $0x1BF5;
	p2 =	por !p2, p0  }
0x20: {  	[sflag:s8] =	ssyncset.s32 @!p0 $0xFFFFF086;
	s6 =	sadd.s32 @!p0 s3, s7;
	s7 =	simm.s32 @!p0 $0x108  }
0x21: {  	s3 =	sadd.s32 s3, s9;
	s6 =	sadd.s32 @!p0 $0x88, s6;
	s7 =	simm.s32 @p2 $0x1082  }
0x22: {  	[simem:s7], [sflag:s8] =	dma.local @!p0 [hbm:s6], $0xF7A  }
0x23: {  	s9 =	sor.u32 $0xD0000000, s2;
	s6 =	simm.s32 $0x108;
	_ =	swait.ge @!p0 [sflag:s8], $0x0  }
0x24: {  	s3 =	sadd.s32 $0x88, s3;
	s6 =	simm.s32 @!p1 $0x1082;
	[sflag:s4] =	ssyncset.s32 $0xFFFFF086  }
0x25: {  	[simem:s6], [sflag:s4] =	dma.local [hbm:s3], $0xF7A  }
0x26: {  	[smem:$0x3F8E] =	sst s1;
	(tag) =	ssettag s2;
	_ =	strace s9  }
0x27: {  	s1 =	sld [smem:$0x3F9E]  }
0x28: {  	s2 =	sld [smem:$0x3F9F]  }
0x29: {  	s4 =	sld [smem:$0x3FA1]  }
0x2a: {  	p0 =	seq.s32 s5, $0x0;
	s5 =	sld [smem:$0x3FA2]  }
0x2b: {  	s6 =	sld [smem:$0x3FA3]  }
0x2c: {  	s7 =	sld [smem:$0x3FA4]  }
0x2d: {  	s3 =	simm.s32 $0x108;
	s8 =	sld [smem:$0x3FA5]  }
0x2e: {  	s3 =	simm.s32 @!p0 $0x1082;
	s9 =	sld [smem:$0x3FA6]  }
0x2f: {  	lr =	sadd.s32 s0, s3;
	s0 =	sld [smem:$0x3F9D]  }
0x30: {  	s3 =	sld [smem:$0x3FA0]  }
0x31: {  	[smem:$0x3FA9] =	sst s10  }
0x32: {  	s10 =	sld [smem:$0x3FA7];
	_ =	sdelay $0x3  }
0x33: {  	p0 =	seq.s32 s10, $0x1;
	s10 =	sld [smem:$0x3FA9];
	_ =	sdelay $0x3  }
0x34: {  	[smem:$0x3FA9] =	sst s10  }
0x35: {  	s10 =	sld [smem:$0x3FA8];
	_ =	sdelay $0x3  }
0x36: {  	p1 =	seq.s32 s10, $0x1;
	s10 =	sld [smem:$0x3FA9];
	_ =	sdelay $0x3  }
0x37: {  	[smem:$0x3FA9] =	sst s10  }
0x38: {  	s10 =	sld [smem:$0x3FAA]  }
0x39: {  	_ = 	snop;
	(pc) =	sbr.ind lr, $3  }
0x3a: {  	_ = 	snop  }
0x3b: {  	_ = 	snop  }
0x3c: {  	p2 =	seq.s32 s10, $0x1;
	s10 =	sld [smem:$0x3FA9]  }
0x3d: {  	_ =	shalt  }
0x3e: {  	_ =	shalt  }
0x3f: {  	_ =	shalt  }
0x40: {  	_ =	shalt  }
0x41: {  	_ =	shalt  }
0x42: {  	_ =	shalt  }
0x43: {  	_ =	shalt  }
0x44: {  	_ =	shalt  }
0x45: {  	_ =	shalt  }
0x46: {  	_ =	shalt  }
0x47: {  	_ =	shalt  }
0x48: {  	_ =	shalt  }
0x49: {  	_ =	shalt  }
0x4a: {  	_ =	shalt  }
0x4b: {  	_ =	shalt  }
0x4c: {  	_ =	shalt  }
0x4d: {  	_ =	shalt  }
0x4e: {  	_ =	shalt  }
0x4f: {  	_ =	shalt  }
0x50: {  	_ =	shalt  }
0x51: {  	_ =	shalt  }
0x52: {  	_ =	shalt  }
0x53: {  	_ =	shalt  }
0x54: {  	_ =	shalt  }
0x55: {  	_ =	shalt  }
0x56: {  	_ =	shalt  }
0x57: {  	_ =	shalt  }
0x58: {  	_ =	shalt  }
0x59: {  	_ =	shalt  }
0x5a: {  	_ =	shalt  }
0x5b: {  	_ =	shalt  }
0x5c: {  	_ =	shalt  }
0x5d: {  	_ =	shalt  }
0x5e: {  	_ =	shalt  }
0x5f: {  	_ =	shalt  }
0x60: {  	_ =	shalt  }
0x61: {  	_ =	shalt  }
0x62: {  	_ =	shalt  }
0x63: {  	_ =	shalt  }
0x64: {  	_ =	shalt  }
0x65: {  	_ =	shalt  }
0x66: {  	_ =	shalt  }
0x67: {  	_ =	shalt  }
0x68: {  	_ =	shalt  }
0x69: {  	_ =	shalt  }
0x6a: {  	_ =	shalt  }
0x6b: {  	_ =	shalt  }
0x6c: {  	_ =	shalt  }
0x6d: {  	_ =	shalt  }
0x6e: {  	_ =	shalt  }
0x6f: {  	_ =	shalt  }
0x70: {  	_ =	shalt  }
0x71: {  	_ =	shalt  }
0x72: {  	_ =	shalt  }
0x73: {  	_ =	shalt  }
0x74: {  	_ =	shalt  }
0x75: {  	_ =	shalt  }
0x76: {  	_ =	shalt  }
0x77: {  	_ =	shalt  }
0x78: {  	_ =	shalt  }
0x79: {  	_ =	shalt  }
0x7a: {  	_ =	shalt  }
0x7b: {  	_ =	shalt  }
0x7c: {  	_ =	shalt  }
0x7d: {  	_ =	shalt  }
0x7e: {  	_ =	shalt  }
0x7f: {  	_ =	shalt  }
0x80: {  	_ =	shalt  }
0x81: {  	_ =	shalt  }
0x82: {  	_ =	shalt  }
0x83: {  	_ =	shalt  }
0x84: {  	_ =	shalt  }
0x85: {  	_ =	shalt  }
0x86: {  	_ =	shalt  }
0x87: {  	_ =	shalt  }
.Lfunc_end0:
.L_simem_size_0:
called_computation.2_lowered:
.L_overlay_start_0:
0x88: {  	s2 =	sld [smem:$0x3FD9]  }
0x89: {  	s3 =	sld [smem:$0x3FFE];
	_ =	sdelay $0x1  }
0x8a: {  	s1 =	srdreg.scid  }
0x8b: {  	s0 =	sand.u32 $0x1, s1  }
0x8c: {  	s17 =	sshll.u32 s0, $0xA;
	s2 =	sadd.s32 s3, s2  }
0x8d: {  	s2 =	sadd.s32 s2, s17  }
0x8e: {  	[smem:$0x3FB5] =	sst s2  }
0x8f: {  	_ = 	snop  }
0x90: {  	s18 =	sld [smem:$0x3FC9];
	(tm) =	ssettm $0x1  }
0x91: {  	s19 =	sld [smem:$0x3FFB];
	_ =	sdelay $0x3  }
0x92: {  	_ =	strace s19  }
0x93: {  	s2 =	sld [smem:$0x3FFC];
	_ =	sdelay $0x3  }
0x94: {  	_ =	strace s2  }
0x95: {  	s2 =	sld [smem:$0x3FFD];
	_ =	sdelay $0x3  }
0x96: {  	_ =	strace s2  }
0x97: {  	_ =	strace $0x8FFFFFFF  }
0x98: {  	s20 =	sld [smem:$0x3FDB];
	_ =	sdelay $0x1  }
0x99: {  	s4 =	simm.s32 $_scs_section_size  }
0x9a: {  	s5 =	simm.s32 $_size__tile_overlayer_lowered;
	s6 =	simm.s32 $_tile_overlayer_lowered  }
0x9b: {  	s7 =	simm.s32 $0x1BFF;
	s21 =	sshll.u32 s6, $0x1;
	s4 =	sadd.s32 s4, s20  }
0x9c: {  	s22 =	simm.s32 $0x0;
	s5 =	sshll.u32 s5, $0x1;
	s6 =	sadd.s32 s21, s4  }
0x9d: {  	[timem:s22], [sflag:s7] =	dma.local [hbm:s6], s5  }
0x9e: {  	_ =	swait.ge [sflag:s7], s5  }
0x9f: {  	s5 =	ssub.s32 $0x0, s5;
	[sflag:s7] =	ssyncset.done $0x0  }
0xa0: {  	[sflag:s7] =	ssyncadd.s32 s5;
	_ =	sdelay $0x1  }
0xa1: {  	s23 =	simm.s32 $0x1B8B  }
0xa2: {  	_ =	swait.ge [sflag:s23], $0x1  }
0xa3: {  	[sflag:s23] =	ssyncset.done $0x0  }
0xa4: {  	[sflag:s23] =	ssyncadd.s32 $0xFFFFFFFF  }
0xa5: {  	s5 =	sld [smem:$0x0]  }
0xa6: {  	s6 =	sand.u32 $0xFFFFFFFE, s1  }
0xa7: {  	p0 =	sne.s32 s1, s6  }
0xa8: {  	s6 =	sshll.u32 @p0 s6, $0xE  }
0xa9: {  	s6 =	sadd.s32 @p0 $0x11B8D, s6;
	s7 =	sshll.u32 @p0 s5, $0x11  }
0xaa: {  	s6 =	sor.u32 @p0 s7, s6  }
0xab: {  	[sflag:s6] =	ssyncadd.remote.s32 @p0 $0x1;
	_ =	sdelay $0x1  }
0xac: {  	s6 =	simm.s32 @p0 $0x1B8D  }
0xad: {  	_ =	swait.eq @p0 [sflag:s6], $0x1  }
0xae: {  	[sflag:s6] =	ssyncadd.s32 @p0 $0xFFFFFFFF  }
0xaf: {  	s7 =	sshll.u32 @!p0 s1, $0xE  }
0xb0: {  	s7 =	sor.u32 @!p0 $0x4000, s7;
	s6 =	simm.s32 @!p0 $0x1B8D  }
0xb1: {  	s5 =	sshll.u32 @!p0 s5, $0x11;
	s7 =	sadd.s32 @!p0 $0x11B8D, s7;
	_ =	swait.eq @!p0 [sflag:s6], $0x1  }
0xb2: {  	s5 =	sor.u32 @!p0 s5, s7;
	[sflag:s6] =	ssyncadd.s32 @!p0 $0xFFFFFFFF  }
0xb3: {  	s25 =	simm.s32 $0x1B8E;
	s24 =	sld [smem:$0x3FFE];
	[sflag:s5] =	ssyncadd.remote.s32 @!p0 $0x1  }
0xb4: {  	s26 =	simm.s32 $execute0_lowered;
	[smem:$0x3FD2] =	sst s25  }
0xb5: {  	s6 =	sshll.u32 s26, $0x1;
	_ =	strace $0x8000004F;
	[dreg:$0x1] =	wrdreg $0xFFFFFFFF  }
0xb6: {  	s28 =	simm.s32 $_size_execute0_lowered;
	s4 =	sadd.s32 s4, s6;
	[dreg:$0x0] =	wrdreg $0x0  }
0xb7: {  	s6 =	sshll.u32 s28, $0x1;
	[dreg:$0x2] =	wrdreg s4  }
0xb8: {  	[dreg:$0x3] =	wrdreg s6  }
0xb9: {  	[dreg:$0x4] =	wrdreg $0xC0  }
0xba: {  	_ =	task [dreg:s22], $0x5FFFF  }
0xbb: {  	[dreg:$0x1] =	wrdreg $0xFFFFFFFF  }
0xbc: {  	[dreg:$0x0] =	wrdreg $0x60  }
0xbd: {  	[dreg:$0x2] =	wrdreg s18  }
0xbe: {  	[dreg:$0x3] =	wrdreg s24  }
0xbf: {  	[dreg:$0x4] =	wrdreg $0x9  }
0xc0: {  	_ =	task.clear_ibuf [dreg:s22], $0x5FFFF;
	_ =	strace $0x9000004F  }
0xc1: {  	s29 =	simm.s32 $0x9;
	_ =	strace $0x80000051  }
0xc2: {  	_ =	swait.ge [sflag:s29], $0x1  }
0xc3: {  	[sflag:s29] =	ssyncadd.s32 $0xFFFFFFFF  }
0xc4: {  	_ =	strace $0x90000051  }
0xc5: {  	_ =	sfence  }
0xc6: {  	s30 =	sld [smem:$0x0];
	_ =	sdelay $0x2  }
0xc7: {  	s31 =	sshll.u32 s1, $0xD;
	s1 =	sshrl.u32 s1, $0x2  }
0xc8: {  	s4 =	sand.u32 $0x4000, s31;
	s1 =	sadd.s32 s1, s30  }
0xc9: {  	s0 =	sor.u32 s4, s0;
	s1 =	sshll.u32 s1, $0x11  }
0xca: {  	s0 =	sor.u32 s1, s0  }
0xcb: {  	s0 =	sadd.s32 $0x8F2B, s0  }
0xcc: {  	[sflag:s0] =	ssyncadd.remote.s32 $0x1  }
0xcd: {  	_ =	sfence.sel $0xFFFF  }
0xce: {  	[dreg:$0x0] =	wrdreg $0xFFFFFFFF;
	(pc) =	sbr.abs _section_cstart, $3  }
0xcf: {  	[dreg:$0x1] =	wrdreg $0xFFFFFFFF  }
0xd0: {  	_ =	task.clear_ibuf [dreg:s22], $0x2FFFF;
	_ =	strace $0x9FFFFFFF  }
0xd1: {  	(tm) =	ssettm $0x7FFFFFFF  }
tec
execute0_lowered:
.L_overlay_start_1:
0x0: {  	(tag) =	ssettag $0x1  }
0x1: {  	s0 =	srdreg.scid  }
0x2: {  	s1 =	sshll.u32 s0, $0x4  }
0x3: {  	s0 =	stileid.u32;
	s1 =	sand.u32 $0x10, s1  }
0x4: {  	s2 =	sor.u32 s0, s1  }
0x5: {  	s1 =	smul.u32 $0x3, s2  }
0x6: {  	s3 =	smin.u32 s2, $0x4  }
0x7: {  	s1 =	sadd.s32 s3, s1  }
0x8: {  	p0 =	slt.u32 s2, $0x4;
	s2 =	simm.s32 $0x640;
	s1 =	smul.u32 $0x190, s1  }
0x9: {  	s2 =	simm.s32 @!p0 $0x4B0  }
0xa: {  	s2 =	sadd.s32 s2, s1  }
0xb: {  	s3 =	smin.u32 s2, $0x9C40  }
0xc: {  	s7 =	ssub.s32 s3, s1  }
0xd: {  	p0 =	sgt.s32 s7, $0x0  }
0xe: {  	s7 =	simm.s32 @!p0 $0x0  }
0xf: {  	s31 =	sand.u32 $0xFFF0, s7  }
0x10: {  	s2 =	sshrl.u32 s31, $0x4  }
0x11: {  	s4 =	rddreg [dreg:$0x0];
	s2 =	smul.u32 $0xA3E, s2  }
0x12: {  	s9 =	rddreg [dreg:$0x1];
	s6 =	simm.s32 $0x1  }
0x13: {  	s11 =	simm.s32 $0x3;
	s13 =	simm.s32 $0x0;
	s8 =	sshrl.u32 s2, $0x10  }
0x14: {  	s12 =	simm.s32 $0x0;
	s5 =	sadd.s32 $0xC2A00, s9;
	s10 =	smul.u32 $0x190, s8  }
.Ltmp0:
0x15: {  	s9 =	sadd.s32 $0x320C00, s9;
	s2 =	rddreg [dreg:$0x2];
	(pc) =	sbr.rel .LBB2_1-.Ltmp0, $4  }
0x16: {  	_ =	strace $0x80000050;
	p0 =	sne.s32 s7, s10;
	s10 =	simm.s32 $0x1  }
0x17: {  	[sflag:s6] =	ssyncpa.u1 $0x0;
	s7 =	simm.s32 $0x2;
	s10 =	simm.s32 @!p0 $0x0  }
0x18: {  	[sflag:s7] =	ssyncpa.u1 $0x0;
	p0 =	por $0x0, $0x0;
	s8 =	sadd.s32 s8, s10  }
0x19: {  	vm0 =	vmmov $0xff;
	vm1 =	vcmask $0x3F20;
	[sflag:s11] =	ssyncpa.u1 $0x0;
	s11 =	smov.u32 s1;
	s10 =	sadd.s32 $0x1, s8  }
.LBB2_6:
0x1a: {  	[hbm:s17] =	stream.linear.scatter [tilespmem:s14], [sflag:$0x3], $0x400, $0x38;
	[tilespmem:$0x19320] =	vst v63  }
.LBB2_7:
0x1b: {  	s13 =	sadd.s32 $0x190, s11  }
0x1c: {  	s15 =	smov.u32 s1;
	p2 =	slt.s32 s13, s3  }
0x1d: {  	s15 =	smov.u32 @p2 s13;
	p2 =	sne.s32 s12, s10  }
.Ltmp1:
0x1e: {  	p1 =	slt.u32 s12, $0x2;
	(pc) =	sbr.rel @!p2 .LBB2_8-.Ltmp1, $4  }
0x1f: {  	s14 =	simm.s32 @!p1 $0x3  }
0x20: {  	s16 =	sadd.s32 $0x1, s12;
	_ =	swait.ge @!p1 [sflag:s14], $0xC800  }
0x21: {  	p0 =	por !p0, !p0;
	s13 =	smov.u32 s11;
	[sflag:s14] =	ssyncset.done @!p1 $0x0  }
0x22: {  	s12 =	smov.u32 s16;
	s11 =	smov.u32 s15;
	[sflag:s14] =	ssyncadd.s32 @!p1 $0xFFFF3800  }
.LBB2_1:
0x23: {  	p1 =	sge.u32 s12, s8  }
0x24: {  	s14 =	sxor.u32 @!p1 $0xFFFFFFFF, s12  }
0x25: {  	s14 =	sand.u32 @!p1 $0x1, s14  }
0x26: {  	s14 =	smul.u32 @!p1 $0x640, s14  }
0x27: {  	s31 =	sadd.s32 $0xFFFFFFFF, s12;
	s15 =	sshrl.u32 @!p1 s11, $0x3  }
0x28: {  	s16 =	sand.u32 @!p1 $0x7, s11;
	s15 =	sadd.s32 @!p1 s5, s15;
	s14 =	sshrl.u32 @!p1 s14, $0x2  }
0x29: {  	[tilespmem:s14], [sflag:$0x2] =	stream.linear.gather @!p1 [hbm4b:s15+s16], $0x190, $0x38;
	[tilespmem:$0x19320] =	vst v63  }
0x2a: {  	p1 =	sge.u32 s31, s8  }
.Ltmp2:
0x2b: {  	_ = 	snop;
	(pc) =	sbr.rel @p1 .LBB2_7-.Ltmp2, $1  }
0x2c: {  	_ =	sdelay $0x3  }
0x2d: {  	s14 =	simm.s32 $0x1  }
0x2e: {  	s14 =	simm.s32 @!p0 $0x0  }
0x2f: {  	s15 =	smul.u32 $0x640, s14  }
0x30: {  	_ =	swait.ge [sflag:s7], $0x190  }
0x31: {  	[sflag:s7] =	ssyncset.done $0x0;
	s16 =	sshrl.u32 s15, $0x2  }
0x32: {  	[sflag:s7] =	ssyncadd.s32 $0xFFFFFE70;
	s15 =	sadd.s32 $0x0, s16  }
0x33: {  	v0 =	vld.msk [tilespmem:s15+$0x0 ss:$0x1], $0xffff;
	_ =	sdelay $0x4  }
0x34: {  	vm2 =	vgt.s32 v0, $0x0  }
0x35: {  	v0 =	vnsel vm2, $0x0, v0  }
0x36: {  	v0 =	vmin.u32 v0, $0x9C3F  }
0x37: {  	v0 =	vshll.u32 v0, $0x4  }
0x38: {  	s14 =	smul.u32 $0x32000, s14;
	_ =	sdelay $0x1  }
0x39: {  	s14 =	sshrl.u32 s14, $0x2  }
0x3a: {  	s14 =	sor.u32 $0x320, s14  }
0x3b: {  	[tilespmem:s14], [sflag:$0x1] =	stream.indirect_vreg.gather [hbm:s4], $0x80, v0, vm0, $0x38;
	[tilespmem:$0x19320] =	vst v63  }
0x3c: {  	s17 =	sadd.s32 $0x10, s16;
	s15 =	sadd.s32 $0x400, s14  }
0x3d: {  	[tilespmem:s15], [sflag:$0x1] =	stream.indirect_vreg.gather [hbm:s4], $0x80, v0, vm1, $0x38;
	[tilespmem:$0x19320] =	vst v63  }
0x3e: {  	s18 =	simm.s32 $0x80;
	v0 =	vld.msk [tilespmem:s17+$0x0 ss:$0x1], $0xffff;
	s17 =	smov.u32 s14  }
.LBB2_3:
0x3f: {  	p1 =	sne.s32 s18, $0x600;
	_ =	sdelay $0x4  }
0x40: {  	vm2 =	vgt.s32 v0, $0x0  }
0x41: {  	v0 =	vnsel vm2, $0x0, v0  }
0x42: {  	v0 =	vmin.u32 v0, $0x9C3F  }
0x43: {  	v0 =	vshll.u32 v0, $0x4;
	_ =	sdelay $0x3  }
.Ltmp3:
0x44: {  	s19 =	sshra.s32 s18, $0x2;
	s17 =	sadd.s32 $0x800, s17;
	(pc) =	sbr.rel @p1 .LBB2_3-.Ltmp3, $4  }
0x45: {  	[tilespmem:s17], [sflag:$0x1] =	stream.indirect_vreg.gather [hbm:s4], $0x80, v0, vm0, $0x38;
	[tilespmem:$0x19320] =	vst v63  }
0x46: {  	s19 =	sadd.s32 s19, s16;
	s20 =	sadd.s32 $0x400, s17  }
0x47: {  	[tilespmem:s20], [sflag:$0x1] =	stream.indirect_vreg.gather [hbm:s4], $0x80, v0, vm1, $0x38;
	[tilespmem:$0x19320] =	vst v63  }
0x48: {  	s18 =	sadd.s32 $0x40, s18;
	v0 =	vld.msk [tilespmem:s19+$0x0 ss:$0x1], $0xffff  }
0x49: {  	_ =	sdelay $0x3  }
0x4a: {  	vm2 =	vgt.s32 v0, $0x0  }
0x4b: {  	v0 =	vnsel vm2, $0x0, v0  }
0x4c: {  	v0 =	vmin.u32 v0, $0x9C3F  }
0x4d: {  	v0 =	vshll.u32 v0, $0x4;
	_ =	sdelay $0x3  }
0x4e: {  	s16 =	sadd.s32 $0x800, s17  }
0x4f: {  	[tilespmem:s16], [sflag:$0x1] =	stream.indirect_vreg.gather [hbm:s4], $0x80, v0, vm0, $0x38;
	[tilespmem:$0x19320] =	vst v63  }
0x50: {  	s16 =	sadd.s32 $0x400, s16  }
0x51: {  	[tilespmem:s16], [sflag:$0x1] =	stream.indirect_vreg.gather [hbm:s4], $0x80, v0, vm1, $0x38;
	[tilespmem:$0x19320] =	vst v63  }
0x52: {  	s13 =	sshll.u32 s13, $0x4;
	_ =	swait.ge [sflag:s6], $0xC800  }
0x53: {  	s13 =	sadd.s32 s13, s9;
	[sflag:s6] =	ssyncset.done $0x0  }
0x54: {  	s17 =	sadd.s32 $0x0, s13;
	s16 =	simm.s32 $0x80;
	[sflag:s6] =	ssyncadd.s32 $0xFFFF3800  }
.LBB2_5:
0x55: {  	[hbm:s17] =	stream.linear.scatter [tilespmem:s14], [sflag:$0x3], $0x400, $0x38;
	[tilespmem:$0x19320] =	vst v63  }
0x56: {  	s17 =	smov.u32 s16;
	s14 =	smov.u32 s15;
	p1 =	sne.s32 s16, $0x1880  }
.Ltmp4:
0x57: {  	s16 =	sadd.s32 $0x80, s16;
	(pc) =	sbr.rel @p1 .LBB2_5-.Ltmp4, $2  }
0x58: {  	_ =	sdelay $0x2  }
0x59: {  	s15 =	sadd.s32 $0x400, s15;
	s17 =	sadd.s32 s17, s13  }
.Ltmp5:
0x5a: {  	_ = 	snop;
	(pc) =	sbr.rel .LBB2_6-.Ltmp5, $1  }
0x5b: {  	_ =	sdelay $0x3  }
.LBB2_8:
0x5c: {  	_ =	sfence.sel $0x180000  }
0x5d: {  	s1 =	simm.s32 $0x2;
	[bflag:$0x0] =	sbarrier.arrive $0xFFFF  }
0x5e: {  	s30 =	simm.s32 $0x3;
	[sflag:s1] =	ssyncpa.u1 $0x1  }
0x5f: {  	s31 =	simm.s32 $0x1;
	[sflag:s30] =	ssyncpa.u1 $0x1  }
0x60: {  	[sflag:s31] =	ssyncpa.u1 $0x1  }
0x61: {  	p0 =	sne.s32 s0, $0x0;
	_ =	strace $0x90000050  }
0x62: {  	s0 =	sadd.s32 @!p0 $0x100000, s2;
	[bflag:$0x2] =	sbarrier.arrive $0xFFFF  }
0x63: {  	[sflag:s0] =	ssyncadd.tile.s32 @!p0 $0x1;
	_ =	shalt  }
.Lfunc_end2:
_tile_overlayer_lowered:
.L_overlay_start_2:
0x64: {  	(tag) =	ssettag $0x2  }
0x65: {  	s0 =	rddreg [dreg:$0x0];
	s2 =	stileid.u32  }
0x66: {  	s1 =	rddreg [dreg:$0x1];
	p0 =	sne.s32 s2, $0x0  }
0x67: {  	s3 =	rddreg [dreg:$0x2];
	[bflag:$0x3] =	sbarrier.arrive $0xFFFF;
	s2 =	simm.s32 @!p0 $0x1C01  }
0x68: {  	[timem:s3], [sflag:s2] =	dma.local @!p0 [hbm:s0], s1  }
0x69: {  	s0 =	simm.s32 @!p0 $0x1  }
0x6a: {  	_ =	swait.ge @!p0 [sflag:s0], s1  }
0x6b: {  	s1 =	ssub.s32 @!p0 $0x0, s1;
	[sflag:s0] =	ssyncset.done @!p0 $0x0  }
0x6c: {  	[sflag:s0] =	ssyncadd.s32 @!p0 s1  }
0x6d: {  	[bflag:$0x3] =	sbarrier.arrive $0xFFFF  }
0x6e: {  	_ =	shalt  }

// kernel: gather_offload_async_start.3
scs
__scs_entry_jumppad:
0x0: {  	(pc) =	sbr.rel $0x88, $3  }
0x1: {  	(tag) =	ssettag $0x0;
	lr =	simm.s32 $0x1  }
0x2: {  	[smem:$0x3F8E] =	sst lr;
	_ =	strace $0xD0000000  }
0x3: {  	_ = 	snop  }
0x4: {  	_ = 	snop  }
0x5: {  	_ = 	snop  }
0x6: {  	_ = 	snop  }
0x7: {  	_ = 	snop  }
__scs_overlays_trampoline_lowered:
0x8: {  	[smem:$0x3F9D] =	sst s0  }
0x9: {  	[smem:$0x3F9E] =	sst s1  }
0xa: {  	[smem:$0x3F9F] =	sst s2  }
0xb: {  	[smem:$0x3FA0] =	sst s3  }
0xc: {  	[smem:$0x3FA1] =	sst s4  }
0xd: {  	[smem:$0x3FA2] =	sst s5  }
0xe: {  	[smem:$0x3FA3] =	sst s6  }
0xf: {  	[smem:$0x3FA4] =	sst s7  }
0x10: {  	[smem:$0x3FA5] =	sst s8  }
0x11: {  	[smem:$0x3FA6] =	sst s9;
	s0 =	simm.s32 @!p0 $0x0  }
0x12: {  	s1 =	sld [smem:$0x3F8C];
	s0 =	simm.s32 @p0 $0x1  }
0x13: {  	[smem:$0x3FA7] =	sst s0;
	s0 =	simm.s32 @!p1 $0x0  }
0x14: {  	s2 =	sld [smem:$0x3F8B];
	s0 =	simm.s32 @p1 $0x1  }
0x15: {  	[smem:$0x3FA8] =	sst s0;
	s0 =	simm.s32 @!p2 $0x0  }
0x16: {  	s3 =	sld [smem:$0x3FDB];
	s0 =	simm.s32 @p2 $0x1  }
0x17: {  	s4 =	simm.s32 $0x1BF5;
	[smem:$0x3FAA] =	sst s0  }
0x18: {  	s0 =	sld [smem:$0x3F8D];
	_ =	swait.ge [sflag:s4], $0x0  }
0x19: {  	s7 =	sld [smem:$0x3F8E]  }
0x1a: {  	s8 =	sadd.s32 $0xFFFFE003, lr  }
0x1b: {  	s9 =	sadd.s32 $0xFFFFFEF7, lr;
	s5 =	simm.s32 $0xFFFFFFFF;
	p2 =	slt.u32 s8, $0xFFFFF086  }
0x1c: {  	p1 =	slt.u32 s9, $0xF7A;
	s5 =	simm.s32 @!p2 $0x0  }
0x1d: {  	s5 =	simm.s32 @p1 $0x1;
	p0 =	seq.s32 s7, s2  }
0x1e: {  	s7 =	smul.u32 @!p0 $0xF7A, s2;
	p2 =	seq.s32 @!p0 s5, $0x0  }
0x1f: {  	s9 =	smul.u32 $0xF7A, s1;
	s8 =	simm.s32 @!p0 $0x1BF5;
	p2 =	por !p2, p0  }
0x20: {  	[sflag:s8] =	ssyncset.s32 @!p0 $0xFFFFF086;
	s6 =	sadd.s32 @!p0 s3, s7;
	s7 =	simm.s32 @!p0 $0x108  }
0x21: {  	s3 =	sadd.s32 s3, s9;
	s6 =	sadd.s32 @!p0 $0x88, s6;
	s7 =	simm.s32 @p2 $0x1082  }
0x22: {  	[simem:s7], [sflag:s8] =	dma.local @!p0 [hbm:s6], $0xF7A  }
0x23: {  	s9 =	sor.u32 $0xD0000000, s2;
	s6 =	simm.s32 $0x108;
	_ =	swait.ge @!p0 [sflag:s8], $0x0  }
0x24: {  	s3 =	sadd.s32 $0x88, s3;
	s6 =	simm.s32 @!p1 $0x1082;
	[sflag:s4] =	ssyncset.s32 $0xFFFFF086  }
0x25: {  	[simem:s6], [sflag:s4] =	dma.local [hbm:s3], $0xF7A  }
0x26: {  	[smem:$0x3F8E] =	sst s1;
	(tag) =	ssettag s2;
	_ =	strace s9  }
0x27: {  	s1 =	sld [smem:$0x3F9E]  }
0x28: {  	s2 =	sld [smem:$0x3F9F]  }
0x29: {  	s4 =	sld [smem:$0x3FA1]  }
0x2a: {  	p0 =	seq.s32 s5, $0x0;
	s5 =	sld [smem:$0x3FA2]  }
0x2b: {  	s6 =	sld [smem:$0x3FA3]  }
0x2c: {  	s7 =	sld [smem:$0x3FA4]  }
0x2d: {  	s3 =	simm.s32 $0x108;
	s8 =	sld [smem:$0x3FA5]  }
0x2e: {  	s3 =	simm.s32 @!p0 $0x1082;
	s9 =	sld [smem:$0x3FA6]  }
0x2f: {  	lr =	sadd.s32 s0, s3;
	s0 =	sld [smem:$0x3F9D]  }
0x30: {  	s3 =	sld [smem:$0x3FA0]  }
0x31: {  	[smem:$0x3FA9] =	sst s10  }
0x32: {  	s10 =	sld [smem:$0x3FA7];
	_ =	sdelay $0x3  }
0x33: {  	p0 =	seq.s32 s10, $0x1;
	s10 =	sld [smem:$0x3FA9];
	_ =	sdelay $0x3  }
0x34: {  	[smem:$0x3FA9] =	sst s10  }
0x35: {  	s10 =	sld [smem:$0x3FA8];
	_ =	sdelay $0x3  }
0x36: {  	p1 =	seq.s32 s10, $0x1;
	s10 =	sld [smem:$0x3FA9];
	_ =	sdelay $0x3  }
0x37: {  	[smem:$0x3FA9] =	sst s10  }
0x38: {  	s10 =	sld [smem:$0x3FAA]  }
0x39: {  	_ = 	snop;
	(pc) =	sbr.ind lr, $3  }
0x3a: {  	_ = 	snop  }
0x3b: {  	_ = 	snop  }
0x3c: {  	p2 =	seq.s32 s10, $0x1;
	s10 =	sld [smem:$0x3FA9]  }
0x3d: {  	_ =	shalt  }
0x3e: {  	_ =	shalt  }
0x3f: {  	_ =	shalt  }
0x40: {  	_ =	shalt  }
0x41: {  	_ =	shalt  }
0x42: {  	_ =	shalt  }
0x43: {  	_ =	shalt  }
0x44: {  	_ =	shalt  }
0x45: {  	_ =	shalt  }
0x46: {  	_ =	shalt  }
0x47: {  	_ =	shalt  }
0x48: {  	_ =	shalt  }
0x49: {  	_ =	shalt  }
0x4a: {  	_ =	shalt  }
0x4b: {  	_ =	shalt  }
0x4c: {  	_ =	shalt  }
0x4d: {  	_ =	shalt  }
0x4e: {  	_ =	shalt  }
0x4f: {  	_ =	shalt  }
0x50: {  	_ =	shalt  }
0x51: {  	_ =	shalt  }
0x52: {  	_ =	shalt  }
0x53: {  	_ =	shalt  }
0x54: {  	_ =	shalt  }
0x55: {  	_ =	shalt  }
0x56: {  	_ =	shalt  }
0x57: {  	_ =	shalt  }
0x58: {  	_ =	shalt  }
0x59: {  	_ =	shalt  }
0x5a: {  	_ =	shalt  }
0x5b: {  	_ =	shalt  }
0x5c: {  	_ =	shalt  }
0x5d: {  	_ =	shalt  }
0x5e: {  	_ =	shalt  }
0x5f: {  	_ =	shalt  }
0x60: {  	_ =	shalt  }
0x61: {  	_ =	shalt  }
0x62: {  	_ =	shalt  }
0x63: {  	_ =	shalt  }
0x64: {  	_ =	shalt  }
0x65: {  	_ =	shalt  }
0x66: {  	_ =	shalt  }
0x67: {  	_ =	shalt  }
0x68: {  	_ =	shalt  }
0x69: {  	_ =	shalt  }
0x6a: {  	_ =	shalt  }
0x6b: {  	_ =	shalt  }
0x6c: {  	_ =	shalt  }
0x6d: {  	_ =	shalt  }
0x6e: {  	_ =	shalt  }
0x6f: {  	_ =	shalt  }
0x70: {  	_ =	shalt  }
0x71: {  	_ =	shalt  }
0x72: {  	_ =	shalt  }
0x73: {  	_ =	shalt  }
0x74: {  	_ =	shalt  }
0x75: {  	_ =	shalt  }
0x76: {  	_ =	shalt  }
0x77: {  	_ =	shalt  }
0x78: {  	_ =	shalt  }
0x79: {  	_ =	shalt  }
0x7a: {  	_ =	shalt  }
0x7b: {  	_ =	shalt  }
0x7c: {  	_ =	shalt  }
0x7d: {  	_ =	shalt  }
0x7e: {  	_ =	shalt  }
0x7f: {  	_ =	shalt  }
0x80: {  	_ =	shalt  }
0x81: {  	_ =	shalt  }
0x82: {  	_ =	shalt  }
0x83: {  	_ =	shalt  }
0x84: {  	_ =	shalt  }
0x85: {  	_ =	shalt  }
0x86: {  	_ =	shalt  }
0x87: {  	_ =	shalt  }
.Lfunc_end0:
.L_simem_size_0:
called_computation.3_lowered:
.L_overlay_start_0:
0x88: {  	s2 =	sld [smem:$0x3FD9]  }
0x89: {  	s3 =	sld [smem:$0x3FFE];
	_ =	sdelay $0x1  }
0x8a: {  	s1 =	srdreg.scid  }
0x8b: {  	s0 =	sand.u32 $0x1, s1  }
0x8c: {  	s16 =	sshll.u32 s0, $0xA;
	s2 =	sadd.s32 s3, s2  }
0x8d: {  	s2 =	sadd.s32 s2, s16  }
0x8e: {  	[smem:$0x3FB5] =	sst s2  }
0x8f: {  	_ = 	snop  }
0x90: {  	(tm) =	ssettm $0x1  }
0x91: {  	s17 =	sld [smem:$0x3FFB];
	_ =	sdelay $0x3  }
0x92: {  	_ =	strace s17  }
0x93: {  	s2 =	sld [smem:$0x3FFC];
	_ =	sdelay $0x3  }
0x94: {  	_ =	strace s2  }
0x95: {  	s2 =	sld [smem:$0x3FFD];
	_ =	sdelay $0x3  }
0x96: {  	_ =	strace s2  }
0x97: {  	_ =	strace $0x8FFFFFFF  }
0x98: {  	s18 =	sld [smem:$0x3FDB];
	_ =	sdelay $0x1  }
0x99: {  	s19 =	simm.s32 $_scs_section_size  }
0x9a: {  	s4 =	simm.s32 $_size__tile_overlayer_lowered;
	s5 =	simm.s32 $_tile_overlayer_lowered  }
0x9b: {  	s22 =	simm.s32 $0x1BFF;
	s21 =	sshll.u32 s5, $0x1;
	s2 =	sadd.s32 s19, s18  }
0x9c: {  	s6 =	simm.s32 $0x0;
	s20 =	sshll.u32 s4, $0x1;
	s4 =	sadd.s32 s21, s2  }
0x9d: {  	[timem:s6], [sflag:s22] =	dma.local [hbm:s4], s20  }
0x9e: {  	_ =	swait.ge [sflag:s22], s20  }
0x9f: {  	s3 =	ssub.s32 $0x0, s20;
	[sflag:s22] =	ssyncset.done $0x0  }
0xa0: {  	[sflag:s22] =	ssyncadd.s32 s3;
	_ =	sdelay $0x1  }
0xa1: {  	s23 =	simm.s32 $0x1B8B  }
0xa2: {  	_ =	swait.ge [sflag:s23], $0x1  }
0xa3: {  	[sflag:s23] =	ssyncset.done $0x0  }
0xa4: {  	s25 =	simm.s32 $0x1B8E;
	s24 =	sld [smem:$0x3FFE];
	[sflag:s23] =	ssyncadd.s32 $0xFFFFFFFF  }
0xa5: {  	s26 =	simm.s32 $execute0_lowered;
	[smem:$0x3FD2] =	sst s25  }
0xa6: {  	s4 =	sshll.u32 s26, $0x1;
	_ =	strace $0x8000004C;
	[dreg:$0x1] =	wrdreg $0xFFFFFFFF  }
0xa7: {  	s28 =	simm.s32 $_size_execute0_lowered;
	s2 =	sadd.s32 s2, s4;
	[dreg:$0x0] =	wrdreg $0x0  }
0xa8: {  	s4 =	sshll.u32 s28, $0x1;
	[dreg:$0x2] =	wrdreg s2  }
0xa9: {  	[dreg:$0x3] =	wrdreg s4  }
0xaa: {  	[dreg:$0x4] =	wrdreg $0xC0  }
0xab: {  	_ =	task [dreg:s6], $0x5FFFF  }
0xac: {  	[dreg:$0x1] =	wrdreg $0xFFFFFFFF  }
0xad: {  	[dreg:$0x0] =	wrdreg $0x60  }
0xae: {  	[dreg:$0x2] =	wrdreg s24  }
0xaf: {  	[dreg:$0x3] =	wrdreg $0xA  }
0xb0: {  	_ =	task.clear_ibuf [dreg:s6], $0x4FFFF;
	_ =	strace $0x9000004C  }
0xb1: {  	s29 =	simm.s32 $0xA;
	_ =	strace $0x8000004E  }
0xb2: {  	_ =	swait.ge [sflag:s29], $0x1  }
0xb3: {  	[sflag:s29] =	ssyncadd.s32 $0xFFFFFFFF  }
0xb4: {  	_ =	strace $0x9000004E  }
0xb5: {  	_ =	sfence  }
0xb6: {  	s30 =	sld [smem:$0x0];
	_ =	sdelay $0x2  }
0xb7: {  	s31 =	sshll.u32 s1, $0xD;
	s1 =	sshrl.u32 s1, $0x2  }
0xb8: {  	s3 =	sand.u32 $0x4000, s31;
	s1 =	sadd.s32 s1, s30  }
0xb9: {  	s0 =	sor.u32 s3, s0;
	s1 =	sshll.u32 s1, $0x11  }
0xba: {  	s0 =	sor.u32 s1, s0  }
0xbb: {  	s0 =	sadd.s32 $0x8F2B, s0  }
0xbc: {  	[sflag:s0] =	ssyncadd.remote.s32 $0x1  }
0xbd: {  	_ =	sfence.sel $0xFFFF  }
0xbe: {  	[dreg:$0x0] =	wrdreg $0xFFFFFFFF;
	(pc) =	sbr.abs _section_cstart, $3  }
0xbf: {  	[dreg:$0x1] =	wrdreg $0xFFFFFFFF  }
0xc0: {  	_ =	task.clear_ibuf [dreg:s6], $0x2FFFF;
	_ =	strace $0x9FFFFFFF  }
0xc1: {  	(tm) =	ssettm $0x7FFFFFFF  }
tec
execute0_lowered:
.L_overlay_start_1:
0x0: {  	(tag) =	ssettag $0x1  }
0x1: {  	s0 =	srdreg.scid  }
0x2: {  	s1 =	sshll.u32 s0, $0x4  }
0x3: {  	s0 =	stileid.u32;
	s1 =	sand.u32 $0x10, s1  }
0x4: {  	s2 =	sor.u32 s0, s1  }
0x5: {  	s1 =	smul.u32 $0x3, s2  }
0x6: {  	s3 =	smin.u32 s2, $0x4  }
0x7: {  	s1 =	sadd.s32 s3, s1  }
0x8: {  	p0 =	slt.u32 s2, $0x4;
	s2 =	simm.s32 $0x640;
	s1 =	smul.u32 $0x190, s1  }
0x9: {  	s2 =	simm.s32 @!p0 $0x4B0  }
0xa: {  	s2 =	sadd.s32 s2, s1  }
0xb: {  	s3 =	smin.u32 s2, $0x9C40  }
0xc: {  	s7 =	ssub.s32 s3, s1  }
0xd: {  	p0 =	sgt.s32 s7, $0x0  }
0xe: {  	s7 =	simm.s32 @!p0 $0x0  }
0xf: {  	s31 =	sand.u32 $0xFFF0, s7  }
0x10: {  	s2 =	sshrl.u32 s31, $0x4  }
0x11: {  	s2 =	smul.u32 $0xA3E, s2  }
0x12: {  	s9 =	rddreg [dreg:$0x0];
	s6 =	simm.s32 $0x1;
	s11 =	simm.s32 $0x3  }
0x13: {  	s13 =	simm.s32 $0x0;
	s12 =	simm.s32 $0x0;
	s8 =	sshrl.u32 s2, $0x10  }
0x14: {  	s4 =	sadd.s32 $0x4A00, s9;
	s5 =	sadd.s32 $0xC2A00, s9;
	s10 =	smul.u32 $0x190, s8  }
.Ltmp0:
0x15: {  	s9 =	sadd.s32 $0x165200, s9;
	s2 =	rddreg [dreg:$0x1];
	(pc) =	sbr.rel .LBB2_1-.Ltmp0, $4  }
0x16: {  	_ =	strace $0x8000004D;
	p0 =	sne.s32 s7, s10;
	s10 =	simm.s32 $0x1  }
0x17: {  	[sflag:s6] =	ssyncpa.u1 $0x0;
	s7 =	simm.s32 $0x2;
	s10 =	simm.s32 @!p0 $0x0  }
0x18: {  	[sflag:s7] =	ssyncpa.u1 $0x0;
	p0 =	por $0x0, $0x0;
	s8 =	sadd.s32 s8, s10  }
0x19: {  	vm0 =	vmmov $0xff;
	vm1 =	vcmask $0x3F20;
	[sflag:s11] =	ssyncpa.u1 $0x0;
	s11 =	smov.u32 s1;
	s10 =	sadd.s32 $0x1, s8  }
.LBB2_6:
0x1a: {  	[hbm:s17] =	stream.linear.scatter [tilespmem:s14], [sflag:$0x3], $0x400, $0x38;
	[tilespmem:$0x19320] =	vst v63  }
.LBB2_7:
0x1b: {  	s13 =	sadd.s32 $0x190, s11  }
0x1c: {  	s15 =	smov.u32 s1;
	p2 =	slt.s32 s13, s3  }
0x1d: {  	s15 =	smov.u32 @p2 s13;
	p2 =	sne.s32 s12, s10  }
.Ltmp1:
0x1e: {  	p1 =	slt.u32 s12, $0x2;
	(pc) =	sbr.rel @!p2 .LBB2_8-.Ltmp1, $4  }
0x1f: {  	s14 =	simm.s32 @!p1 $0x3  }
0x20: {  	s16 =	sadd.s32 $0x1, s12;
	_ =	swait.ge @!p1 [sflag:s14], $0xC800  }
0x21: {  	p0 =	por !p0, !p0;
	s13 =	smov.u32 s11;
	[sflag:s14] =	ssyncset.done @!p1 $0x0  }
0x22: {  	s12 =	smov.u32 s16;
	s11 =	smov.u32 s15;
	[sflag:s14] =	ssyncadd.s32 @!p1 $0xFFFF3800  }
.LBB2_1:
0x23: {  	p1 =	sge.u32 s12, s8  }
0x24: {  	s14 =	sxor.u32 @!p1 $0xFFFFFFFF, s12  }
0x25: {  	s14 =	sand.u32 @!p1 $0x1, s14  }
0x26: {  	s14 =	smul.u32 @!p1 $0x640, s14  }
0x27: {  	s31 =	sadd.s32 $0xFFFFFFFF, s12;
	s15 =	sshrl.u32 @!p1 s11, $0x3  }
0x28: {  	s16 =	sand.u32 @!p1 $0x7, s11;
	s15 =	sadd.s32 @!p1 s5, s15;
	s14 =	sshrl.u32 @!p1 s14, $0x2  }
0x29: {  	[tilespmem:s14], [sflag:$0x2] =	stream.linear.gather @!p1 [hbm4b:s15+s16], $0x190, $0x38;
	[tilespmem:$0x19320] =	vst v63  }
0x2a: {  	p1 =	sge.u32 s31, s8  }
.Ltmp2:
0x2b: {  	_ = 	snop;
	(pc) =	sbr.rel @p1 .LBB2_7-.Ltmp2, $1  }
0x2c: {  	_ =	sdelay $0x3  }
0x2d: {  	s14 =	simm.s32 $0x1  }
0x2e: {  	s14 =	simm.s32 @!p0 $0x0  }
0x2f: {  	s15 =	smul.u32 $0x640, s14  }
0x30: {  	_ =	swait.ge [sflag:s7], $0x190  }
0x31: {  	[sflag:s7] =	ssyncset.done $0x0;
	s16 =	sshrl.u32 s15, $0x2  }
0x32: {  	[sflag:s7] =	ssyncadd.s32 $0xFFFFFE70;
	s15 =	sadd.s32 $0x0, s16  }
0x33: {  	v0 =	vld.msk [tilespmem:s15+$0x0 ss:$0x1], $0xffff;
	_ =	sdelay $0x4  }
0x34: {  	vm2 =	vgt.s32 v0, $0x0  }
0x35: {  	v0 =	vnsel vm2, $0x0, v0  }
0x36: {  	v0 =	vmin.u32 v0, $0x9C3F  }
0x37: {  	v0 =	vshll.u32 v0, $0x4  }
0x38: {  	s14 =	smul.u32 $0x32000, s14;
	_ =	sdelay $0x1  }
0x39: {  	s14 =	sshrl.u32 s14, $0x2  }
0x3a: {  	s14 =	sor.u32 $0x320, s14  }
0x3b: {  	[tilespmem:s14], [sflag:$0x1] =	stream.indirect_vreg.gather [hbm:s4], $0x80, v0, vm0, $0x38;
	[tilespmem:$0x19320] =	vst v63  }
0x3c: {  	s17 =	sadd.s32 $0x10, s16;
	s15 =	sadd.s32 $0x400, s14  }
0x3d: {  	[tilespmem:s15], [sflag:$0x1] =	stream.indirect_vreg.gather [hbm:s4], $0x80, v0, vm1, $0x38;
	[tilespmem:$0x19320] =	vst v63  }
0x3e: {  	s18 =	simm.s32 $0x80;
	v0 =	vld.msk [tilespmem:s17+$0x0 ss:$0x1], $0xffff;
	s17 =	smov.u32 s14  }
.LBB2_3:
0x3f: {  	p1 =	sne.s32 s18, $0x600;
	_ =	sdelay $0x4  }
0x40: {  	vm2 =	vgt.s32 v0, $0x0  }
0x41: {  	v0 =	vnsel vm2, $0x0, v0  }
0x42: {  	v0 =	vmin.u32 v0, $0x9C3F  }
0x43: {  	v0 =	vshll.u32 v0, $0x4;
	_ =	sdelay $0x3  }
.Ltmp3:
0x44: {  	s19 =	sshra.s32 s18, $0x2;
	s17 =	sadd.s32 $0x800, s17;
	(pc) =	sbr.rel @p1 .LBB2_3-.Ltmp3, $4  }
0x45: {  	[tilespmem:s17], [sflag:$0x1] =	stream.indirect_vreg.gather [hbm:s4], $0x80, v0, vm0, $0x38;
	[tilespmem:$0x19320] =	vst v63  }
0x46: {  	s19 =	sadd.s32 s19, s16;
	s20 =	sadd.s32 $0x400, s17  }
0x47: {  	[tilespmem:s20], [sflag:$0x1] =	stream.indirect_vreg.gather [hbm:s4], $0x80, v0, vm1, $0x38;
	[tilespmem:$0x19320] =	vst v63  }
0x48: {  	s18 =	sadd.s32 $0x40, s18;
	v0 =	vld.msk [tilespmem:s19+$0x0 ss:$0x1], $0xffff  }
0x49: {  	_ =	sdelay $0x3  }
0x4a: {  	vm2 =	vgt.s32 v0, $0x0  }
0x4b: {  	v0 =	vnsel vm2, $0x0, v0  }
0x4c: {  	v0 =	vmin.u32 v0, $0x9C3F  }
0x4d: {  	v0 =	vshll.u32 v0, $0x4;
	_ =	sdelay $0x3  }
0x4e: {  	s16 =	sadd.s32 $0x800, s17  }
0x4f: {  	[tilespmem:s16], [sflag:$0x1] =	stream.indirect_vreg.gather [hbm:s4], $0x80, v0, vm0, $0x38;
	[tilespmem:$0x19320] =	vst v63  }
0x50: {  	s16 =	sadd.s32 $0x400, s16  }
0x51: {  	[tilespmem:s16], [sflag:$0x1] =	stream.indirect_vreg.gather [hbm:s4], $0x80, v0, vm1, $0x38;
	[tilespmem:$0x19320] =	vst v63  }
0x52: {  	s13 =	sshll.u32 s13, $0x4;
	_ =	swait.ge [sflag:s6], $0xC800  }
0x53: {  	s13 =	sadd.s32 s13, s9;
	[sflag:s6] =	ssyncset.done $0x0  }
0x54: {  	s17 =	sadd.s32 $0x0, s13;
	s16 =	simm.s32 $0x80;
	[sflag:s6] =	ssyncadd.s32 $0xFFFF3800  }
.LBB2_5:
0x55: {  	[hbm:s17] =	stream.linear.scatter [tilespmem:s14], [sflag:$0x3], $0x400, $0x38;
	[tilespmem:$0x19320] =	vst v63  }
0x56: {  	s17 =	smov.u32 s16;
	s14 =	smov.u32 s15;
	p1 =	sne.s32 s16, $0x1880  }
.Ltmp4:
0x57: {  	s16 =	sadd.s32 $0x80, s16;
	(pc) =	sbr.rel @p1 .LBB2_5-.Ltmp4, $2  }
0x58: {  	_ =	sdelay $0x2  }
0x59: {  	s15 =	sadd.s32 $0x400, s15;
	s17 =	sadd.s32 s17, s13  }
.Ltmp5:
0x5a: {  	_ = 	snop;
	(pc) =	sbr.rel .LBB2_6-.Ltmp5, $1  }
0x5b: {  	_ =	sdelay $0x3  }
.LBB2_8:
0x5c: {  	_ =	sfence.sel $0x180000  }
0x5d: {  	s1 =	simm.s32 $0x2;
	[bflag:$0x0] =	sbarrier.arrive $0xFFFF  }
0x5e: {  	s30 =	simm.s32 $0x3;
	[sflag:s1] =	ssyncpa.u1 $0x1  }
0x5f: {  	s31 =	simm.s32 $0x1;
	[sflag:s30] =	ssyncpa.u1 $0x1  }
0x60: {  	[sflag:s31] =	ssyncpa.u1 $0x1  }
0x61: {  	p0 =	sne.s32 s0, $0x0;
	_ =	strace $0x9000004D  }
0x62: {  	s0 =	sadd.s32 @!p0 $0x100000, s2;
	[bflag:$0x2] =	sbarrier.arrive $0xFFFF  }
0x63: {  	[sflag:s0] =	ssyncadd.tile.s32 @!p0 $0x1;
	_ =	shalt  }
.Lfunc_end2:
_tile_overlayer_lowered:
.L_overlay_start_2:
0x64: {  	(tag) =	ssettag $0x2  }
0x65: {  	s0 =	rddreg [dreg:$0x0];
	s2 =	stileid.u32  }
0x66: {  	s1 =	rddreg [dreg:$0x1];
	p0 =	sne.s32 s2, $0x0  }
0x67: {  	s3 =	rddreg [dreg:$0x2];
	[bflag:$0x3] =	sbarrier.arrive $0xFFFF;
	s2 =	simm.s32 @!p0 $0x1C01  }
0x68: {  	[timem:s3], [sflag:s2] =	dma.local @!p0 [hbm:s0], s1  }
0x69: {  	s0 =	simm.s32 @!p0 $0x1  }
0x6a: {  	_ =	swait.ge @!p0 [sflag:s0], s1  }
0x6b: {  	s1 =	ssub.s32 @!p0 $0x0, s1;
	[sflag:s0] =	ssyncset.done @!p0 $0x0  }
0x6c: {  	[sflag:s0] =	ssyncadd.s32 @!p0 s1  }
0x6d: {  	[bflag:$0x3] =	sbarrier.arrive $0xFFFF  }
0x6e: {  	_ =	shalt  }

// kernel: gather_offload_async_start.4
scs
__scs_entry_jumppad:
0x0: {  	(pc) =	sbr.rel $0x88, $3  }
0x1: {  	(tag) =	ssettag $0x0;
	lr =	simm.s32 $0x1  }
0x2: {  	[smem:$0x3F8E] =	sst lr;
	_ =	strace $0xD0000000  }
0x3: {  	_ = 	snop  }
0x4: {  	_ = 	snop  }
0x5: {  	_ = 	snop  }
0x6: {  	_ = 	snop  }
0x7: {  	_ = 	snop  }
__scs_overlays_trampoline_lowered:
0x8: {  	[smem:$0x3F9D] =	sst s0  }
0x9: {  	[smem:$0x3F9E] =	sst s1  }
0xa: {  	[smem:$0x3F9F] =	sst s2  }
0xb: {  	[smem:$0x3FA0] =	sst s3  }
0xc: {  	[smem:$0x3FA1] =	sst s4  }
0xd: {  	[smem:$0x3FA2] =	sst s5  }
0xe: {  	[smem:$0x3FA3] =	sst s6  }
0xf: {  	[smem:$0x3FA4] =	sst s7  }
0x10: {  	[smem:$0x3FA5] =	sst s8  }
0x11: {  	[smem:$0x3FA6] =	sst s9;
	s0 =	simm.s32 @!p0 $0x0  }
0x12: {  	s1 =	sld [smem:$0x3F8C];
	s0 =	simm.s32 @p0 $0x1  }
0x13: {  	[smem:$0x3FA7] =	sst s0;
	s0 =	simm.s32 @!p1 $0x0  }
0x14: {  	s2 =	sld [smem:$0x3F8B];
	s0 =	simm.s32 @p1 $0x1  }
0x15: {  	[smem:$0x3FA8] =	sst s0;
	s0 =	simm.s32 @!p2 $0x0  }
0x16: {  	s3 =	sld [smem:$0x3FDB];
	s0 =	simm.s32 @p2 $0x1  }
0x17: {  	s4 =	simm.s32 $0x1BF5;
	[smem:$0x3FAA] =	sst s0  }
0x18: {  	s0 =	sld [smem:$0x3F8D];
	_ =	swait.ge [sflag:s4], $0x0  }
0x19: {  	s7 =	sld [smem:$0x3F8E]  }
0x1a: {  	s8 =	sadd.s32 $0xFFFFE003, lr  }
0x1b: {  	s9 =	sadd.s32 $0xFFFFFEF7, lr;
	s5 =	simm.s32 $0xFFFFFFFF;
	p2 =	slt.u32 s8, $0xFFFFF086  }
0x1c: {  	p1 =	slt.u32 s9, $0xF7A;
	s5 =	simm.s32 @!p2 $0x0  }
0x1d: {  	s5 =	simm.s32 @p1 $0x1;
	p0 =	seq.s32 s7, s2  }
0x1e: {  	s7 =	smul.u32 @!p0 $0xF7A, s2;
	p2 =	seq.s32 @!p0 s5, $0x0  }
0x1f: {  	s9 =	smul.u32 $0xF7A, s1;
	s8 =	simm.s32 @!p0 $0x1BF5;
	p2 =	por !p2, p0  }
0x20: {  	[sflag:s8] =	ssyncset.s32 @!p0 $0xFFFFF086;
	s6 =	sadd.s32 @!p0 s3, s7;
	s7 =	simm.s32 @!p0 $0x108  }
0x21: {  	s3 =	sadd.s32 s3, s9;
	s6 =	sadd.s32 @!p0 $0x88, s6;
	s7 =	simm.s32 @p2 $0x1082  }
0x22: {  	[simem:s7], [sflag:s8] =	dma.local @!p0 [hbm:s6], $0xF7A  }
0x23: {  	s9 =	sor.u32 $0xD0000000, s2;
	s6 =	simm.s32 $0x108;
	_ =	swait.ge @!p0 [sflag:s8], $0x0  }
0x24: {  	s3 =	sadd.s32 $0x88, s3;
	s6 =	simm.s32 @!p1 $0x1082;
	[sflag:s4] =	ssyncset.s32 $0xFFFFF086  }
0x25: {  	[simem:s6], [sflag:s4] =	dma.local [hbm:s3], $0xF7A  }
0x26: {  	[smem:$0x3F8E] =	sst s1;
	(tag) =	ssettag s2;
	_ =	strace s9  }
0x27: {  	s1 =	sld [smem:$0x3F9E]  }
0x28: {  	s2 =	sld [smem:$0x3F9F]  }
0x29: {  	s4 =	sld [smem:$0x3FA1]  }
0x2a: {  	p0 =	seq.s32 s5, $0x0;
	s5 =	sld [smem:$0x3FA2]  }
0x2b: {  	s6 =	sld [smem:$0x3FA3]  }
0x2c: {  	s7 =	sld [smem:$0x3FA4]  }
0x2d: {  	s3 =	simm.s32 $0x108;
	s8 =	sld [smem:$0x3FA5]  }
0x2e: {  	s3 =	simm.s32 @!p0 $0x1082;
	s9 =	sld [smem:$0x3FA6]  }
0x2f: {  	lr =	sadd.s32 s0, s3;
	s0 =	sld [smem:$0x3F9D]  }
0x30: {  	s3 =	sld [smem:$0x3FA0]  }
0x31: {  	[smem:$0x3FA9] =	sst s10  }
0x32: {  	s10 =	sld [smem:$0x3FA7];
	_ =	sdelay $0x3  }
0x33: {  	p0 =	seq.s32 s10, $0x1;
	s10 =	sld [smem:$0x3FA9];
	_ =	sdelay $0x3  }
0x34: {  	[smem:$0x3FA9] =	sst s10  }
0x35: {  	s10 =	sld [smem:$0x3FA8];
	_ =	sdelay $0x3  }
0x36: {  	p1 =	seq.s32 s10, $0x1;
	s10 =	sld [smem:$0x3FA9];
	_ =	sdelay $0x3  }
0x37: {  	[smem:$0x3FA9] =	sst s10  }
0x38: {  	s10 =	sld [smem:$0x3FAA]  }
0x39: {  	_ = 	snop;
	(pc) =	sbr.ind lr, $3  }
0x3a: {  	_ = 	snop  }
0x3b: {  	_ = 	snop  }
0x3c: {  	p2 =	seq.s32 s10, $0x1;
	s10 =	sld [smem:$0x3FA9]  }
0x3d: {  	_ =	shalt  }
0x3e: {  	_ =	shalt  }
0x3f: {  	_ =	shalt  }
0x40: {  	_ =	shalt  }
0x41: {  	_ =	shalt  }
0x42: {  	_ =	shalt  }
0x43: {  	_ =	shalt  }
0x44: {  	_ =	shalt  }
0x45: {  	_ =	shalt  }
0x46: {  	_ =	shalt  }
0x47: {  	_ =	shalt  }
0x48: {  	_ =	shalt  }
0x49: {  	_ =	shalt  }
0x4a: {  	_ =	shalt  }
0x4b: {  	_ =	shalt  }
0x4c: {  	_ =	shalt  }
0x4d: {  	_ =	shalt  }
0x4e: {  	_ =	shalt  }
0x4f: {  	_ =	shalt  }
0x50: {  	_ =	shalt  }
0x51: {  	_ =	shalt  }
0x52: {  	_ =	shalt  }
0x53: {  	_ =	shalt  }
0x54: {  	_ =	shalt  }
0x55: {  	_ =	shalt  }
0x56: {  	_ =	shalt  }
0x57: {  	_ =	shalt  }
0x58: {  	_ =	shalt  }
0x59: {  	_ =	shalt  }
0x5a: {  	_ =	shalt  }
0x5b: {  	_ =	shalt  }
0x5c: {  	_ =	shalt  }
0x5d: {  	_ =	shalt  }
0x5e: {  	_ =	shalt  }
0x5f: {  	_ =	shalt  }
0x60: {  	_ =	shalt  }
0x61: {  	_ =	shalt  }
0x62: {  	_ =	shalt  }
0x63: {  	_ =	shalt  }
0x64: {  	_ =	shalt  }
0x65: {  	_ =	shalt  }
0x66: {  	_ =	shalt  }
0x67: {  	_ =	shalt  }
0x68: {  	_ =	shalt  }
0x69: {  	_ =	shalt  }
0x6a: {  	_ =	shalt  }
0x6b: {  	_ =	shalt  }
0x6c: {  	_ =	shalt  }
0x6d: {  	_ =	shalt  }
0x6e: {  	_ =	shalt  }
0x6f: {  	_ =	shalt  }
0x70: {  	_ =	shalt  }
0x71: {  	_ =	shalt  }
0x72: {  	_ =	shalt  }
0x73: {  	_ =	shalt  }
0x74: {  	_ =	shalt  }
0x75: {  	_ =	shalt  }
0x76: {  	_ =	shalt  }
0x77: {  	_ =	shalt  }
0x78: {  	_ =	shalt  }
0x79: {  	_ =	shalt  }
0x7a: {  	_ =	shalt  }
0x7b: {  	_ =	shalt  }
0x7c: {  	_ =	shalt  }
0x7d: {  	_ =	shalt  }
0x7e: {  	_ =	shalt  }
0x7f: {  	_ =	shalt  }
0x80: {  	_ =	shalt  }
0x81: {  	_ =	shalt  }
0x82: {  	_ =	shalt  }
0x83: {  	_ =	shalt  }
0x84: {  	_ =	shalt  }
0x85: {  	_ =	shalt  }
0x86: {  	_ =	shalt  }
0x87: {  	_ =	shalt  }
.Lfunc_end0:
.L_simem_size_0:
called_computation.4_lowered:
.L_overlay_start_0:
0x88: {  	s2 =	sld [smem:$0x3FD9]  }
0x89: {  	s3 =	sld [smem:$0x3FFE];
	_ =	sdelay $0x1  }
0x8a: {  	s1 =	srdreg.scid  }
0x8b: {  	s0 =	sand.u32 $0x1, s1  }
0x8c: {  	s16 =	sshll.u32 s0, $0xA;
	s2 =	sadd.s32 s3, s2  }
0x8d: {  	s2 =	sadd.s32 s2, s16  }
0x8e: {  	[smem:$0x3FB5] =	sst s2  }
0x8f: {  	_ = 	snop  }
0x90: {  	(tm) =	ssettm $0x1  }
0x91: {  	s17 =	sld [smem:$0x3FFB];
	_ =	sdelay $0x3  }
0x92: {  	_ =	strace s17  }
0x93: {  	s2 =	sld [smem:$0x3FFC];
	_ =	sdelay $0x3  }
0x94: {  	_ =	strace s2  }
0x95: {  	s2 =	sld [smem:$0x3FFD];
	_ =	sdelay $0x3  }
0x96: {  	_ =	strace s2  }
0x97: {  	_ =	strace $0x8FFFFFFF  }
0x98: {  	s18 =	sld [smem:$0x3FDB];
	_ =	sdelay $0x1  }
0x99: {  	s19 =	simm.s32 $_scs_section_size  }
0x9a: {  	s4 =	simm.s32 $_size__tile_overlayer_lowered;
	s5 =	simm.s32 $_tile_overlayer_lowered  }
0x9b: {  	s22 =	simm.s32 $0x1BFF;
	s21 =	sshll.u32 s5, $0x1;
	s2 =	sadd.s32 s19, s18  }
0x9c: {  	s6 =	simm.s32 $0x0;
	s20 =	sshll.u32 s4, $0x1;
	s4 =	sadd.s32 s21, s2  }
0x9d: {  	[timem:s6], [sflag:s22] =	dma.local [hbm:s4], s20  }
0x9e: {  	_ =	swait.ge [sflag:s22], s20  }
0x9f: {  	s3 =	ssub.s32 $0x0, s20;
	[sflag:s22] =	ssyncset.done $0x0  }
0xa0: {  	[sflag:s22] =	ssyncadd.s32 s3;
	_ =	sdelay $0x1  }
0xa1: {  	s23 =	simm.s32 $0x1B8B  }
0xa2: {  	_ =	swait.ge [sflag:s23], $0x1  }
0xa3: {  	[sflag:s23] =	ssyncset.done $0x0  }
0xa4: {  	s25 =	simm.s32 $0x1B8E;
	s24 =	sld [smem:$0x3FFE];
	[sflag:s23] =	ssyncadd.s32 $0xFFFFFFFF  }
0xa5: {  	s26 =	simm.s32 $execute0_lowered;
	[smem:$0x3FD2] =	sst s25  }
0xa6: {  	s4 =	sshll.u32 s26, $0x1;
	_ =	strace $0x80000052;
	[dreg:$0x1] =	wrdreg $0xFFFFFFFF  }
0xa7: {  	s28 =	simm.s32 $_size_execute0_lowered;
	s2 =	sadd.s32 s2, s4;
	[dreg:$0x0] =	wrdreg $0x0  }
0xa8: {  	s4 =	sshll.u32 s28, $0x1;
	[dreg:$0x2] =	wrdreg s2  }
0xa9: {  	[dreg:$0x3] =	wrdreg s4  }
0xaa: {  	[dreg:$0x4] =	wrdreg $0xC0  }
0xab: {  	_ =	task [dreg:s6], $0x5FFFF  }
0xac: {  	[dreg:$0x1] =	wrdreg $0xFFFFFFFF  }
0xad: {  	[dreg:$0x0] =	wrdreg $0x60  }
0xae: {  	[dreg:$0x2] =	wrdreg s24  }
0xaf: {  	[dreg:$0x3] =	wrdreg $0x9  }
0xb0: {  	_ =	task.clear_ibuf [dreg:s6], $0x4FFFF;
	_ =	strace $0x90000052  }
0xb1: {  	s29 =	simm.s32 $0x9;
	_ =	strace $0x80000054  }
0xb2: {  	_ =	swait.ge [sflag:s29], $0x1  }
0xb3: {  	[sflag:s29] =	ssyncadd.s32 $0xFFFFFFFF  }
0xb4: {  	_ =	strace $0x90000054  }
0xb5: {  	_ =	sfence  }
0xb6: {  	s30 =	sld [smem:$0x0];
	_ =	sdelay $0x2  }
0xb7: {  	s31 =	sshll.u32 s1, $0xD;
	s1 =	sshrl.u32 s1, $0x2  }
0xb8: {  	s3 =	sand.u32 $0x4000, s31;
	s1 =	sadd.s32 s1, s30  }
0xb9: {  	s0 =	sor.u32 s3, s0;
	s1 =	sshll.u32 s1, $0x11  }
0xba: {  	s0 =	sor.u32 s1, s0  }
0xbb: {  	s0 =	sadd.s32 $0x8F2B, s0  }
0xbc: {  	[sflag:s0] =	ssyncadd.remote.s32 $0x1  }
0xbd: {  	_ =	sfence.sel $0xFFFF  }
0xbe: {  	[dreg:$0x0] =	wrdreg $0xFFFFFFFF;
	(pc) =	sbr.abs _section_cstart, $3  }
0xbf: {  	[dreg:$0x1] =	wrdreg $0xFFFFFFFF  }
0xc0: {  	_ =	task.clear_ibuf [dreg:s6], $0x2FFFF;
	_ =	strace $0x9FFFFFFF  }
0xc1: {  	(tm) =	ssettm $0x7FFFFFFF  }
tec
execute0_lowered:
.L_overlay_start_1:
0x0: {  	(tag) =	ssettag $0x1  }
0x1: {  	s10 =	rddreg [dreg:$0x0];
	s2 =	srdreg.scid  }
0x2: {  	s0 =	rddreg [dreg:$0x1];
	s1 =	stileid.u32  }
0x3: {  	_ =	strace $0x80000053;
	s6 =	simm.s32 $0x1;
	s7 =	simm.s32 $0x2  }
0x4: {  	s11 =	simm.s32 $0x3;
	s12 =	simm.s32 $0x0;
	s2 =	sshll.u32 s2, $0x7  }
0x5: {  	s15 =	simm.s32 $0x0;
	s4 =	sshll.u32 s1, $0x8;
	s5 =	sand.u32 $0x80, s2  }
0x6: {  	s14 =	simm.s32 $0x0;
	s3 =	sadd.s32 $0xA1200, s10;
	s4 =	sor.u32 s4, s5  }
0x7: {  	[sflag:s6] =	ssyncpa.u1 $0x0;
	s2 =	sadd.s32 $0x8C7200, s10;
	s8 =	ssub.s32 $0x107B00, s4  }
.Ltmp0:
0x8: {  	[sflag:s7] =	ssyncpa.u1 $0x0;
	s9 =	sand.u32 $0xF80, s8;
	(pc) =	sbr.rel .LBB2_1-.Ltmp0, $4  }
0x9: {  	s5 =	sadd.s32 $0x320C00, s10;
	p0 =	sne.s32 s9, $0x0;
	s9 =	simm.s32 $0x1  }
0xa: {  	[sflag:s11] =	ssyncpa.u1 $0x0;
	s8 =	sshrl.u32 s8, $0xC;
	s9 =	simm.s32 @!p0 $0x0  }
0xb: {  	s13 =	smov.u32 s4;
	p0 =	por $0x0, $0x0;
	s8 =	sadd.s32 s9, s8  }
0xc: {  	vm0 =	vmmov $0xffff;
	v0 =	vlaneseq.u32;
	s9 =	sadd.s32 $0x428700, s10;
	s10 =	sadd.s32 $0x530200, s10;
	s11 =	sadd.s32 $0x1, s8  }
.LBB2_4:
0xd: {  	_ =	sdelay $0x3  }
0xe: {  	[tilespmem:s24], [sflag:$0x1] =	stream.indirect_vreg.gather [hbm4b:s2+s12], $0x1, v1, vm0, $0x4038;
	[tilespmem:$0x1900] =	vst v63  }
0xf: {  	s18 =	sadd.s32 s20, s18  }
0x10: {  	v1 =	vld.msk [tilespmem:s18+$0x0 ss:$0x1], $0xffff;
	_ =	sdelay $0x4  }
0x11: {  	v2 =	vshrl.u32 v1, $0x10  }
0x12: {  	vm1 =	veq.s32 v1, $0x80000000;
	v1 =	vand.u32 $0xFFFF, v1;
	v2 =	vand.u32 $0x1F, v2  }
0x13: {  	p1 =	sgt.s32 s21, $0x0;
	v1 =	vsel vm1, $0xFFFFFFFF, v1;
	v2 =	vmul.u32 $0xEAC00, v2  }
0x14: {  	s21 =	simm.s32 @!p1 $0x0;
	v3 =	vshll.u32 v1, $0x3  }
0x15: {  	s25 =	smin.u32 s21, $0x10;
	v3 =	vand.u32 $0xFFFFFC00, v3;
	v2 =	vsel vm1, $0xFFF15400, v2  }
0x16: {  	v1 =	vand.u32 $0x7F, v1;
	v2 =	vadd.s32 v3, v2;
	v3 =	vmov s25  }
0x17: {  	v1 =	vor.u32 v1, v2;
	vm1 =	vgt.u32 v3, v0  }
0x18: {  	v2 =	vnsel vm1, $0x7FFFFFFF, v1;
	_ =	sdelay $0x1  }
0x19: {  	v3 =	vor.u32 $0x80, v1  }
0x1a: {  	(ifvalue) =	ssetifvalue $0x7FFFFFFF;
	v3 =	vnsel vm1, $0x7FFFFFFF, v3  }
0x1b: {  	s18 =	sadd.s32 s20, s19;
	(ifvalue) =	ssetifvalue $0x7FFFFFFF  }
0x1c: {  	v4 =	vor.u32 $0x100, v1;
	[tilespmem:s18], [sflag:$0x1] =	stream.indirect_vreg.gather [hbm4b:s2+s12], $0x1, v2, vm0, $0x4038;
	[tilespmem:$0x1900] =	vst v63  }
0x1d: {  	(ifvalue) =	ssetifvalue $0x7FFFFFFF;
	v2 =	vnsel vm1, $0x7FFFFFFF, v4  }
0x1e: {  	s19 =	sadd.s32 $0x80, s18;
	(ifvalue) =	ssetifvalue $0x7FFFFFFF  }
0x1f: {  	v44 =	vor.u32 $0x180, v1;
	[tilespmem:s19], [sflag:$0x1] =	stream.indirect_vreg.gather [hbm4b:s2+s12], $0x1, v3, vm0, $0x4038;
	[tilespmem:$0x1900] =	vst v63  }
0x20: {  	v3 =	vnsel vm1, $0x7FFFFFFF, v44;
	(ifvalue) =	ssetifvalue $0x7FFFFFFF  }
0x21: {  	s26 =	sadd.s32 $0x100, s18;
	(ifvalue) =	ssetifvalue $0x7FFFFFFF  }
0x22: {  	v45 =	vor.u32 $0x200, v1;
	[tilespmem:s26], [sflag:$0x1] =	stream.indirect_vreg.gather [hbm4b:s2+s12], $0x1, v2, vm0, $0x4038;
	[tilespmem:$0x1900] =	vst v63  }
0x23: {  	(ifvalue) =	ssetifvalue $0x7FFFFFFF;
	v2 =	vnsel vm1, $0x7FFFFFFF, v45  }
0x24: {  	s28 =	sadd.s32 $0x180, s18;
	(ifvalue) =	ssetifvalue $0x7FFFFFFF  }
0x25: {  	v46 =	vor.u32 $0x280, v1;
	[tilespmem:s28], [sflag:$0x1] =	stream.indirect_vreg.gather [hbm4b:s2+s12], $0x1, v3, vm0, $0x4038;
	[tilespmem:$0x1900] =	vst v63  }
0x26: {  	v3 =	vnsel vm1, $0x7FFFFFFF, v46;
	(ifvalue) =	ssetifvalue $0x7FFFFFFF  }
0x27: {  	s29 =	sadd.s32 $0x200, s18;
	(ifvalue) =	ssetifvalue $0x7FFFFFFF  }
0x28: {  	v47 =	vor.u32 $0x300, v1;
	[tilespmem:s29], [sflag:$0x1] =	stream.indirect_vreg.gather [hbm4b:s2+s12], $0x1, v2, vm0, $0x4038;
	[tilespmem:$0x1900] =	vst v63  }
0x29: {  	(ifvalue) =	ssetifvalue $0x7FFFFFFF;
	v2 =	vnsel vm1, $0x7FFFFFFF, v47  }
0x2a: {  	s30 =	sadd.s32 $0x280, s18;
	(ifvalue) =	ssetifvalue $0x7FFFFFFF  }
0x2b: {  	v48 =	vor.u32 $0x380, v1;
	[tilespmem:s30], [sflag:$0x1] =	stream.indirect_vreg.gather [hbm4b:s2+s12], $0x1, v3, vm0, $0x4038;
	[tilespmem:$0x1900] =	vst v63  }
0x2c: {  	v3 =	vnsel vm1, $0x7FFFFFFF, v48;
	(ifvalue) =	ssetifvalue $0x7FFFFFFF  }
0x2d: {  	s31 =	sadd.s32 $0x300, s18;
	(ifvalue) =	ssetifvalue $0x7FFFFFFF  }
0x2e: {  	v49 =	vadd.s32 $0x4E400, v1;
	[tilespmem:s31], [sflag:$0x1] =	stream.indirect_vreg.gather [hbm4b:s2+s12], $0x1, v2, vm0, $0x4038;
	[tilespmem:$0x1900] =	vst v63  }
0x2f: {  	(ifvalue) =	ssetifvalue $0x7FFFFFFF;
	v2 =	vnsel vm1, $0x7FFFFFFF, v49  }
0x30: {  	s20 =	sadd.s32 $0x380, s18;
	(ifvalue) =	ssetifvalue $0x7FFFFFFF  }
0x31: {  	v50 =	vadd.s32 $0x4E480, v1;
	[tilespmem:s20], [sflag:$0x1] =	stream.indirect_vreg.gather [hbm4b:s2+s12], $0x1, v3, vm0, $0x4038;
	[tilespmem:$0x1900] =	vst v63  }
0x32: {  	v3 =	vnsel vm1, $0x7FFFFFFF, v50;
	(ifvalue) =	ssetifvalue $0x7FFFFFFF  }
0x33: {  	s21 =	sadd.s32 $0x400, s18;
	(ifvalue) =	ssetifvalue $0x7FFFFFFF  }
0x34: {  	v51 =	vadd.s32 $0x4E500, v1;
	[tilespmem:s21], [sflag:$0x1] =	stream.indirect_vreg.gather [hbm4b:s2+s12], $0x1, v2, vm0, $0x4038;
	[tilespmem:$0x1900] =	vst v63  }
0x35: {  	(ifvalue) =	ssetifvalue $0x7FFFFFFF;
	v2 =	vnsel vm1, $0x7FFFFFFF, v51  }
0x36: {  	s22 =	sadd.s32 $0x480, s18;
	(ifvalue) =	ssetifvalue $0x7FFFFFFF  }
0x37: {  	v52 =	vadd.s32 $0x4E580, v1;
	[tilespmem:s22], [sflag:$0x1] =	stream.indirect_vreg.gather [hbm4b:s2+s12], $0x1, v3, vm0, $0x4038;
	[tilespmem:$0x1900] =	vst v63  }
0x38: {  	v3 =	vnsel vm1, $0x7FFFFFFF, v52;
	(ifvalue) =	ssetifvalue $0x7FFFFFFF  }
0x39: {  	s23 =	sadd.s32 $0x500, s18;
	(ifvalue) =	ssetifvalue $0x7FFFFFFF  }
0x3a: {  	v53 =	vadd.s32 $0x4E600, v1;
	[tilespmem:s23], [sflag:$0x1] =	stream.indirect_vreg.gather [hbm4b:s2+s12], $0x1, v2, vm0, $0x4038;
	[tilespmem:$0x1900] =	vst v63  }
0x3b: {  	(ifvalue) =	ssetifvalue $0x7FFFFFFF;
	v2 =	vnsel vm1, $0x7FFFFFFF, v53  }
0x3c: {  	s24 =	sadd.s32 $0x580, s18;
	(ifvalue) =	ssetifvalue $0x7FFFFFFF  }
0x3d: {  	v54 =	vadd.s32 $0x4E680, v1;
	[tilespmem:s24], [sflag:$0x1] =	stream.indirect_vreg.gather [hbm4b:s2+s12], $0x1, v3, vm0, $0x4038;
	[tilespmem:$0x1900] =	vst v63  }
0x3e: {  	v3 =	vnsel vm1, $0x7FFFFFFF, v54;
	(ifvalue) =	ssetifvalue $0x7FFFFFFF  }
0x3f: {  	s25 =	sadd.s32 $0x600, s18;
	(ifvalue) =	ssetifvalue $0x7FFFFFFF  }
0x40: {  	v55 =	vadd.s32 $0x4E700, v1;
	[tilespmem:s25], [sflag:$0x1] =	stream.indirect_vreg.gather [hbm4b:s2+s12], $0x1, v2, vm0, $0x4038;
	[tilespmem:$0x1900] =	vst v63  }
0x41: {  	(ifvalue) =	ssetifvalue $0x7FFFFFFF;
	v2 =	vnsel vm1, $0x7FFFFFFF, v55  }
0x42: {  	s26 =	sadd.s32 $0x680, s18;
	(ifvalue) =	ssetifvalue $0x7FFFFFFF  }
0x43: {  	v56 =	vadd.s32 $0x4E780, v1;
	[tilespmem:s26], [sflag:$0x1] =	stream.indirect_vreg.gather [hbm4b:s2+s12], $0x1, v3, vm0, $0x4038;
	[tilespmem:$0x1900] =	vst v63  }
0x44: {  	v3 =	vnsel vm1, $0x7FFFFFFF, v56;
	(ifvalue) =	ssetifvalue $0x7FFFFFFF  }
0x45: {  	s28 =	sadd.s32 $0x700, s18;
	(ifvalue) =	ssetifvalue $0x7FFFFFFF  }
0x46: {  	v57 =	vadd.s32 $0x9C800, v1;
	[tilespmem:s28], [sflag:$0x1] =	stream.indirect_vreg.gather [hbm4b:s2+s12], $0x1, v2, vm0, $0x4038;
	[tilespmem:$0x1900] =	vst v63  }
0x47: {  	(ifvalue) =	ssetifvalue $0x7FFFFFFF;
	v2 =	vnsel vm1, $0x7FFFFFFF, v57  }
0x48: {  	s29 =	sadd.s32 $0x780, s18;
	(ifvalue) =	ssetifvalue $0x7FFFFFFF  }
0x49: {  	v58 =	vadd.s32 $0x9C880, v1;
	[tilespmem:s29], [sflag:$0x1] =	stream.indirect_vreg.gather [hbm4b:s2+s12], $0x1, v3, vm0, $0x4038;
	[tilespmem:$0x1900] =	vst v63  }
0x4a: {  	v3 =	vnsel vm1, $0x7FFFFFFF, v58;
	(ifvalue) =	ssetifvalue $0x7FFFFFFF  }
0x4b: {  	s30 =	sadd.s32 $0x800, s18;
	(ifvalue) =	ssetifvalue $0x7FFFFFFF  }
0x4c: {  	v59 =	vadd.s32 $0x9C900, v1;
	[tilespmem:s30], [sflag:$0x1] =	stream.indirect_vreg.gather [hbm4b:s2+s12], $0x1, v2, vm0, $0x4038;
	[tilespmem:$0x1900] =	vst v63  }
0x4d: {  	(ifvalue) =	ssetifvalue $0x7FFFFFFF;
	v2 =	vnsel vm1, $0x7FFFFFFF, v59  }
0x4e: {  	s31 =	sadd.s32 $0x880, s18;
	(ifvalue) =	ssetifvalue $0x7FFFFFFF  }
0x4f: {  	v60 =	vadd.s32 $0x9C980, v1;
	[tilespmem:s31], [sflag:$0x1] =	stream.indirect_vreg.gather [hbm4b:s2+s12], $0x1, v3, vm0, $0x4038;
	[tilespmem:$0x1900] =	vst v63  }
0x50: {  	v3 =	vnsel vm1, $0x7FFFFFFF, v60;
	(ifvalue) =	ssetifvalue $0x7FFFFFFF  }
0x51: {  	s20 =	sadd.s32 $0x900, s18;
	(ifvalue) =	ssetifvalue $0x7FFFFFFF  }
0x52: {  	v61 =	vadd.s32 $0x9CA00, v1;
	[tilespmem:s20], [sflag:$0x1] =	stream.indirect_vreg.gather [hbm4b:s2+s12], $0x1, v2, vm0, $0x4038;
	[tilespmem:$0x1900] =	vst v63  }
0x53: {  	(ifvalue) =	ssetifvalue $0x7FFFFFFF;
	v2 =	vnsel vm1, $0x7FFFFFFF, v61  }
0x54: {  	s21 =	sadd.s32 $0x980, s18;
	(ifvalue) =	ssetifvalue $0x7FFFFFFF  }
0x55: {  	v62 =	vadd.s32 $0x9CA80, v1;
	[tilespmem:s21], [sflag:$0x1] =	stream.indirect_vreg.gather [hbm4b:s2+s12], $0x1, v3, vm0, $0x4038;
	[tilespmem:$0x1900] =	vst v63  }
0x56: {  	v3 =	vnsel vm1, $0x7FFFFFFF, v62;
	(ifvalue) =	ssetifvalue $0x7FFFFFFF  }
0x57: {  	s22 =	sadd.s32 $0xA00, s18;
	(ifvalue) =	ssetifvalue $0x7FFFFFFF  }
0x58: {  	v63 =	vadd.s32 $0x9CB00, v1;
	[tilespmem:s22], [sflag:$0x1] =	stream.indirect_vreg.gather [hbm4b:s2+s12], $0x1, v2, vm0, $0x4038;
	[tilespmem:$0x1900] =	vst v63  }
0x59: {  	(ifvalue) =	ssetifvalue $0x7FFFFFFF;
	v2 =	vnsel vm1, $0x7FFFFFFF, v63  }
0x5a: {  	s23 =	sadd.s32 $0xA80, s18;
	(ifvalue) =	ssetifvalue $0x7FFFFFFF  }
0x5b: {  	v1 =	vadd.s32 $0x9CB80, v1;
	[tilespmem:s23], [sflag:$0x1] =	stream.indirect_vreg.gather [hbm4b:s2+s12], $0x1, v3, vm0, $0x4038;
	[tilespmem:$0x1900] =	vst v63  }
0x5c: {  	v1 =	vnsel vm1, $0x7FFFFFFF, v1;
	(ifvalue) =	ssetifvalue $0x7FFFFFFF  }
0x5d: {  	s24 =	sadd.s32 $0xB00, s18;
	(ifvalue) =	ssetifvalue $0x7FFFFFFF  }
0x5e: {  	[tilespmem:s24], [sflag:$0x1] =	stream.indirect_vreg.gather [hbm4b:s2+s12], $0x1, v2, vm0, $0x4038;
	[tilespmem:$0x1900] =	vst v63  }
0x5f: {  	(ifvalue) =	ssetifvalue $0x7FFFFFFF  }
0x60: {  	s18 =	sadd.s32 $0xB80, s18;
	s25 =	sshll.u32 s15, $0x3;
	(ifvalue) =	ssetifvalue $0x7FFFFFFF  }
0x61: {  	[tilespmem:s18], [sflag:$0x1] =	stream.indirect_vreg.gather [hbm4b:s2+s12], $0x1, v1, vm0, $0x4038;
	[tilespmem:$0x1900] =	vst v63  }
0x62: {  	s26 =	sand.u32 $0x78, s15;
	s18 =	sand.u32 $0xFFFFFC00, s25  }
0x63: {  	_ =	swait.ge [sflag:s6], $0xC00;
	s15 =	sor.u32 s26, s18  }
0x64: {  	[sflag:s6] =	ssyncset.done $0x0;
	s15 =	sshrl.u32 s15, $0x3  }
0x65: {  	[sflag:s6] =	ssyncadd.s32 $0xFFFFF400;
	s28 =	sadd.s32 s5, s15  }
0x66: {  	[hbm:s28] =	stream.linear.scatter [tilespmem:s17], [sflag:$0x3], $0x400, $0x38;
	[tilespmem:$0x1900] =	vst v63  }
0x67: {  	s29 =	sadd.s32 $0x500, s16;
	s30 =	sadd.s32 s15, s9  }
0x68: {  	[hbm:s30] =	stream.linear.scatter [tilespmem:s29], [sflag:$0x3], $0x400, $0x38;
	[tilespmem:$0x1900] =	vst v63  }
0x69: {  	s31 =	sadd.s32 $0x900, s16;
	s15 =	sadd.s32 s15, s10  }
0x6a: {  	[hbm:s15] =	stream.linear.scatter [tilespmem:s31], [sflag:$0x3], $0x400, $0x38;
	[tilespmem:$0x1900] =	vst v63  }
.LBB2_5:
0x6b: {  	s17 =	sadd.s32 $0x1000, s13  }
0x6c: {  	p2 =	sgt.s32 s17, $0x107AFF  }
0x6d: {  	s17 =	smov.u32 @p2 s4;
	p2 =	sne.s32 s14, s11  }
.Ltmp1:
0x6e: {  	p1 =	slt.u32 s14, $0x2;
	(pc) =	sbr.rel @!p2 .LBB2_6-.Ltmp1, $4  }
0x6f: {  	s16 =	simm.s32 @!p1 $0x3  }
0x70: {  	s18 =	sadd.s32 $0x1, s14;
	_ =	swait.ge @!p1 [sflag:s16], $0xC00  }
0x71: {  	s15 =	smov.u32 s13;
	p0 =	por !p0, !p0;
	[sflag:s16] =	ssyncset.done @!p1 $0x0  }
0x72: {  	s14 =	smov.u32 s18;
	s13 =	smov.u32 s17;
	[sflag:s16] =	ssyncadd.s32 @!p1 $0xFFFFF400  }
.LBB2_1:
0x73: {  	p1 =	sge.u32 s14, s8  }
0x74: {  	s16 =	sxor.u32 @!p1 $0xFFFFFFFF, s14  }
0x75: {  	s31 =	sadd.s32 $0xFFFFFFFF, s14;
	s17 =	sshrl.u32 @!p1 s13, $0x3;
	s16 =	sshll.u32 @!p1 s16, $0x7  }
0x76: {  	s18 =	sand.u32 @!p1 $0x7, s13;
	s17 =	sadd.s32 @!p1 s3, s17;
	s16 =	sand.u32 @!p1 $0x80, s16  }
0x77: {  	[tilespmem:s16], [sflag:$0x2] =	stream.linear.gather @!p1 [hbm4b:s17+s18], $0x80, $0x38;
	[tilespmem:$0x1900] =	vst v63  }
0x78: {  	p1 =	sge.u32 s31, s8  }
.Ltmp2:
0x79: {  	_ = 	snop;
	(pc) =	sbr.rel @p1 .LBB2_5-.Ltmp2, $1  }
0x7a: {  	_ =	sdelay $0x3  }
0x7b: {  	s16 =	simm.s32 $0x1  }
0x7c: {  	_ =	swait.ge [sflag:s7], $0x80;
	s16 =	simm.s32 @!p0 $0x0  }
0x7d: {  	[sflag:s7] =	ssyncset.done $0x0;
	s18 =	sshll.u32 s16, $0x7  }
0x7e: {  	[sflag:s7] =	ssyncadd.s32 $0xFFFFFF80;
	s17 =	sadd.s32 $0x0, s18  }
0x7f: {  	v1 =	vld.msk [tilespmem:s17+$0x0 ss:$0x1], $0xffff;
	_ =	sdelay $0x3  }
0x80: {  	s21 =	ssub.s32 $0x107AC0, s15  }
0x81: {  	p1 =	slt.s32 s21, $0x80;
	v2 =	vshrl.u32 v1, $0x10  }
0x82: {  	s21 =	simm.s32 @!p1 $0x80;
	vm1 =	veq.s32 v1, $0x80000000;
	v1 =	vand.u32 $0xFFFF, v1;
	v2 =	vand.u32 $0x1F, v2  }
0x83: {  	p1 =	sgt.s32 s21, $0x0;
	s17 =	smov.u32 s21;
	v1 =	vsel vm1, $0xFFFFFFFF, v1;
	v2 =	vmul.u32 $0xEAC00, v2  }
0x84: {  	s17 =	simm.s32 @!p1 $0x0;
	v3 =	vshll.u32 v1, $0x3  }
0x85: {  	s17 =	smin.u32 s17, $0x10;
	v3 =	vand.u32 $0xFFFFFC00, v3;
	v2 =	vsel vm1, $0xFFF15400, v2  }
0x86: {  	v1 =	vand.u32 $0x7F, v1;
	v2 =	vadd.s32 v3, v2;
	v3 =	vmov s17  }
0x87: {  	v1 =	vor.u32 v1, v2;
	vm1 =	vgt.u32 v3, v0  }
0x88: {  	s16 =	smul.u32 $0x3000, s16;
	v2 =	vnsel vm1, $0x7FFFFFFF, v1;
	_ =	sdelay $0x1  }
0x89: {  	s16 =	sshrl.u32 s16, $0x2;
	v3 =	vor.u32 $0x80, v1  }
0x8a: {  	(ifvalue) =	ssetifvalue $0x7FFFFFFF;
	s19 =	sor.u32 $0x100, s16;
	v3 =	vnsel vm1, $0x7FFFFFFF, v3  }
0x8b: {  	(ifvalue) =	ssetifvalue $0x7FFFFFFF;
	s22 =	sadd.s32 $0x0, s19  }
0x8c: {  	v4 =	vor.u32 $0x100, v1;
	[tilespmem:s22], [sflag:$0x1] =	stream.indirect_vreg.gather [hbm4b:s2+s12], $0x1, v2, vm0, $0x4038;
	[tilespmem:$0x1900] =	vst v63  }
0x8d: {  	(ifvalue) =	ssetifvalue $0x7FFFFFFF;
	v2 =	vnsel vm1, $0x7FFFFFFF, v4  }
0x8e: {  	s30 =	sadd.s32 $0x80, s22;
	(ifvalue) =	ssetifvalue $0x7FFFFFFF  }
0x8f: {  	v44 =	vor.u32 $0x180, v1;
	[tilespmem:s30], [sflag:$0x1] =	stream.indirect_vreg.gather [hbm4b:s2+s12], $0x1, v3, vm0, $0x4038;
	[tilespmem:$0x1900] =	vst v63  }
0x90: {  	v3 =	vnsel vm1, $0x7FFFFFFF, v44;
	(ifvalue) =	ssetifvalue $0x7FFFFFFF  }
0x91: {  	s31 =	sadd.s32 $0x100, s22;
	(ifvalue) =	ssetifvalue $0x7FFFFFFF  }
0x92: {  	v45 =	vor.u32 $0x200, v1;
	[tilespmem:s31], [sflag:$0x1] =	stream.indirect_vreg.gather [hbm4b:s2+s12], $0x1, v2, vm0, $0x4038;
	[tilespmem:$0x1900] =	vst v63  }
0x93: {  	(ifvalue) =	ssetifvalue $0x7FFFFFFF;
	v2 =	vnsel vm1, $0x7FFFFFFF, v45  }
0x94: {  	s17 =	sadd.s32 $0x180, s22;
	(ifvalue) =	ssetifvalue $0x7FFFFFFF  }
0x95: {  	v46 =	vor.u32 $0x280, v1;
	[tilespmem:s17], [sflag:$0x1] =	stream.indirect_vreg.gather [hbm4b:s2+s12], $0x1, v3, vm0, $0x4038;
	[tilespmem:$0x1900] =	vst v63  }
0x96: {  	v3 =	vnsel vm1, $0x7FFFFFFF, v46;
	(ifvalue) =	ssetifvalue $0x7FFFFFFF  }
0x97: {  	s20 =	sadd.s32 $0x200, s22;
	(ifvalue) =	ssetifvalue $0x7FFFFFFF  }
0x98: {  	v47 =	vor.u32 $0x300, v1;
	[tilespmem:s20], [sflag:$0x1] =	stream.indirect_vreg.gather [hbm4b:s2+s12], $0x1, v2, vm0, $0x4038;
	[tilespmem:$0x1900] =	vst v63  }
0x99: {  	(ifvalue) =	ssetifvalue $0x7FFFFFFF;
	v2 =	vnsel vm1, $0x7FFFFFFF, v47  }
0x9a: {  	s23 =	sadd.s32 $0x280, s22;
	(ifvalue) =	ssetifvalue $0x7FFFFFFF  }
0x9b: {  	v48 =	vor.u32 $0x380, v1;
	[tilespmem:s23], [sflag:$0x1] =	stream.indirect_vreg.gather [hbm4b:s2+s12], $0x1, v3, vm0, $0x4038;
	[tilespmem:$0x1900] =	vst v63  }
0x9c: {  	v3 =	vnsel vm1, $0x7FFFFFFF, v48;
	(ifvalue) =	ssetifvalue $0x7FFFFFFF  }
0x9d: {  	s24 =	sadd.s32 $0x300, s22;
	(ifvalue) =	ssetifvalue $0x7FFFFFFF  }
0x9e: {  	v49 =	vadd.s32 $0x4E400, v1;
	[tilespmem:s24], [sflag:$0x1] =	stream.indirect_vreg.gather [hbm4b:s2+s12], $0x1, v2, vm0, $0x4038;
	[tilespmem:$0x1900] =	vst v63  }
0x9f: {  	(ifvalue) =	ssetifvalue $0x7FFFFFFF;
	v2 =	vnsel vm1, $0x7FFFFFFF, v49  }
0xa0: {  	s25 =	sadd.s32 $0x380, s22;
	(ifvalue) =	ssetifvalue $0x7FFFFFFF  }
0xa1: {  	v50 =	vadd.s32 $0x4E480, v1;
	[tilespmem:s25], [sflag:$0x1] =	stream.indirect_vreg.gather [hbm4b:s2+s12], $0x1, v3, vm0, $0x4038;
	[tilespmem:$0x1900] =	vst v63  }
0xa2: {  	v3 =	vnsel vm1, $0x7FFFFFFF, v50;
	(ifvalue) =	ssetifvalue $0x7FFFFFFF  }
0xa3: {  	s26 =	sadd.s32 $0x400, s22;
	(ifvalue) =	ssetifvalue $0x7FFFFFFF  }
0xa4: {  	v51 =	vadd.s32 $0x4E500, v1;
	[tilespmem:s26], [sflag:$0x1] =	stream.indirect_vreg.gather [hbm4b:s2+s12], $0x1, v2, vm0, $0x4038;
	[tilespmem:$0x1900] =	vst v63  }
0xa5: {  	(ifvalue) =	ssetifvalue $0x7FFFFFFF;
	v2 =	vnsel vm1, $0x7FFFFFFF, v51  }
0xa6: {  	s28 =	sadd.s32 $0x480, s22;
	(ifvalue) =	ssetifvalue $0x7FFFFFFF  }
0xa7: {  	v52 =	vadd.s32 $0x4E580, v1;
	[tilespmem:s28], [sflag:$0x1] =	stream.indirect_vreg.gather [hbm4b:s2+s12], $0x1, v3, vm0, $0x4038;
	[tilespmem:$0x1900] =	vst v63  }
0xa8: {  	v3 =	vnsel vm1, $0x7FFFFFFF, v52;
	(ifvalue) =	ssetifvalue $0x7FFFFFFF  }
0xa9: {  	s29 =	sadd.s32 $0x500, s22;
	(ifvalue) =	ssetifvalue $0x7FFFFFFF  }
0xaa: {  	v53 =	vadd.s32 $0x4E600, v1;
	[tilespmem:s29], [sflag:$0x1] =	stream.indirect_vreg.gather [hbm4b:s2+s12], $0x1, v2, vm0, $0x4038;
	[tilespmem:$0x1900] =	vst v63  }
0xab: {  	(ifvalue) =	ssetifvalue $0x7FFFFFFF;
	v2 =	vnsel vm1, $0x7FFFFFFF, v53  }
0xac: {  	s30 =	sadd.s32 $0x580, s22;
	(ifvalue) =	ssetifvalue $0x7FFFFFFF  }
0xad: {  	v54 =	vadd.s32 $0x4E680, v1;
	[tilespmem:s30], [sflag:$0x1] =	stream.indirect_vreg.gather [hbm4b:s2+s12], $0x1, v3, vm0, $0x4038;
	[tilespmem:$0x1900] =	vst v63  }
0xae: {  	v3 =	vnsel vm1, $0x7FFFFFFF, v54;
	(ifvalue) =	ssetifvalue $0x7FFFFFFF  }
0xaf: {  	s31 =	sadd.s32 $0x600, s22;
	(ifvalue) =	ssetifvalue $0x7FFFFFFF  }
0xb0: {  	v55 =	vadd.s32 $0x4E700, v1;
	[tilespmem:s31], [sflag:$0x1] =	stream.indirect_vreg.gather [hbm4b:s2+s12], $0x1, v2, vm0, $0x4038;
	[tilespmem:$0x1900] =	vst v63  }
0xb1: {  	(ifvalue) =	ssetifvalue $0x7FFFFFFF;
	v2 =	vnsel vm1, $0x7FFFFFFF, v55  }
0xb2: {  	s17 =	sadd.s32 $0x680, s22;
	(ifvalue) =	ssetifvalue $0x7FFFFFFF  }
0xb3: {  	v56 =	vadd.s32 $0x4E780, v1;
	[tilespmem:s17], [sflag:$0x1] =	stream.indirect_vreg.gather [hbm4b:s2+s12], $0x1, v3, vm0, $0x4038;
	[tilespmem:$0x1900] =	vst v63  }
0xb4: {  	v3 =	vnsel vm1, $0x7FFFFFFF, v56;
	(ifvalue) =	ssetifvalue $0x7FFFFFFF  }
0xb5: {  	s20 =	sadd.s32 $0x700, s22;
	(ifvalue) =	ssetifvalue $0x7FFFFFFF  }
0xb6: {  	v57 =	vadd.s32 $0x9C800, v1;
	[tilespmem:s20], [sflag:$0x1] =	stream.indirect_vreg.gather [hbm4b:s2+s12], $0x1, v2, vm0, $0x4038;
	[tilespmem:$0x1900] =	vst v63  }
0xb7: {  	(ifvalue) =	ssetifvalue $0x7FFFFFFF;
	v2 =	vnsel vm1, $0x7FFFFFFF, v57  }
0xb8: {  	s23 =	sadd.s32 $0x780, s22;
	(ifvalue) =	ssetifvalue $0x7FFFFFFF  }
0xb9: {  	v58 =	vadd.s32 $0x9C880, v1;
	[tilespmem:s23], [sflag:$0x1] =	stream.indirect_vreg.gather [hbm4b:s2+s12], $0x1, v3, vm0, $0x4038;
	[tilespmem:$0x1900] =	vst v63  }
0xba: {  	v3 =	vnsel vm1, $0x7FFFFFFF, v58;
	(ifvalue) =	ssetifvalue $0x7FFFFFFF  }
0xbb: {  	s24 =	sadd.s32 $0x800, s22;
	(ifvalue) =	ssetifvalue $0x7FFFFFFF  }
0xbc: {  	v59 =	vadd.s32 $0x9C900, v1;
	[tilespmem:s24], [sflag:$0x1] =	stream.indirect_vreg.gather [hbm4b:s2+s12], $0x1, v2, vm0, $0x4038;
	[tilespmem:$0x1900] =	vst v63  }
0xbd: {  	(ifvalue) =	ssetifvalue $0x7FFFFFFF;
	v2 =	vnsel vm1, $0x7FFFFFFF, v59  }
0xbe: {  	s25 =	sadd.s32 $0x880, s22;
	(ifvalue) =	ssetifvalue $0x7FFFFFFF  }
0xbf: {  	v60 =	vadd.s32 $0x9C980, v1;
	[tilespmem:s25], [sflag:$0x1] =	stream.indirect_vreg.gather [hbm4b:s2+s12], $0x1, v3, vm0, $0x4038;
	[tilespmem:$0x1900] =	vst v63  }
0xc0: {  	v3 =	vnsel vm1, $0x7FFFFFFF, v60;
	(ifvalue) =	ssetifvalue $0x7FFFFFFF  }
0xc1: {  	s26 =	sadd.s32 $0x900, s22;
	(ifvalue) =	ssetifvalue $0x7FFFFFFF  }
0xc2: {  	v61 =	vadd.s32 $0x9CA00, v1;
	[tilespmem:s26], [sflag:$0x1] =	stream.indirect_vreg.gather [hbm4b:s2+s12], $0x1, v2, vm0, $0x4038;
	[tilespmem:$0x1900] =	vst v63  }
0xc3: {  	(ifvalue) =	ssetifvalue $0x7FFFFFFF;
	v2 =	vnsel vm1, $0x7FFFFFFF, v61  }
0xc4: {  	s28 =	sadd.s32 $0x980, s22;
	(ifvalue) =	ssetifvalue $0x7FFFFFFF  }
0xc5: {  	v62 =	vadd.s32 $0x9CA80, v1;
	[tilespmem:s28], [sflag:$0x1] =	stream.indirect_vreg.gather [hbm4b:s2+s12], $0x1, v3, vm0, $0x4038;
	[tilespmem:$0x1900] =	vst v63  }
0xc6: {  	v3 =	vnsel vm1, $0x7FFFFFFF, v62;
	(ifvalue) =	ssetifvalue $0x7FFFFFFF  }
0xc7: {  	s29 =	sadd.s32 $0xA00, s22;
	(ifvalue) =	ssetifvalue $0x7FFFFFFF  }
0xc8: {  	v63 =	vadd.s32 $0x9CB00, v1;
	[tilespmem:s29], [sflag:$0x1] =	stream.indirect_vreg.gather [hbm4b:s2+s12], $0x1, v2, vm0, $0x4038;
	[tilespmem:$0x1900] =	vst v63  }
0xc9: {  	s30 =	sand.u32 $0x1, s14;
	(ifvalue) =	ssetifvalue $0x7FFFFFFF;
	v2 =	vnsel vm1, $0x7FFFFFFF, v63  }
0xca: {  	s16 =	smul.u32 $0x3000, s30;
	s31 =	sadd.s32 $0xA80, s22;
	(ifvalue) =	ssetifvalue $0x7FFFFFFF  }
0xcb: {  	v1 =	vadd.s32 $0x9CB80, v1;
	[tilespmem:s31], [sflag:$0x1] =	stream.indirect_vreg.gather [hbm4b:s2+s12], $0x1, v3, vm0, $0x4038;
	[tilespmem:$0x1900] =	vst v63  }
0xcc: {  	s21 =	sadd.s32 $0xFFFFFFF0, s21;
	v1 =	vnsel vm1, $0x7FFFFFFF, v1;
	(ifvalue) =	ssetifvalue $0x7FFFFFFF  }
0xcd: {  	s16 =	sshrl.u32 s16, $0x2;
	s20 =	sadd.s32 $0xB00, s22;
	(ifvalue) =	ssetifvalue $0x7FFFFFFF  }
0xce: {  	[tilespmem:s20], [sflag:$0x1] =	stream.indirect_vreg.gather [hbm4b:s2+s12], $0x1, v2, vm0, $0x4038;
	[tilespmem:$0x1900] =	vst v63  }
0xcf: {  	s17 =	sor.u32 $0x100, s16;
	s23 =	simm.s32 $0x80;
	(ifvalue) =	ssetifvalue $0x7FFFFFFF  }
0xd0: {  	s24 =	sadd.s32 $0xB80, s22;
	s20 =	simm.s32 $0x10;
	(ifvalue) =	ssetifvalue $0x7FFFFFFF  }
.LBB2_3:
0xd1: {  	[tilespmem:s24], [sflag:$0x1] =	stream.indirect_vreg.gather [hbm4b:s2+s12], $0x1, v1, vm0, $0x4038;
	[tilespmem:$0x1900] =	vst v63  }
0xd2: {  	s22 =	smov.u32 s23  }
0xd3: {  	s25 =	sadd.s32 s20, s18;
	s24 =	sshra.s32 s22, $0x2;
	s22 =	sadd.s32 $0x40, s23  }
0xd4: {  	p1 =	sne.s32 s23, $0x1C0;
	v1 =	vld.msk [tilespmem:s25+$0x0 ss:$0x1], $0xffff  }
0xd5: {  	(ifvalue) =	ssetifvalue $0x7FFFFFFF;
	_ =	sdelay $0x4  }
0xd6: {  	v2 =	vshrl.u32 v1, $0x10  }
0xd7: {  	vm1 =	veq.s32 v1, $0x80000000;
	v1 =	vand.u32 $0xFFFF, v1;
	v2 =	vand.u32 $0x1F, v2  }
0xd8: {  	p2 =	sgt.s32 s21, $0x0;
	s23 =	smov.u32 s21;
	v1 =	vsel vm1, $0xFFFFFFFF, v1;
	v2 =	vmul.u32 $0xEAC00, v2  }
0xd9: {  	s23 =	simm.s32 @!p2 $0x0;
	v3 =	vshll.u32 v1, $0x3  }
0xda: {  	s23 =	smin.u32 s23, $0x10;
	v3 =	vand.u32 $0xFFFFFC00, v3;
	v2 =	vsel vm1, $0xFFF15400, v2  }
0xdb: {  	v1 =	vand.u32 $0x7F, v1;
	v2 =	vadd.s32 v3, v2;
	v3 =	vmov s23  }
0xdc: {  	v1 =	vor.u32 v1, v2;
	vm1 =	vgt.u32 v3, v0  }
0xdd: {  	v2 =	vnsel vm1, $0x7FFFFFFF, v1;
	v3 =	vor.u32 $0x80, v1;
	v4 =	vor.u32 $0x100, v1  }
0xde: {  	v7 =	vor.u32 $0x180, v1;
	v8 =	vor.u32 $0x200, v1;
	v9 =	vor.u32 $0x280, v1  }
0xdf: {  	v10 =	vor.u32 $0x300, v1;
	v11 =	vor.u32 $0x380, v1;
	v12 =	vadd.s32 $0x4E400, v1  }
0xe0: {  	v14 =	vadd.s32 $0x4E480, v1;
	v15 =	vadd.s32 $0x4E500, v1;
	v13 =	vnsel vm1, $0x7FFFFFFF, v3  }
0xe1: {  	s23 =	sadd.s32 s20, s19;
	s20 =	smov.u32 s24;
	v16 =	vadd.s32 $0x4E580, v1;
	v17 =	vadd.s32 $0x4E600, v1;
	v18 =	vadd.s32 $0x4E680, v1;
	(ifvalue) =	ssetifvalue $0x7FFFFFFF  }
0xe2: {  	v19 =	vadd.s32 $0x4E700, v1;
	v20 =	vadd.s32 $0x4E780, v1;
	v21 =	vadd.s32 $0x9C800, v1;
	[tilespmem:s23], [sflag:$0x1] =	stream.indirect_vreg.gather [hbm4b:s2+s12], $0x1, v2, vm0, $0x4038;
	[tilespmem:$0x1900] =	vst v63  }
0xe3: {  	v23 =	vadd.s32 $0x9C880, v1;
	v6 =	vadd.s32 $0x9C900, v1;
	v22 =	vnsel vm1, $0x7FFFFFFF, v4;
	(ifvalue) =	ssetifvalue $0x7FFFFFFF  }
0xe4: {  	s24 =	sadd.s32 $0x80, s23;
	v5 =	vadd.s32 $0x9C980, v1;
	v4 =	vadd.s32 $0x9CA00, v1;
	v3 =	vadd.s32 $0x9CA80, v1;
	(ifvalue) =	ssetifvalue $0x7FFFFFFF  }
0xe5: {  	v2 =	vadd.s32 $0x9CB00, v1;
	v1 =	vadd.s32 $0x9CB80, v1;
	[tilespmem:s24], [sflag:$0x1] =	stream.indirect_vreg.gather [hbm4b:s2+s12], $0x1, v13, vm0, $0x4038;
	[tilespmem:$0x1900] =	vst v63  }
0xe6: {  	v7 =	vnsel vm1, $0x7FFFFFFF, v7;
	(ifvalue) =	ssetifvalue $0x7FFFFFFF  }
0xe7: {  	s24 =	sadd.s32 $0x100, s23;
	(ifvalue) =	ssetifvalue $0x7FFFFFFF  }
0xe8: {  	[tilespmem:s24], [sflag:$0x1] =	stream.indirect_vreg.gather [hbm4b:s2+s12], $0x1, v22, vm0, $0x4038;
	[tilespmem:$0x1900] =	vst v63  }
0xe9: {  	v8 =	vnsel vm1, $0x7FFFFFFF, v8;
	(ifvalue) =	ssetifvalue $0x7FFFFFFF  }
0xea: {  	s24 =	sadd.s32 $0x180, s23;
	(ifvalue) =	ssetifvalue $0x7FFFFFFF  }
0xeb: {  	[tilespmem:s24], [sflag:$0x1] =	stream.indirect_vreg.gather [hbm4b:s2+s12], $0x1, v7, vm0, $0x4038;
	[tilespmem:$0x1900] =	vst v63  }
0xec: {  	v7 =	vnsel vm1, $0x7FFFFFFF, v9;
	(ifvalue) =	ssetifvalue $0x7FFFFFFF  }
0xed: {  	s24 =	sadd.s32 $0x200, s23;
	(ifvalue) =	ssetifvalue $0x7FFFFFFF  }
0xee: {  	[tilespmem:s24], [sflag:$0x1] =	stream.indirect_vreg.gather [hbm4b:s2+s12], $0x1, v8, vm0, $0x4038;
	[tilespmem:$0x1900] =	vst v63  }
0xef: {  	v8 =	vnsel vm1, $0x7FFFFFFF, v10;
	(ifvalue) =	ssetifvalue $0x7FFFFFFF  }
0xf0: {  	s24 =	sadd.s32 $0x280, s23;
	(ifvalue) =	ssetifvalue $0x7FFFFFFF  }
0xf1: {  	[tilespmem:s24], [sflag:$0x1] =	stream.indirect_vreg.gather [hbm4b:s2+s12], $0x1, v7, vm0, $0x4038;
	[tilespmem:$0x1900] =	vst v63  }
0xf2: {  	v7 =	vnsel vm1, $0x7FFFFFFF, v11;
	(ifvalue) =	ssetifvalue $0x7FFFFFFF  }
0xf3: {  	s24 =	sadd.s32 $0x300, s23;
	(ifvalue) =	ssetifvalue $0x7FFFFFFF  }
0xf4: {  	[tilespmem:s24], [sflag:$0x1] =	stream.indirect_vreg.gather [hbm4b:s2+s12], $0x1, v8, vm0, $0x4038;
	[tilespmem:$0x1900] =	vst v63  }
0xf5: {  	v8 =	vnsel vm1, $0x7FFFFFFF, v12;
	(ifvalue) =	ssetifvalue $0x7FFFFFFF  }
0xf6: {  	s24 =	sadd.s32 $0x380, s23;
	(ifvalue) =	ssetifvalue $0x7FFFFFFF  }
0xf7: {  	[tilespmem:s24], [sflag:$0x1] =	stream.indirect_vreg.gather [hbm4b:s2+s12], $0x1, v7, vm0, $0x4038;
	[tilespmem:$0x1900] =	vst v63  }
0xf8: {  	v7 =	vnsel vm1, $0x7FFFFFFF, v14;
	(ifvalue) =	ssetifvalue $0x7FFFFFFF  }
0xf9: {  	s24 =	sadd.s32 $0x400, s23;
	(ifvalue) =	ssetifvalue $0x7FFFFFFF  }
0xfa: {  	[tilespmem:s24], [sflag:$0x1] =	stream.indirect_vreg.gather [hbm4b:s2+s12], $0x1, v8, vm0, $0x4038;
	[tilespmem:$0x1900] =	vst v63  }
0xfb: {  	v8 =	vnsel vm1, $0x7FFFFFFF, v15;
	(ifvalue) =	ssetifvalue $0x7FFFFFFF  }
0xfc: {  	s24 =	sadd.s32 $0x480, s23;
	(ifvalue) =	ssetifvalue $0x7FFFFFFF  }
0xfd: {  	[tilespmem:s24], [sflag:$0x1] =	stream.indirect_vreg.gather [hbm4b:s2+s12], $0x1, v7, vm0, $0x4038;
	[tilespmem:$0x1900] =	vst v63  }
0xfe: {  	v7 =	vnsel vm1, $0x7FFFFFFF, v16;
	(ifvalue) =	ssetifvalue $0x7FFFFFFF  }
0xff: {  	s24 =	sadd.s32 $0x500, s23;
	(ifvalue) =	ssetifvalue $0x7FFFFFFF  }
0x100: {  	[tilespmem:s24], [sflag:$0x1] =	stream.indirect_vreg.gather [hbm4b:s2+s12], $0x1, v8, vm0, $0x4038;
	[tilespmem:$0x1900] =	vst v63  }
0x101: {  	v8 =	vnsel vm1, $0x7FFFFFFF, v17;
	(ifvalue) =	ssetifvalue $0x7FFFFFFF  }
0x102: {  	s24 =	sadd.s32 $0x580, s23;
	(ifvalue) =	ssetifvalue $0x7FFFFFFF  }
0x103: {  	[tilespmem:s24], [sflag:$0x1] =	stream.indirect_vreg.gather [hbm4b:s2+s12], $0x1, v7, vm0, $0x4038;
	[tilespmem:$0x1900] =	vst v63  }
0x104: {  	v7 =	vnsel vm1, $0x7FFFFFFF, v18;
	(ifvalue) =	ssetifvalue $0x7FFFFFFF  }
0x105: {  	s24 =	sadd.s32 $0x600, s23;
	(ifvalue) =	ssetifvalue $0x7FFFFFFF  }
0x106: {  	[tilespmem:s24], [sflag:$0x1] =	stream.indirect_vreg.gather [hbm4b:s2+s12], $0x1, v8, vm0, $0x4038;
	[tilespmem:$0x1900] =	vst v63  }
0x107: {  	v8 =	vnsel vm1, $0x7FFFFFFF, v19;
	(ifvalue) =	ssetifvalue $0x7FFFFFFF  }
0x108: {  	s24 =	sadd.s32 $0x680, s23;
	(ifvalue) =	ssetifvalue $0x7FFFFFFF  }
0x109: {  	[tilespmem:s24], [sflag:$0x1] =	stream.indirect_vreg.gather [hbm4b:s2+s12], $0x1, v7, vm0, $0x4038;
	[tilespmem:$0x1900] =	vst v63  }
0x10a: {  	v7 =	vnsel vm1, $0x7FFFFFFF, v20;
	(ifvalue) =	ssetifvalue $0x7FFFFFFF  }
0x10b: {  	s24 =	sadd.s32 $0x700, s23;
	(ifvalue) =	ssetifvalue $0x7FFFFFFF  }
0x10c: {  	[tilespmem:s24], [sflag:$0x1] =	stream.indirect_vreg.gather [hbm4b:s2+s12], $0x1, v8, vm0, $0x4038;
	[tilespmem:$0x1900] =	vst v63  }
0x10d: {  	v8 =	vnsel vm1, $0x7FFFFFFF, v21;
	(ifvalue) =	ssetifvalue $0x7FFFFFFF  }
0x10e: {  	s24 =	sadd.s32 $0x780, s23;
	(ifvalue) =	ssetifvalue $0x7FFFFFFF  }
0x10f: {  	[tilespmem:s24], [sflag:$0x1] =	stream.indirect_vreg.gather [hbm4b:s2+s12], $0x1, v7, vm0, $0x4038;
	[tilespmem:$0x1900] =	vst v63  }
0x110: {  	v7 =	vnsel vm1, $0x7FFFFFFF, v23;
	(ifvalue) =	ssetifvalue $0x7FFFFFFF  }
0x111: {  	s24 =	sadd.s32 $0x800, s23;
	(ifvalue) =	ssetifvalue $0x7FFFFFFF  }
0x112: {  	[tilespmem:s24], [sflag:$0x1] =	stream.indirect_vreg.gather [hbm4b:s2+s12], $0x1, v8, vm0, $0x4038;
	[tilespmem:$0x1900] =	vst v63  }
0x113: {  	v6 =	vnsel vm1, $0x7FFFFFFF, v6;
	(ifvalue) =	ssetifvalue $0x7FFFFFFF  }
0x114: {  	s24 =	sadd.s32 $0x880, s23;
	(ifvalue) =	ssetifvalue $0x7FFFFFFF  }
0x115: {  	[tilespmem:s24], [sflag:$0x1] =	stream.indirect_vreg.gather [hbm4b:s2+s12], $0x1, v7, vm0, $0x4038;
	[tilespmem:$0x1900] =	vst v63  }
0x116: {  	v5 =	vnsel vm1, $0x7FFFFFFF, v5;
	(ifvalue) =	ssetifvalue $0x7FFFFFFF  }
0x117: {  	s24 =	sadd.s32 $0x900, s23;
	(ifvalue) =	ssetifvalue $0x7FFFFFFF  }
0x118: {  	[tilespmem:s24], [sflag:$0x1] =	stream.indirect_vreg.gather [hbm4b:s2+s12], $0x1, v6, vm0, $0x4038;
	[tilespmem:$0x1900] =	vst v63  }
0x119: {  	v4 =	vnsel vm1, $0x7FFFFFFF, v4;
	(ifvalue) =	ssetifvalue $0x7FFFFFFF  }
0x11a: {  	s24 =	sadd.s32 $0x980, s23;
	(ifvalue) =	ssetifvalue $0x7FFFFFFF  }
0x11b: {  	[tilespmem:s24], [sflag:$0x1] =	stream.indirect_vreg.gather [hbm4b:s2+s12], $0x1, v5, vm0, $0x4038;
	[tilespmem:$0x1900] =	vst v63  }
0x11c: {  	v3 =	vnsel vm1, $0x7FFFFFFF, v3;
	(ifvalue) =	ssetifvalue $0x7FFFFFFF  }
0x11d: {  	s24 =	sadd.s32 $0xA00, s23;
	(ifvalue) =	ssetifvalue $0x7FFFFFFF  }
0x11e: {  	[tilespmem:s24], [sflag:$0x1] =	stream.indirect_vreg.gather [hbm4b:s2+s12], $0x1, v4, vm0, $0x4038;
	[tilespmem:$0x1900] =	vst v63  }
0x11f: {  	v2 =	vnsel vm1, $0x7FFFFFFF, v2;
	(ifvalue) =	ssetifvalue $0x7FFFFFFF  }
0x120: {  	s24 =	sadd.s32 $0xA80, s23;
	(ifvalue) =	ssetifvalue $0x7FFFFFFF  }
0x121: {  	[tilespmem:s24], [sflag:$0x1] =	stream.indirect_vreg.gather [hbm4b:s2+s12], $0x1, v3, vm0, $0x4038;
	[tilespmem:$0x1900] =	vst v63  }
.Ltmp3:
0x122: {  	v1 =	vnsel vm1, $0x7FFFFFFF, v1;
	(ifvalue) =	ssetifvalue $0x7FFFFFFF;
	(pc) =	sbr.rel @p1 .LBB2_3-.Ltmp3, $4  }
0x123: {  	s24 =	sadd.s32 $0xB00, s23;
	(ifvalue) =	ssetifvalue $0x7FFFFFFF  }
0x124: {  	[tilespmem:s24], [sflag:$0x1] =	stream.indirect_vreg.gather [hbm4b:s2+s12], $0x1, v2, vm0, $0x4038;
	[tilespmem:$0x1900] =	vst v63  }
0x125: {  	s21 =	sadd.s32 $0xFFFFFFF0, s21;
	(ifvalue) =	ssetifvalue $0x7FFFFFFF  }
0x126: {  	s24 =	sadd.s32 $0xB80, s23;
	s23 =	smov.u32 s22;
	(ifvalue) =	ssetifvalue $0x7FFFFFFF  }
.Ltmp4:
0x127: {  	_ = 	snop;
	(pc) =	sbr.rel .LBB2_4-.Ltmp4, $1  }
0x128: {  	_ =	sdelay $0x3  }
.LBB2_6:
0x129: {  	_ =	sfence.sel $0x180000  }
0x12a: {  	s2 =	simm.s32 $0x2;
	[bflag:$0x0] =	sbarrier.arrive $0xFFFF  }
0x12b: {  	s30 =	simm.s32 $0x3;
	[sflag:s2] =	ssyncpa.u1 $0x1  }
0x12c: {  	s31 =	simm.s32 $0x1;
	[sflag:s30] =	ssyncpa.u1 $0x1  }
0x12d: {  	[sflag:s31] =	ssyncpa.u1 $0x1  }
0x12e: {  	p0 =	sne.s32 s1, $0x0;
	_ =	strace $0x90000053  }
0x12f: {  	s0 =	sadd.s32 @!p0 $0x100000, s0;
	[bflag:$0x2] =	sbarrier.arrive $0xFFFF  }
0x130: {  	[sflag:s0] =	ssyncadd.tile.s32 @!p0 $0x1;
	_ =	shalt  }
.Lfunc_end2:
_tile_overlayer_lowered:
.L_overlay_start_2:
0x131: {  	(tag) =	ssettag $0x2  }
0x132: {  	s0 =	rddreg [dreg:$0x0];
	s2 =	stileid.u32  }
0x133: {  	s1 =	rddreg [dreg:$0x1];
	p0 =	sne.s32 s2, $0x0  }
0x134: {  	s3 =	rddreg [dreg:$0x2];
	[bflag:$0x3] =	sbarrier.arrive $0xFFFF;
	s2 =	simm.s32 @!p0 $0x1C01  }
0x135: {  	[timem:s3], [sflag:s2] =	dma.local @!p0 [hbm:s0], s1  }
0x136: {  	s0 =	simm.s32 @!p0 $0x1  }
0x137: {  	_ =	swait.ge @!p0 [sflag:s0], s1  }
0x138: {  	s1 =	ssub.s32 @!p0 $0x0, s1;
	[sflag:s0] =	ssyncset.done @!p0 $0x0  }
0x139: {  	[sflag:s0] =	ssyncadd.s32 @!p0 s1  }
0x13a: {  	[bflag:$0x3] =	sbarrier.arrive $0xFFFF  }
0x13b: {  	_ =	shalt  }

// kernel: gather_offload_async_start
scs
__scs_entry_jumppad:
0x0: {  	(pc) =	sbr.rel $0x88, $3  }
0x1: {  	(tag) =	ssettag $0x0;
	lr =	simm.s32 $0x1  }
0x2: {  	[smem:$0x3F8E] =	sst lr;
	_ =	strace $0xD0000000  }
0x3: {  	_ = 	snop  }
0x4: {  	_ = 	snop  }
0x5: {  	_ = 	snop  }
0x6: {  	_ = 	snop  }
0x7: {  	_ = 	snop  }
__scs_overlays_trampoline_lowered:
0x8: {  	[smem:$0x3F9D] =	sst s0  }
0x9: {  	[smem:$0x3F9E] =	sst s1  }
0xa: {  	[smem:$0x3F9F] =	sst s2  }
0xb: {  	[smem:$0x3FA0] =	sst s3  }
0xc: {  	[smem:$0x3FA1] =	sst s4  }
0xd: {  	[smem:$0x3FA2] =	sst s5  }
0xe: {  	[smem:$0x3FA3] =	sst s6  }
0xf: {  	[smem:$0x3FA4] =	sst s7  }
0x10: {  	[smem:$0x3FA5] =	sst s8  }
0x11: {  	[smem:$0x3FA6] =	sst s9;
	s0 =	simm.s32 @!p0 $0x0  }
0x12: {  	s1 =	sld [smem:$0x3F8C];
	s0 =	simm.s32 @p0 $0x1  }
0x13: {  	[smem:$0x3FA7] =	sst s0;
	s0 =	simm.s32 @!p1 $0x0  }
0x14: {  	s2 =	sld [smem:$0x3F8B];
	s0 =	simm.s32 @p1 $0x1  }
0x15: {  	[smem:$0x3FA8] =	sst s0;
	s0 =	simm.s32 @!p2 $0x0  }
0x16: {  	s3 =	sld [smem:$0x3FDB];
	s0 =	simm.s32 @p2 $0x1  }
0x17: {  	s4 =	simm.s32 $0x1BF5;
	[smem:$0x3FAA] =	sst s0  }
0x18: {  	s0 =	sld [smem:$0x3F8D];
	_ =	swait.ge [sflag:s4], $0x0  }
0x19: {  	s7 =	sld [smem:$0x3F8E]  }
0x1a: {  	s8 =	sadd.s32 $0xFFFFE003, lr  }
0x1b: {  	s9 =	sadd.s32 $0xFFFFFEF7, lr;
	s5 =	simm.s32 $0xFFFFFFFF;
	p2 =	slt.u32 s8, $0xFFFFF086  }
0x1c: {  	p1 =	slt.u32 s9, $0xF7A;
	s5 =	simm.s32 @!p2 $0x0  }
0x1d: {  	s5 =	simm.s32 @p1 $0x1;
	p0 =	seq.s32 s7, s2  }
0x1e: {  	s7 =	smul.u32 @!p0 $0xF7A, s2;
	p2 =	seq.s32 @!p0 s5, $0x0  }
0x1f: {  	s9 =	smul.u32 $0xF7A, s1;
	s8 =	simm.s32 @!p0 $0x1BF5;
	p2 =	por !p2, p0  }
0x20: {  	[sflag:s8] =	ssyncset.s32 @!p0 $0xFFFFF086;
	s6 =	sadd.s32 @!p0 s3, s7;
	s7 =	simm.s32 @!p0 $0x108  }
0x21: {  	s3 =	sadd.s32 s3, s9;
	s6 =	sadd.s32 @!p0 $0x88, s6;
	s7 =	simm.s32 @p2 $0x1082  }
0x22: {  	[simem:s7], [sflag:s8] =	dma.local @!p0 [hbm:s6], $0xF7A  }
0x23: {  	s9 =	sor.u32 $0xD0000000, s2;
	s6 =	simm.s32 $0x108;
	_ =	swait.ge @!p0 [sflag:s8], $0x0  }
0x24: {  	s3 =	sadd.s32 $0x88, s3;
	s6 =	simm.s32 @!p1 $0x1082;
	[sflag:s4] =	ssyncset.s32 $0xFFFFF086  }
0x25: {  	[simem:s6], [sflag:s4] =	dma.local [hbm:s3], $0xF7A  }
0x26: {  	[smem:$0x3F8E] =	sst s1;
	(tag) =	ssettag s2;
	_ =	strace s9  }
0x27: {  	s1 =	sld [smem:$0x3F9E]  }
0x28: {  	s2 =	sld [smem:$0x3F9F]  }
0x29: {  	s4 =	sld [smem:$0x3FA1]  }
0x2a: {  	p0 =	seq.s32 s5, $0x0;
	s5 =	sld [smem:$0x3FA2]  }
0x2b: {  	s6 =	sld [smem:$0x3FA3]  }
0x2c: {  	s7 =	sld [smem:$0x3FA4]  }
0x2d: {  	s3 =	simm.s32 $0x108;
	s8 =	sld [smem:$0x3FA5]  }
0x2e: {  	s3 =	simm.s32 @!p0 $0x1082;
	s9 =	sld [smem:$0x3FA6]  }
0x2f: {  	lr =	sadd.s32 s0, s3;
	s0 =	sld [smem:$0x3F9D]  }
0x30: {  	s3 =	sld [smem:$0x3FA0]  }
0x31: {  	[smem:$0x3FA9] =	sst s10  }
0x32: {  	s10 =	sld [smem:$0x3FA7];
	_ =	sdelay $0x3  }
0x33: {  	p0 =	seq.s32 s10, $0x1;
	s10 =	sld [smem:$0x3FA9];
	_ =	sdelay $0x3  }
0x34: {  	[smem:$0x3FA9] =	sst s10  }
0x35: {  	s10 =	sld [smem:$0x3FA8];
	_ =	sdelay $0x3  }
0x36: {  	p1 =	seq.s32 s10, $0x1;
	s10 =	sld [smem:$0x3FA9];
	_ =	sdelay $0x3  }
0x37: {  	[smem:$0x3FA9] =	sst s10  }
0x38: {  	s10 =	sld [smem:$0x3FAA]  }
0x39: {  	_ = 	snop;
	(pc) =	sbr.ind lr, $3  }
0x3a: {  	_ = 	snop  }
0x3b: {  	_ = 	snop  }
0x3c: {  	p2 =	seq.s32 s10, $0x1;
	s10 =	sld [smem:$0x3FA9]  }
0x3d: {  	_ =	shalt  }
0x3e: {  	_ =	shalt  }
0x3f: {  	_ =	shalt  }
0x40: {  	_ =	shalt  }
0x41: {  	_ =	shalt  }
0x42: {  	_ =	shalt  }
0x43: {  	_ =	shalt  }
0x44: {  	_ =	shalt  }
0x45: {  	_ =	shalt  }
0x46: {  	_ =	shalt  }
0x47: {  	_ =	shalt  }
0x48: {  	_ =	shalt  }
0x49: {  	_ =	shalt  }
0x4a: {  	_ =	shalt  }
0x4b: {  	_ =	shalt  }
0x4c: {  	_ =	shalt  }
0x4d: {  	_ =	shalt  }
0x4e: {  	_ =	shalt  }
0x4f: {  	_ =	shalt  }
0x50: {  	_ =	shalt  }
0x51: {  	_ =	shalt  }
0x52: {  	_ =	shalt  }
0x53: {  	_ =	shalt  }
0x54: {  	_ =	shalt  }
0x55: {  	_ =	shalt  }
0x56: {  	_ =	shalt  }
0x57: {  	_ =	shalt  }
0x58: {  	_ =	shalt  }
0x59: {  	_ =	shalt  }
0x5a: {  	_ =	shalt  }
0x5b: {  	_ =	shalt  }
0x5c: {  	_ =	shalt  }
0x5d: {  	_ =	shalt  }
0x5e: {  	_ =	shalt  }
0x5f: {  	_ =	shalt  }
0x60: {  	_ =	shalt  }
0x61: {  	_ =	shalt  }
0x62: {  	_ =	shalt  }
0x63: {  	_ =	shalt  }
0x64: {  	_ =	shalt  }
0x65: {  	_ =	shalt  }
0x66: {  	_ =	shalt  }
0x67: {  	_ =	shalt  }
0x68: {  	_ =	shalt  }
0x69: {  	_ =	shalt  }
0x6a: {  	_ =	shalt  }
0x6b: {  	_ =	shalt  }
0x6c: {  	_ =	shalt  }
0x6d: {  	_ =	shalt  }
0x6e: {  	_ =	shalt  }
0x6f: {  	_ =	shalt  }
0x70: {  	_ =	shalt  }
0x71: {  	_ =	shalt  }
0x72: {  	_ =	shalt  }
0x73: {  	_ =	shalt  }
0x74: {  	_ =	shalt  }
0x75: {  	_ =	shalt  }
0x76: {  	_ =	shalt  }
0x77: {  	_ =	shalt  }
0x78: {  	_ =	shalt  }
0x79: {  	_ =	shalt  }
0x7a: {  	_ =	shalt  }
0x7b: {  	_ =	shalt  }
0x7c: {  	_ =	shalt  }
0x7d: {  	_ =	shalt  }
0x7e: {  	_ =	shalt  }
0x7f: {  	_ =	shalt  }
0x80: {  	_ =	shalt  }
0x81: {  	_ =	shalt  }
0x82: {  	_ =	shalt  }
0x83: {  	_ =	shalt  }
0x84: {  	_ =	shalt  }
0x85: {  	_ =	shalt  }
0x86: {  	_ =	shalt  }
0x87: {  	_ =	shalt  }
.Lfunc_end0:
.L_simem_size_0:
called_computation_lowered:
.L_overlay_start_0:
0x88: {  	s2 =	sld [smem:$0x3FD9]  }
0x89: {  	s3 =	sld [smem:$0x3FFE];
	_ =	sdelay $0x1  }
0x8a: {  	s1 =	srdreg.scid  }
0x8b: {  	s0 =	sand.u32 $0x1, s1  }
0x8c: {  	s16 =	sshll.u32 s0, $0xA;
	s2 =	sadd.s32 s3, s2  }
0x8d: {  	s2 =	sadd.s32 s2, s16  }
0x8e: {  	[smem:$0x3FB5] =	sst s2  }
0x8f: {  	_ = 	snop  }
0x90: {  	(tm) =	ssettm $0x1  }
0x91: {  	s17 =	sld [smem:$0x3FFB];
	_ =	sdelay $0x3  }
0x92: {  	_ =	strace s17  }
0x93: {  	s2 =	sld [smem:$0x3FFC];
	_ =	sdelay $0x3  }
0x94: {  	_ =	strace s2  }
0x95: {  	s2 =	sld [smem:$0x3FFD];
	_ =	sdelay $0x3  }
0x96: {  	_ =	strace s2  }
0x97: {  	_ =	strace $0x8FFFFFFF  }
0x98: {  	s18 =	sld [smem:$0x3FDB];
	_ =	sdelay $0x1  }
0x99: {  	s19 =	simm.s32 $_scs_section_size  }
0x9a: {  	s4 =	simm.s32 $_size__tile_overlayer_lowered;
	s5 =	simm.s32 $_tile_overlayer_lowered  }
0x9b: {  	s22 =	simm.s32 $0x1BFF;
	s21 =	sshll.u32 s5, $0x1;
	s2 =	sadd.s32 s19, s18  }
0x9c: {  	s6 =	simm.s32 $0x0;
	s20 =	sshll.u32 s4, $0x1;
	s4 =	sadd.s32 s21, s2  }
0x9d: {  	[timem:s6], [sflag:s22] =	dma.local [hbm:s4], s20  }
0x9e: {  	_ =	swait.ge [sflag:s22], s20  }
0x9f: {  	s3 =	ssub.s32 $0x0, s20;
	[sflag:s22] =	ssyncset.done $0x0  }
0xa0: {  	[sflag:s22] =	ssyncadd.s32 s3;
	_ =	sdelay $0x1  }
0xa1: {  	s23 =	simm.s32 $0x1B8B  }
0xa2: {  	_ =	swait.ge [sflag:s23], $0x1  }
0xa3: {  	[sflag:s23] =	ssyncset.done $0x0  }
0xa4: {  	s25 =	simm.s32 $0x1B8E;
	s24 =	sld [smem:$0x3FFE];
	[sflag:s23] =	ssyncadd.s32 $0xFFFFFFFF  }
0xa5: {  	s26 =	simm.s32 $execute0_lowered;
	[smem:$0x3FD2] =	sst s25  }
0xa6: {  	s4 =	sshll.u32 s26, $0x1;
	_ =	strace $0x80000049;
	[dreg:$0x1] =	wrdreg $0xFFFFFFFF  }
0xa7: {  	s28 =	simm.s32 $_size_execute0_lowered;
	s2 =	sadd.s32 s2, s4;
	[dreg:$0x0] =	wrdreg $0x0  }
0xa8: {  	s4 =	sshll.u32 s28, $0x1;
	[dreg:$0x2] =	wrdreg s2  }
0xa9: {  	[dreg:$0x3] =	wrdreg s4  }
0xaa: {  	[dreg:$0x4] =	wrdreg $0xC0  }
0xab: {  	_ =	task [dreg:s6], $0x5FFFF  }
0xac: {  	[dreg:$0x1] =	wrdreg $0xFFFFFFFF  }
0xad: {  	[dreg:$0x0] =	wrdreg $0x60  }
0xae: {  	[dreg:$0x2] =	wrdreg s24  }
0xaf: {  	[dreg:$0x3] =	wrdreg $0x9  }
0xb0: {  	_ =	task.clear_ibuf [dreg:s6], $0x4FFFF;
	_ =	strace $0x90000049  }
0xb1: {  	s29 =	simm.s32 $0x9;
	_ =	strace $0x8000004B  }
0xb2: {  	_ =	swait.ge [sflag:s29], $0x1  }
0xb3: {  	[sflag:s29] =	ssyncadd.s32 $0xFFFFFFFF  }
0xb4: {  	_ =	strace $0x9000004B  }
0xb5: {  	_ =	sfence  }
0xb6: {  	s30 =	sld [smem:$0x0];
	_ =	sdelay $0x2  }
0xb7: {  	s31 =	sshll.u32 s1, $0xD;
	s1 =	sshrl.u32 s1, $0x2  }
0xb8: {  	s3 =	sand.u32 $0x4000, s31;
	s1 =	sadd.s32 s1, s30  }
0xb9: {  	s0 =	sor.u32 s3, s0;
	s1 =	sshll.u32 s1, $0x11  }
0xba: {  	s0 =	sor.u32 s1, s0  }
0xbb: {  	s0 =	sadd.s32 $0x8F2B, s0  }
0xbc: {  	[sflag:s0] =	ssyncadd.remote.s32 $0x1  }
0xbd: {  	_ =	sfence.sel $0xFFFF  }
0xbe: {  	[dreg:$0x0] =	wrdreg $0xFFFFFFFF;
	(pc) =	sbr.abs _section_cstart, $3  }
0xbf: {  	[dreg:$0x1] =	wrdreg $0xFFFFFFFF  }
0xc0: {  	_ =	task.clear_ibuf [dreg:s6], $0x2FFFF;
	_ =	strace $0x9FFFFFFF  }
0xc1: {  	(tm) =	ssettm $0x7FFFFFFF  }
tec
execute0_lowered:
.L_overlay_start_1:
0x0: {  	(tag) =	ssettag $0x1  }
0x1: {  	s8 =	rddreg [dreg:$0x0]  }
0x2: {  	s0 =	rddreg [dreg:$0x1];
	_ =	strace $0x8000004A;
	s1 =	stileid.u32  }
0x3: {  	s3 =	srdreg.scid;
	s4 =	simm.s32 $0x1;
	s7 =	simm.s32 $0x1  }
0x4: {  	s9 =	simm.s32 $0x1;
	s10 =	simm.s32 $0x3;
	s13 =	simm.s32 $0x0  }
0x5: {  	s12 =	simm.s32 $0x0;
	s5 =	sand.u32 $0x1, s3;
	s6 =	sshll.u32 s1, $0x1  }
0x6: {  	s2 =	sadd.s32 $0x166600, s8;
	s3 =	sadd.s32 $0xA1A00, s8;
	s5 =	sor.u32 s6, s5  }
.Ltmp0:
0x7: {  	[sflag:s4] =	ssyncpa.u1 $0x0;
	p0 =	slt.u32 s5, $0x5;
	(pc) =	sbr.rel .LBB2_1-.Ltmp0, $4  }
0x8: {  	s6 =	simm.s32 $0x2;
	s7 =	simm.s32 @!p0 $0x0;
	p0 =	sne.s32 s5, $0x4  }
0x9: {  	[sflag:s6] =	ssyncpa.u1 $0x0;
	s5 =	smul.u32 $0x7530, s5;
	s9 =	simm.s32 @!p0 $0x0  }
0xa: {  	s8 =	sadd.s32 $0x2FFC00, s8;
	[sflag:s10] =	ssyncpa.u1 $0x0;
	s7 =	sadd.s32 s9, s7  }
0xb: {  	vm0 =	vmmov $0xffff;
	s10 =	simm.s32 $0x0;
	s11 =	smov.u32 s5;
	s9 =	sadd.s32 $0x1, s7  }
.LBB2_4:
0xc: {  	v2 =	vnsel vm1, $0x0, v2  }
0xd: {  	vm1 =	vgt.s32 v0, $0x0;
	v2 =	vmin.u32 v2, $0x7E8FFF  }
0xe: {  	v0 =	vnsel vm1, $0x0, v0  }
0xf: {  	v0 =	vmin.u32 v0, $0x7E8FFF  }
0x10: {  	[tilespmem:s18], [sflag:$0x1] =	stream.indirect_vreg.gather [hbm4b:s2+s10], $0x1, v1, vm0, $0x4038;
	[tilespmem:$0x1D4C0] =	vst v63  }
0x11: {  	(ifvalue) =	ssetifvalue $0x7FFFFFFF  }
0x12: {  	[tilespmem:s15], [sflag:$0x1] =	stream.indirect_vreg.gather [hbm4b:s2+s10], $0x1, v2, vm0, $0x4038;
	[tilespmem:$0x1D4C0] =	vst v63  }
0x13: {  	s29 =	sadd.s32 $0x10, s15;
	(ifvalue) =	ssetifvalue $0x7FFFFFFF  }
0x14: {  	[tilespmem:s29], [sflag:$0x1] =	stream.indirect_vreg.gather [hbm4b:s2+s10], $0x1, v0, vm0, $0x4038;
	[tilespmem:$0x1D4C0] =	vst v63  }
0x15: {  	_ =	swait.ge [sflag:s4], $0x7530  }
0x16: {  	s30 =	sshrl.u32 s13, $0x3;
	[sflag:s4] =	ssyncset.done $0x0  }
0x17: {  	s31 =	sand.u32 $0x7, s13;
	s15 =	sadd.s32 s8, s30;
	[sflag:s4] =	ssyncadd.s32 $0xFFFF8AD0  }
0x18: {  	[hbm4b:s15+s31] =	stream.linear.scatter [tilespmem:s14], [sflag:$0x3], $0x7530, $0x38;
	[tilespmem:$0x1D4C0] =	vst v63  }
.LBB2_5:
0x19: {  	s15 =	sadd.s32 $0xEA600, s11  }
0x1a: {  	p1 =	sgt.s32 s15, $0x107ABF  }
0x1b: {  	s15 =	smov.u32 @p1 s5;
	p1 =	sne.s32 s12, s9  }
.Ltmp1:
0x1c: {  	p0 =	slt.u32 s12, $0x2;
	(pc) =	sbr.rel @!p1 .LBB2_6-.Ltmp1, $4  }
0x1d: {  	s14 =	simm.s32 @!p0 $0x3  }
0x1e: {  	_ =	swait.ge @!p0 [sflag:s14], $0x7530  }
0x1f: {  	s16 =	sadd.s32 $0x1, s12;
	s13 =	smov.u32 s11;
	[sflag:s14] =	ssyncset.done @!p0 $0x0  }
0x20: {  	s12 =	smov.u32 s16;
	s11 =	smov.u32 s15;
	[sflag:s14] =	ssyncadd.s32 @!p0 $0xFFFF8AD0  }
.LBB2_1:
0x21: {  	p0 =	sge.u32 s12, s7  }
0x22: {  	s14 =	sxor.u32 @!p0 $0x1, s12  }
0x23: {  	s14 =	smul.u32 @!p0 $0x1D4C0, s14  }
0x24: {  	s31 =	sadd.s32 $0xFFFFFFFF, s12;
	s15 =	sshrl.u32 @!p0 s11, $0x3  }
0x25: {  	s16 =	sand.u32 @!p0 $0x7, s11;
	s15 =	sadd.s32 @!p0 s3, s15;
	s14 =	sshra.s32 @!p0 s14, $0x2  }
0x26: {  	[tilespmem:s14], [sflag:$0x2] =	stream.linear.gather @!p0 [hbm4b:s15+s16], $0x7530, $0x38;
	[tilespmem:$0x1D4C0] =	vst v63  }
0x27: {  	p0 =	sge.u32 s31, s7  }
.Ltmp2:
0x28: {  	_ = 	snop;
	(pc) =	sbr.rel @p0 .LBB2_5-.Ltmp2, $1  }
0x29: {  	_ =	sdelay $0x3  }
0x2a: {  	s14 =	sand.u32 $0x1, s12  }
0x2b: {  	_ =	swait.ge [sflag:s6], $0x7530;
	p0 =	seq.s32 s14, $0x1;
	s14 =	simm.s32 $0x7530  }
0x2c: {  	[sflag:s6] =	ssyncset.done $0x0;
	s14 =	simm.s32 @!p0 $0x0  }
0x2d: {  	[sflag:s6] =	ssyncadd.s32 $0xFFFF8AD0;
	(ifvalue) =	ssetifvalue $0x7FFFFFFF;
	v0 =	vld.msk [tilespmem:s14+$0x0 ss:$0x1], $0xffff;
	_ =	sdelay $0x4  }
0x2e: {  	s15 =	sadd.s32 $0x10, s14;
	vm1 =	vgt.s32 v0, $0x0  }
0x2f: {  	v2 =	vld.msk [tilespmem:s15+$0x0 ss:$0x1], $0xffff;
	v1 =	vnsel vm1, $0x0, v0  }
0x30: {  	v1 =	vmin.u32 v1, $0x7E8FFF;
	_ =	sdelay $0x2  }
0x31: {  	s17 =	simm.s32 $0x20;
	s14 =	sadd.s32 $0xEA60, s14;
	s16 =	sadd.s32 $0x10, s15  }
0x32: {  	s15 =	sadd.s32 $0x10, s14;
	s18 =	smov.u32 s14;
	v0 =	vld.msk [tilespmem:s16+$0x0 ss:$0x1], $0xffff;
	vm1 =	vgt.s32 v2, $0x0;
	(ifvalue) =	ssetifvalue $0x7FFFFFFF  }
.LBB2_3:
0x33: {  	[tilespmem:s18], [sflag:$0x1] =	stream.indirect_vreg.gather [hbm4b:s2+s10], $0x1, v1, vm0, $0x4038;
	[tilespmem:$0x1D4C0] =	vst v63  }
0x34: {  	s17 =	sadd.s32 $0x10, s17  }
0x35: {  	v2 =	vnsel vm1, $0x0, v2;
	p0 =	slt.u32 s17, $0x7520  }
.Ltmp3:
0x36: {  	s18 =	smov.u32 s15;
	v1 =	vmin.u32 v2, $0x7E8FFF;
	(pc) =	sbr.rel @p0 .LBB2_3-.Ltmp3, $3  }
0x37: {  	_ =	sdelay $0x1  }
0x38: {  	s16 =	sadd.s32 $0x10, s16  }
0x39: {  	vm1 =	vgt.s32 v0, $0x0;
	s15 =	sadd.s32 $0x10, s15;
	v2 =	vmov v0;
	(ifvalue) =	ssetifvalue $0x7FFFFFFF;
	v0 =	vld.msk [tilespmem:s16+$0x0 ss:$0x1], $0xffff  }
.Ltmp4:
0x3a: {  	_ = 	snop;
	(pc) =	sbr.rel .LBB2_4-.Ltmp4, $1  }
0x3b: {  	_ =	sdelay $0x3  }
.LBB2_6:
0x3c: {  	_ =	sfence.sel $0x180000  }
0x3d: {  	s2 =	simm.s32 $0x2;
	[bflag:$0x0] =	sbarrier.arrive $0xFFFF  }
0x3e: {  	s30 =	simm.s32 $0x3;
	[sflag:s2] =	ssyncpa.u1 $0x1  }
0x3f: {  	s31 =	simm.s32 $0x1;
	[sflag:s30] =	ssyncpa.u1 $0x1  }
0x40: {  	[sflag:s31] =	ssyncpa.u1 $0x1  }
0x41: {  	p0 =	sne.s32 s1, $0x0;
	_ =	strace $0x9000004A  }
0x42: {  	s0 =	sadd.s32 @!p0 $0x100000, s0;
	[bflag:$0x2] =	sbarrier.arrive $0xFFFF  }
0x43: {  	[sflag:s0] =	ssyncadd.tile.s32 @!p0 $0x1;
	_ =	shalt  }
.Lfunc_end2:
_tile_overlayer_lowered:
.L_overlay_start_2:
0x44: {  	(tag) =	ssettag $0x2  }
0x45: {  	s0 =	rddreg [dreg:$0x0];
	s2 =	stileid.u32  }
0x46: {  	s1 =	rddreg [dreg:$0x1];
	p0 =	sne.s32 s2, $0x0  }
0x47: {  	s3 =	rddreg [dreg:$0x2];
	[bflag:$0x3] =	sbarrier.arrive $0xFFFF;
	s2 =	simm.s32 @!p0 $0x1C01  }
0x48: {  	[timem:s3], [sflag:s2] =	dma.local @!p0 [hbm:s0], s1  }
0x49: {  	s0 =	simm.s32 @!p0 $0x1  }
0x4a: {  	_ =	swait.ge @!p0 [sflag:s0], s1  }
0x4b: {  	s1 =	ssub.s32 @!p0 $0x0, s1;
	[sflag:s0] =	ssyncset.done @!p0 $0x0  }
0x4c: {  	[sflag:s0] =	ssyncadd.s32 @!p0 s1  }
0x4d: {  	[bflag:$0x3] =	sbarrier.arrive $0xFFFF  }
0x4e: {  	_ =	shalt  }

</sc_bundles>
